<compile_context>
chip_gen: v7x
topology: tpu7x:2x2x1
jax: 0.10.2.dev20260603
libtpu: 0.0.44.dev20260713+nightly
codegen_flags: <defaults>
</compile_context>

<pallas_src>
import functools

import numpy as np
import jax
import jax.numpy as jnp
from jax import lax
from jax.experimental import pallas as pl
from jax.experimental.pallas import tpu as pltpu
from jax.experimental.pallas import tpu_sc as plsc

_N = 10000
_L = 16


def _pos_encoding(seq_len: int, d: int) -> np.ndarray:
    k = np.arange(seq_len, dtype=np.float64)[:, None]
    i = np.arange(d // 2, dtype=np.float64)[None, :]
    denom = np.power(float(_N), 2.0 * i / d)
    p = np.zeros((seq_len, d), dtype=np.float32)
    p[:, 0::2] = np.sin(k / denom).astype(np.float32)
    p[:, 1::2] = np.cos(k / denom).astype(np.float32)
    return p


@functools.lru_cache(maxsize=None)
def _build(B: int, S: int, D: int, V: int):
    nc, ns = 2, 16
    nw = nc * ns
    assert B % nw == 0 and S % 2 == 0 and D % _L == 0
    bw = B // nw
    assert bw == 128 and D % 8 == 0

    mesh = plsc.VectorSubcoreMesh(
        core_axis_name="c", subcore_axis_name="s", num_cores=nc, num_subcores=ns)

    @functools.partial(
        pl.kernel,
        out_type=jax.ShapeDtypeStruct((S, D // 8, B // 128, 8, 128), jnp.float32),
        mesh=mesh,
        compiler_params=pltpu.CompilerParams(
            use_tc_tiling_on_sc=False, needs_layout_passes=False),
        scratch_types=[
            pltpu.VMEM((S, bw), jnp.int32),
            pltpu.VMEM((S, D + _L), jnp.float32),
            [pltpu.VMEM((bw, D), jnp.float32) for _ in range(2)],
            [pltpu.VMEM((D, bw + 1), jnp.float32) for _ in range(2)],
            [pltpu.SemaphoreType.DMA for _ in range(2)],
            [pltpu.SemaphoreType.DMA for _ in range(2)],
        ],
    )
    def fn(xt_hbm, pe_hbm, table_hbm, out_hbm, idx_v, pe_v, rows, obufs, gsems, ssems):
        wid = lax.axis_index("s") * nc + lax.axis_index("c")
        b0 = wid * bw
        pltpu.sync_copy(xt_hbm.at[:, pl.ds(b0, bw)], idx_v)
        pltpu.sync_copy(pe_hbm, pe_v.at[:, pl.ds(0, D)])

        def gather_start(s, par):
            pltpu.async_copy(table_hbm.at[idx_v.at[s]], rows[par], gsems[par])

        def gather_wait(s, par):
            pltpu.make_async_copy(
                table_hbm.at[idx_v.at[s]], rows[par], gsems[par]).wait()

        def scatter_start(s, par):
            for dh in range(D // 8):
                pltpu.async_copy(
                    obufs[par].at[pl.ds(dh * 8, 8), pl.ds(0, bw)],
                    out_hbm.at[s, dh, wid], ssems[par])

        def scatter_wait(s, par):
            for dh in range(D // 8):
                pltpu.make_async_copy(
                    obufs[par].at[pl.ds(dh * 8, 8), pl.ds(0, bw)],
                    out_hbm.at[s, dh, wid], ssems[par]).wait()

        n_q = D // _L
        lanes = lax.iota(jnp.int32, _L)
        dvecs = [lanes + q * _L for q in range(n_q)]

        def assemble(s, par):
            src, dst = rows[par], obufs[par]
            pv = [pe_v[s, pl.ds(q * _L, _L)] for q in range(n_q)]

            @plsc.parallel_loop(0, bw, 1, unroll=8)
            def _(b):
                bvec = jnp.full((_L,), b, jnp.int32)
                for q in range(n_q):
                    v = src[b, pl.ds(q * _L, _L)] + pv[q]
                    plsc.store_scatter(dst, [dvecs[q], bvec], v)

        gather_start(0, 0)
        gather_start(1, 1)

        @pl.loop(0, S, step=2)
        def _(ss):
            for par in range(2):
                s = ss + par
                gather_wait(s, par)

                @pl.when(ss > 0)
                def _():
                    scatter_wait(s, par)

                assemble(s, par)
                scatter_start(s, par)

                @pl.when(ss < S - 2)
                def _():
                    gather_start(s + 2, par)

        for par in range(2):
            scatter_wait(par, par)

    return fn


def kernel(x, table):
    B, S = x.shape
    V, D = table.shape
    pe = jnp.asarray(_pos_encoding(S, D))
    fn = _build(B, S, D, V)
    out = fn(jnp.swapaxes(x, 0, 1), pe, table)
    out = jnp.transpose(out, (2, 4, 0, 1, 3))
    return jnp.reshape(out, (B, S, D))

# --- scband reference (transcript-rebuilt; emitter-appended) ---
"""Pipeline reference for scband-word-embedding-80504866996649 (READ-ONLY COPY).

The authoritative reference and input builder live on the scoring server;
editing this copy changes nothing except your own understanding.
"""

import jax, jax.numpy as jnp
import numpy as np

SEQ_LEN = 200
VOCAB = 1000000
DIM = 64
BATCH = 4096

def get_positional_encoding(seq_len, d, n=10000):
    k = np.arange(seq_len, dtype=np.float64)[:, None]
    i = np.arange(d // 2, dtype=np.float64)[None, :]
    denom = np.power(float(n), 2.0 * i / d)
    P = np.zeros((seq_len, d), dtype=np.float32)
    P[:, 0::2] = np.sin(k / denom).astype(np.float32)
    P[:, 1::2] = np.cos(k / denom).astype(np.float32)
    return jnp.asarray(P)

def setup_inputs(seed: int = 0):
    key = jax.random.key(seed)
    k1, k2 = jax.random.split(key)
    x = jax.random.randint(k1, (BATCH, SEQ_LEN), 0, VOCAB, dtype=jnp.int32)
    table = jax.random.normal(k2, (VOCAB, DIM), dtype=jnp.float32) * 0.02
    return {"x": x, "table": table}

def reference(x, table):
    P = get_positional_encoding(SEQ_LEN, DIM)
    emb = jnp.take(table, x, axis=0)
    return emb + P[None, :, :]

if __name__ == "__main__":
    import jax
    _d = setup_inputs()
    print(jax.jit(kernel)(*tuple(_d.values())))

</pallas_src>

<mosaic_0001>
#map = affine_map<(d0, d1) -> (0, 0)>
#map1 = affine_map<(d0, d1) -> (0, 0, 0, 0, 0)>
module attributes {stable_mosaic.version = 14 : i64} {
  func.func @fn(%arg0: i32, %arg1: i32, %arg2: memref<200x4096xi32, #tpu.memory_space<hbm>>, %arg3: memref<200x64xf32, #tpu.memory_space<hbm>>, %arg4: memref<1000000x64xf32, #tpu.memory_space<hbm>>, %arg5: memref<200x8x32x8x128xf32, #tpu.memory_space<hbm>>, %arg6: memref<200x128xi32, #tpu.memory_space<vmem>>, %arg7: memref<200x80xf32, #tpu.memory_space<vmem>>, %arg8: memref<128x64xf32, #tpu.memory_space<vmem>>, %arg9: memref<128x64xf32, #tpu.memory_space<vmem>>, %arg10: memref<64x129xf32, #tpu.memory_space<vmem>>, %arg11: memref<64x129xf32, #tpu.memory_space<vmem>>, %arg12: memref<!tpu.dma_semaphore, #tpu.memory_space<semaphore_mem>>, %arg13: memref<!tpu.dma_semaphore, #tpu.memory_space<semaphore_mem>>, %arg14: memref<!tpu.dma_semaphore, #tpu.memory_space<semaphore_mem>>, %arg15: memref<!tpu.dma_semaphore, #tpu.memory_space<semaphore_mem>>) attributes {dimension_semantics = [#tpu.dimension_semantics<core_parallel>, #tpu.dimension_semantics<subcore_parallel>], iteration_bounds = array<i64: 2, 16>, scalar_prefetch = 0 : i64, scratch_operands = 10 : i64, tpu.core_type = #tpu.core_type<sc_vector_subcore>, window_params = [{transform_indices = #map}, {transform_indices = #map}, {transform_indices = #map}, {transform_indices = #map1}]} {
    %mul3A = arith.constant 2 : i32
    %mul3A_0 = arith.muli %arg1, %mul3A : i32
    %add3A = arith.addi %mul3A_0, %arg0 : i32
    %mul3A_1 = arith.constant 128 : i32
    %mul3A_2 = arith.muli %add3A, %mul3A_1 : i32
    "tpu.region"() ({
      %run_scoped3A = tpu.sem_alloc : memref<!tpu.dma_semaphore, #tpu.memory_space<semaphore_mem>>
      %dma_start3A_287 = arith.constant 0 : i32
      %dma_start3A_288 = tpu.memref_slice %arg2[%dma_start3A_287, %mul3A_2] : memref<200x4096xi32, #tpu.memory_space<hbm>> -> memref<200x128xi32, #tpu.memory_space<hbm>>
      %dma_start3A_289 = arith.constant 0 : i32
      %dma_start3A_290 = tpu.memref_slice %arg2[%dma_start3A_289, %mul3A_2] : memref<200x4096xi32, #tpu.memory_space<hbm>> -> memref<200x128xi32, #tpu.memory_space<hbm>>
      tpu.enqueue_dma source(%dma_start3A_290 : memref<200x128xi32, #tpu.memory_space<hbm>>) target(%arg6 : memref<200x128xi32, #tpu.memory_space<vmem>>) target_semaphore(%run_scoped3A : memref<!tpu.dma_semaphore, #tpu.memory_space<semaphore_mem>>)
      %dma_wait3A_291 = arith.constant 0 : i32
      %dma_wait3A_292 = tpu.memref_slice %arg2[%dma_wait3A_291, %mul3A_2] : memref<200x4096xi32, #tpu.memory_space<hbm>> -> memref<200x128xi32, #tpu.memory_space<hbm>>
      %dma_wait3A_293 = arith.constant 0 : i32
      %dma_wait3A_294 = tpu.memref_slice %arg2[%dma_wait3A_293, %mul3A_2] : memref<200x4096xi32, #tpu.memory_space<hbm>> -> memref<200x128xi32, #tpu.memory_space<hbm>>
      tpu.wait_dma2 semaphore(%run_scoped3A : memref<!tpu.dma_semaphore, #tpu.memory_space<semaphore_mem>>) src(%dma_wait3A_294 : memref<200x128xi32, #tpu.memory_space<hbm>>) dst(%arg6 : memref<200x128xi32, #tpu.memory_space<vmem>>)
      tpu.yield
    }) : () -> ()
    "tpu.region"() ({
      %run_scoped3A = tpu.sem_alloc : memref<!tpu.dma_semaphore, #tpu.memory_space<semaphore_mem>>
      %dma_start3A_287 = arith.constant 0 : i32
      %dma_start3A_288 = arith.constant 0 : i32
      %dma_start3A_289 = tpu.memref_slice %arg7[%dma_start3A_287, %dma_start3A_288] : memref<200x80xf32, #tpu.memory_space<vmem>> -> memref<200x64xf32, #tpu.memory_space<vmem>>
      %dma_start3A_290 = arith.constant 0 : i32
      %dma_start3A_291 = arith.constant 0 : i32
      %dma_start3A_292 = tpu.memref_slice %arg7[%dma_start3A_290, %dma_start3A_291] : memref<200x80xf32, #tpu.memory_space<vmem>> -> memref<200x64xf32, #tpu.memory_space<vmem>>
      tpu.enqueue_dma source(%arg3 : memref<200x64xf32, #tpu.memory_space<hbm>>) target(%dma_start3A_292 : memref<200x64xf32, #tpu.memory_space<vmem>>) target_semaphore(%run_scoped3A : memref<!tpu.dma_semaphore, #tpu.memory_space<semaphore_mem>>)
      %dma_wait3A_293 = arith.constant 0 : i32
      %dma_wait3A_294 = arith.constant 0 : i32
      %dma_wait3A_295 = tpu.memref_slice %arg7[%dma_wait3A_293, %dma_wait3A_294] : memref<200x80xf32, #tpu.memory_space<vmem>> -> memref<200x64xf32, #tpu.memory_space<vmem>>
      %dma_wait3A_296 = arith.constant 0 : i32
      %dma_wait3A_297 = arith.constant 0 : i32
      %dma_wait3A_298 = tpu.memref_slice %arg7[%dma_wait3A_296, %dma_wait3A_297] : memref<200x80xf32, #tpu.memory_space<vmem>> -> memref<200x64xf32, #tpu.memory_space<vmem>>
      tpu.wait_dma2 semaphore(%run_scoped3A : memref<!tpu.dma_semaphore, #tpu.memory_space<semaphore_mem>>) src(%arg3 : memref<200x64xf32, #tpu.memory_space<hbm>>) dst(%dma_wait3A_298 : memref<200x64xf32, #tpu.memory_space<vmem>>)
      tpu.yield
    }) : () -> ()
    %iota3A = tpu.iota {dimensions = array<i32: 0>} : vector<16xi32>
    %add3A_3 = arith.constant 0 : i32
    %add3A_4 = vector.broadcast %add3A_3 : i32 to vector<16xi32>
    %add3A_5 = arith.addi %iota3A, %add3A_4 : vector<16xi32>
    %add3A_6 = arith.constant 16 : i32
    %add3A_7 = vector.broadcast %add3A_6 : i32 to vector<16xi32>
    %add3A_8 = arith.addi %iota3A, %add3A_7 : vector<16xi32>
    %add3A_9 = arith.constant 32 : i32
    %add3A_10 = vector.broadcast %add3A_9 : i32 to vector<16xi32>
    %add3A_11 = arith.addi %iota3A, %add3A_10 : vector<16xi32>
    %add3A_12 = arith.constant 48 : i32
    %add3A_13 = vector.broadcast %add3A_12 : i32 to vector<16xi32>
    %add3A_14 = arith.addi %iota3A, %add3A_13 : vector<16xi32>
    %dma_start3A = arith.constant 0 : i32
    %dma_start3A_15 = arith.constant 0 : i32
    %dma_start3A_16 = tpu.memref_slice %arg6[%dma_start3A, %dma_start3A_15] : memref<200x128xi32, #tpu.memory_space<vmem>> -> memref<1x128xi32, #tpu.memory_space<vmem>>
    %dma_start3A_17 = tpu.memref_squeeze %dma_start3A_16 : memref<1x128xi32, #tpu.memory_space<vmem>> -> memref<128xi32, #tpu.memory_space<vmem>>
    %dma_start3A_18 = arith.constant 0 : i32
    %dma_start3A_19 = arith.constant 0 : i32
    %dma_start3A_20 = tpu.memref_slice %arg4[%dma_start3A_18, %dma_start3A_19] : memref<1000000x64xf32, #tpu.memory_space<hbm>> -> memref<1000000x64xf32, #tpu.memory_space<hbm>>
    tpu.enqueue_indirect_dma source(%dma_start3A_20 : memref<1000000x64xf32, #tpu.memory_space<hbm>>) target(%arg8 : memref<128x64xf32, #tpu.memory_space<vmem>>) offsets(%dma_start3A_17 : memref<128xi32, #tpu.memory_space<vmem>>) semaphore(%arg12 : memref<!tpu.dma_semaphore, #tpu.memory_space<semaphore_mem>>)
    %dma_start3A_21 = arith.constant 1 : i32
    %dma_start3A_22 = arith.constant 0 : i32
    %dma_start3A_23 = tpu.memref_slice %arg6[%dma_start3A_21, %dma_start3A_22] : memref<200x128xi32, #tpu.memory_space<vmem>> -> memref<1x128xi32, #tpu.memory_space<vmem>>
    %dma_start3A_24 = tpu.memref_squeeze %dma_start3A_23 : memref<1x128xi32, #tpu.memory_space<vmem>> -> memref<128xi32, #tpu.memory_space<vmem>>
    %dma_start3A_25 = arith.constant 0 : i32
    %dma_start3A_26 = arith.constant 0 : i32
    %dma_start3A_27 = tpu.memref_slice %arg4[%dma_start3A_25, %dma_start3A_26] : memref<1000000x64xf32, #tpu.memory_space<hbm>> -> memref<1000000x64xf32, #tpu.memory_space<hbm>>
    tpu.enqueue_indirect_dma source(%dma_start3A_27 : memref<1000000x64xf32, #tpu.memory_space<hbm>>) target(%arg9 : memref<128x64xf32, #tpu.memory_space<vmem>>) offsets(%dma_start3A_24 : memref<128xi32, #tpu.memory_space<vmem>>) semaphore(%arg13 : memref<!tpu.dma_semaphore, #tpu.memory_space<semaphore_mem>>)
    %scan3A = arith.constant 0 : i32
    %scan3A_28 = arith.constant 100 : i32
    %scan3A_29 = arith.addi %scan3A, %scan3A_28 : i32
    %scan3A_30 = arith.constant 1 : i32
    scf.for %scan3A_287 = %scan3A to %scan3A_29 step %scan3A_30  : i32 {
      %mul3A_288 = arith.constant 2 : i32
      %mul3A_289 = arith.muli %scan3A_287, %mul3A_288 : i32
      %add3A_290 = arith.constant 0 : i32
      %add3A_291 = arith.addi %add3A_290, %mul3A_289 : i32
      %add3A_292 = arith.constant 0 : i32
      %add3A_293 = arith.addi %add3A_291, %add3A_292 : i32
      %dma_wait3A_294 = arith.constant 0 : i32
      %dma_wait3A_295 = tpu.memref_slice %arg6[%add3A_293, %dma_wait3A_294] : memref<200x128xi32, #tpu.memory_space<vmem>> -> memref<1x128xi32, #tpu.memory_space<vmem>>
      %dma_wait3A_296 = tpu.memref_squeeze %dma_wait3A_295 : memref<1x128xi32, #tpu.memory_space<vmem>> -> memref<128xi32, #tpu.memory_space<vmem>>
      %dma_wait3A_297 = arith.constant 0 : i32
      %dma_wait3A_298 = arith.constant 0 : i32
      %dma_wait3A_299 = tpu.memref_slice %arg4[%dma_wait3A_297, %dma_wait3A_298] : memref<1000000x64xf32, #tpu.memory_space<hbm>> -> memref<1000000x64xf32, #tpu.memory_space<hbm>>
      tpu.wait_indirect_dma semaphore(%arg12 : memref<!tpu.dma_semaphore, #tpu.memory_space<semaphore_mem>>) src(%dma_wait3A_299 : memref<1000000x64xf32, #tpu.memory_space<hbm>>) dst(%arg8 : memref<128x64xf32, #tpu.memory_space<vmem>>)
      %gt3A = arith.constant 0 : i32
      %gt3A_300 = arith.cmpi sgt, %add3A_291, %gt3A : i32
      %convert_element_type3A = arith.extui %gt3A_300 : i1 to i32
      %cond3A = arith.constant 0 : i32
      %cond3A_301 = arith.cmpi ne, %convert_element_type3A, %cond3A : i32
      scf.if %cond3A_301 {
        %dma_wait3A_592 = arith.constant 0 : i32
        %dma_wait3A_593 = arith.constant 0 : i32
        %dma_wait3A_594 = arith.constant 0 : i32
        %dma_wait3A_595 = tpu.memref_slice %arg10[%dma_wait3A_593, %dma_wait3A_594] : memref<64x129xf32, #tpu.memory_space<vmem>> -> memref<8x128xf32, #tpu.memory_space<vmem>>
        %dma_wait3A_596 = arith.constant 0 : i32
        %dma_wait3A_597 = arith.constant 0 : i32
        %dma_wait3A_598 = tpu.memref_slice %arg5[%add3A_293, %dma_wait3A_592, %add3A, %dma_wait3A_596, %dma_wait3A_597] : memref<200x8x32x8x128xf32, #tpu.memory_space<hbm>> -> memref<1x1x1x8x128xf32, #tpu.memory_space<hbm>>
        %dma_wait3A_599 = tpu.memref_squeeze %dma_wait3A_598 : memref<1x1x1x8x128xf32, #tpu.memory_space<hbm>> -> memref<8x128xf32, #tpu.memory_space<hbm>>
        %dma_wait3A_600 = arith.constant 0 : i32
        %dma_wait3A_601 = arith.constant 0 : i32
        %dma_wait3A_602 = tpu.memref_slice %arg5[%add3A_293, %dma_wait3A_592, %add3A, %dma_wait3A_600, %dma_wait3A_601] : memref<200x8x32x8x128xf32, #tpu.memory_space<hbm>> -> memref<1x1x1x8x128xf32, #tpu.memory_space<hbm>>
        %dma_wait3A_603 = tpu.memref_squeeze %dma_wait3A_602 : memref<1x1x1x8x128xf32, #tpu.memory_space<hbm>> -> memref<8x128xf32, #tpu.memory_space<hbm>>
        %dma_wait3A_604 = arith.constant 0 : i32
        %dma_wait3A_605 = arith.constant 0 : i32
        %dma_wait3A_606 = tpu.memref_slice %arg10[%dma_wait3A_604, %dma_wait3A_605] : memref<64x129xf32, #tpu.memory_space<vmem>> -> memref<8x128xf32, #tpu.memory_space<vmem>>
        tpu.wait_dma2 semaphore(%arg14 : memref<!tpu.dma_semaphore, #tpu.memory_space<semaphore_mem>>) src(%dma_wait3A_606 : memref<8x128xf32, #tpu.memory_space<vmem>>) dst(%dma_wait3A_603 : memref<8x128xf32, #tpu.memory_space<hbm>>)
        %dma_wait3A_607 = arith.constant 1 : i32
        %dma_wait3A_608 = arith.constant 8 : i32
        %dma_wait3A_609 = arith.constant 0 : i32
        %dma_wait3A_610 = tpu.memref_slice %arg10[%dma_wait3A_608, %dma_wait3A_609] : memref<64x129xf32, #tpu.memory_space<vmem>> -> memref<8x128xf32, #tpu.memory_space<vmem>>
        %dma_wait3A_611 = arith.constant 0 : i32
        %dma_wait3A_612 = arith.constant 0 : i32
        %dma_wait3A_613 = tpu.memref_slice %arg5[%add3A_293, %dma_wait3A_607, %add3A, %dma_wait3A_611, %dma_wait3A_612] : memref<200x8x32x8x128xf32, #tpu.memory_space<hbm>> -> memref<1x1x1x8x128xf32, #tpu.memory_space<hbm>>
        %dma_wait3A_614 = tpu.memref_squeeze %dma_wait3A_613 : memref<1x1x1x8x128xf32, #tpu.memory_space<hbm>> -> memref<8x128xf32, #tpu.memory_space<hbm>>
        %dma_wait3A_615 = arith.constant 0 : i32
        %dma_wait3A_616 = arith.constant 0 : i32
        %dma_wait3A_617 = tpu.memref_slice %arg5[%add3A_293, %dma_wait3A_607, %add3A, %dma_wait3A_615, %dma_wait3A_616] : memref<200x8x32x8x128xf32, #tpu.memory_space<hbm>> -> memref<1x1x1x8x128xf32, #tpu.memory_space<hbm>>
        %dma_wait3A_618 = tpu.memref_squeeze %dma_wait3A_617 : memref<1x1x1x8x128xf32, #tpu.memory_space<hbm>> -> memref<8x128xf32, #tpu.memory_space<hbm>>
        %dma_wait3A_619 = arith.constant 8 : i32
        %dma_wait3A_620 = arith.constant 0 : i32
        %dma_wait3A_621 = tpu.memref_slice %arg10[%dma_wait3A_619, %dma_wait3A_620] : memref<64x129xf32, #tpu.memory_space<vmem>> -> memref<8x128xf32, #tpu.memory_space<vmem>>
        tpu.wait_dma2 semaphore(%arg14 : memref<!tpu.dma_semaphore, #tpu.memory_space<semaphore_mem>>) src(%dma_wait3A_621 : memref<8x128xf32, #tpu.memory_space<vmem>>) dst(%dma_wait3A_618 : memref<8x128xf32, #tpu.memory_space<hbm>>)
        %dma_wait3A_622 = arith.constant 2 : i32
        %dma_wait3A_623 = arith.constant 16 : i32
        %dma_wait3A_624 = arith.constant 0 : i32
        %dma_wait3A_625 = tpu.memref_slice %arg10[%dma_wait3A_623, %dma_wait3A_624] : memref<64x129xf32, #tpu.memory_space<vmem>> -> memref<8x128xf32, #tpu.memory_space<vmem>>
        %dma_wait3A_626 = arith.constant 0 : i32
        %dma_wait3A_627 = arith.constant 0 : i32
        %dma_wait3A_628 = tpu.memref_slice %arg5[%add3A_293, %dma_wait3A_622, %add3A, %dma_wait3A_626, %dma_wait3A_627] : memref<200x8x32x8x128xf32, #tpu.memory_space<hbm>> -> memref<1x1x1x8x128xf32, #tpu.memory_space<hbm>>
        %dma_wait3A_629 = tpu.memref_squeeze %dma_wait3A_628 : memref<1x1x1x8x128xf32, #tpu.memory_space<hbm>> -> memref<8x128xf32, #tpu.memory_space<hbm>>
        %dma_wait3A_630 = arith.constant 0 : i32
        %dma_wait3A_631 = arith.constant 0 : i32
        %dma_wait3A_632 = tpu.memref_slice %arg5[%add3A_293, %dma_wait3A_622, %add3A, %dma_wait3A_630, %dma_wait3A_631] : memref<200x8x32x8x128xf32, #tpu.memory_space<hbm>> -> memref<1x1x1x8x128xf32, #tpu.memory_space<hbm>>
        %dma_wait3A_633 = tpu.memref_squeeze %dma_wait3A_632 : memref<1x1x1x8x128xf32, #tpu.memory_space<hbm>> -> memref<8x128xf32, #tpu.memory_space<hbm>>
        %dma_wait3A_634 = arith.constant 16 : i32
        %dma_wait3A_635 = arith.constant 0 : i32
        %dma_wait3A_636 = tpu.memref_slice %arg10[%dma_wait3A_634, %dma_wait3A_635] : memref<64x129xf32, #tpu.memory_space<vmem>> -> memref<8x128xf32, #tpu.memory_space<vmem>>
        tpu.wait_dma2 semaphore(%arg14 : memref<!tpu.dma_semaphore, #tpu.memory_space<semaphore_mem>>) src(%dma_wait3A_636 : memref<8x128xf32, #tpu.memory_space<vmem>>) dst(%dma_wait3A_633 : memref<8x128xf32, #tpu.memory_space<hbm>>)
        %dma_wait3A_637 = arith.constant 3 : i32
        %dma_wait3A_638 = arith.constant 24 : i32
        %dma_wait3A_639 = arith.constant 0 : i32
        %dma_wait3A_640 = tpu.memref_slice %arg10[%dma_wait3A_638, %dma_wait3A_639] : memref<64x129xf32, #tpu.memory_space<vmem>> -> memref<8x128xf32, #tpu.memory_space<vmem>>
        %dma_wait3A_641 = arith.constant 0 : i32
        %dma_wait3A_642 = arith.constant 0 : i32
        %dma_wait3A_643 = tpu.memref_slice %arg5[%add3A_293, %dma_wait3A_637, %add3A, %dma_wait3A_641, %dma_wait3A_642] : memref<200x8x32x8x128xf32, #tpu.memory_space<hbm>> -> memref<1x1x1x8x128xf32, #tpu.memory_space<hbm>>
        %dma_wait3A_644 = tpu.memref_squeeze %dma_wait3A_643 : memref<1x1x1x8x128xf32, #tpu.memory_space<hbm>> -> memref<8x128xf32, #tpu.memory_space<hbm>>
        %dma_wait3A_645 = arith.constant 0 : i32
        %dma_wait3A_646 = arith.constant 0 : i32
        %dma_wait3A_647 = tpu.memref_slice %arg5[%add3A_293, %dma_wait3A_637, %add3A, %dma_wait3A_645, %dma_wait3A_646] : memref<200x8x32x8x128xf32, #tpu.memory_space<hbm>> -> memref<1x1x1x8x128xf32, #tpu.memory_space<hbm>>
        %dma_wait3A_648 = tpu.memref_squeeze %dma_wait3A_647 : memref<1x1x1x8x128xf32, #tpu.memory_space<hbm>> -> memref<8x128xf32, #tpu.memory_space<hbm>>
        %dma_wait3A_649 = arith.constant 24 : i32
        %dma_wait3A_650 = arith.constant 0 : i32
        %dma_wait3A_651 = tpu.memref_slice %arg10[%dma_wait3A_649, %dma_wait3A_650] : memref<64x129xf32, #tpu.memory_space<vmem>> -> memref<8x128xf32, #tpu.memory_space<vmem>>
        tpu.wait_dma2 semaphore(%arg14 : memref<!tpu.dma_semaphore, #tpu.memory_space<semaphore_mem>>) src(%dma_wait3A_651 : memref<8x128xf32, #tpu.memory_space<vmem>>) dst(%dma_wait3A_648 : memref<8x128xf32, #tpu.memory_space<hbm>>)
        %dma_wait3A_652 = arith.constant 4 : i32
        %dma_wait3A_653 = arith.constant 32 : i32
        %dma_wait3A_654 = arith.constant 0 : i32
        %dma_wait3A_655 = tpu.memref_slice %arg10[%dma_wait3A_653, %dma_wait3A_654] : memref<64x129xf32, #tpu.memory_space<vmem>> -> memref<8x128xf32, #tpu.memory_space<vmem>>
        %dma_wait3A_656 = arith.constant 0 : i32
        %dma_wait3A_657 = arith.constant 0 : i32
        %dma_wait3A_658 = tpu.memref_slice %arg5[%add3A_293, %dma_wait3A_652, %add3A, %dma_wait3A_656, %dma_wait3A_657] : memref<200x8x32x8x128xf32, #tpu.memory_space<hbm>> -> memref<1x1x1x8x128xf32, #tpu.memory_space<hbm>>
        %dma_wait3A_659 = tpu.memref_squeeze %dma_wait3A_658 : memref<1x1x1x8x128xf32, #tpu.memory_space<hbm>> -> memref<8x128xf32, #tpu.memory_space<hbm>>
        %dma_wait3A_660 = arith.constant 0 : i32
        %dma_wait3A_661 = arith.constant 0 : i32
        %dma_wait3A_662 = tpu.memref_slice %arg5[%add3A_293, %dma_wait3A_652, %add3A, %dma_wait3A_660, %dma_wait3A_661] : memref<200x8x32x8x128xf32, #tpu.memory_space<hbm>> -> memref<1x1x1x8x128xf32, #tpu.memory_space<hbm>>
        %dma_wait3A_663 = tpu.memref_squeeze %dma_wait3A_662 : memref<1x1x1x8x128xf32, #tpu.memory_space<hbm>> -> memref<8x128xf32, #tpu.memory_space<hbm>>
        %dma_wait3A_664 = arith.constant 32 : i32
        %dma_wait3A_665 = arith.constant 0 : i32
        %dma_wait3A_666 = tpu.memref_slice %arg10[%dma_wait3A_664, %dma_wait3A_665] : memref<64x129xf32, #tpu.memory_space<vmem>> -> memref<8x128xf32, #tpu.memory_space<vmem>>
        tpu.wait_dma2 semaphore(%arg14 : memref<!tpu.dma_semaphore, #tpu.memory_space<semaphore_mem>>) src(%dma_wait3A_666 : memref<8x128xf32, #tpu.memory_space<vmem>>) dst(%dma_wait3A_663 : memref<8x128xf32, #tpu.memory_space<hbm>>)
        %dma_wait3A_667 = arith.constant 5 : i32
        %dma_wait3A_668 = arith.constant 40 : i32
        %dma_wait3A_669 = arith.constant 0 : i32
        %dma_wait3A_670 = tpu.memref_slice %arg10[%dma_wait3A_668, %dma_wait3A_669] : memref<64x129xf32, #tpu.memory_space<vmem>> -> memref<8x128xf32, #tpu.memory_space<vmem>>
        %dma_wait3A_671 = arith.constant 0 : i32
        %dma_wait3A_672 = arith.constant 0 : i32
        %dma_wait3A_673 = tpu.memref_slice %arg5[%add3A_293, %dma_wait3A_667, %add3A, %dma_wait3A_671, %dma_wait3A_672] : memref<200x8x32x8x128xf32, #tpu.memory_space<hbm>> -> memref<1x1x1x8x128xf32, #tpu.memory_space<hbm>>
        %dma_wait3A_674 = tpu.memref_squeeze %dma_wait3A_673 : memref<1x1x1x8x128xf32, #tpu.memory_space<hbm>> -> memref<8x128xf32, #tpu.memory_space<hbm>>
        %dma_wait3A_675 = arith.constant 0 : i32
        %dma_wait3A_676 = arith.constant 0 : i32
        %dma_wait3A_677 = tpu.memref_slice %arg5[%add3A_293, %dma_wait3A_667, %add3A, %dma_wait3A_675, %dma_wait3A_676] : memref<200x8x32x8x128xf32, #tpu.memory_space<hbm>> -> memref<1x1x1x8x128xf32, #tpu.memory_space<hbm>>
        %dma_wait3A_678 = tpu.memref_squeeze %dma_wait3A_677 : memref<1x1x1x8x128xf32, #tpu.memory_space<hbm>> -> memref<8x128xf32, #tpu.memory_space<hbm>>
        %dma_wait3A_679 = arith.constant 40 : i32
        %dma_wait3A_680 = arith.constant 0 : i32
        %dma_wait3A_681 = tpu.memref_slice %arg10[%dma_wait3A_679, %dma_wait3A_680] : memref<64x129xf32, #tpu.memory_space<vmem>> -> memref<8x128xf32, #tpu.memory_space<vmem>>
        tpu.wait_dma2 semaphore(%arg14 : memref<!tpu.dma_semaphore, #tpu.memory_space<semaphore_mem>>) src(%dma_wait3A_681 : memref<8x128xf32, #tpu.memory_space<vmem>>) dst(%dma_wait3A_678 : memref<8x128xf32, #tpu.memory_space<hbm>>)
        %dma_wait3A_682 = arith.constant 6 : i32
        %dma_wait3A_683 = arith.constant 48 : i32
        %dma_wait3A_684 = arith.constant 0 : i32
        %dma_wait3A_685 = tpu.memref_slice %arg10[%dma_wait3A_683, %dma_wait3A_684] : memref<64x129xf32, #tpu.memory_space<vmem>> -> memref<8x128xf32, #tpu.memory_space<vmem>>
        %dma_wait3A_686 = arith.constant 0 : i32
        %dma_wait3A_687 = arith.constant 0 : i32
        %dma_wait3A_688 = tpu.memref_slice %arg5[%add3A_293, %dma_wait3A_682, %add3A, %dma_wait3A_686, %dma_wait3A_687] : memref<200x8x32x8x128xf32, #tpu.memory_space<hbm>> -> memref<1x1x1x8x128xf32, #tpu.memory_space<hbm>>
        %dma_wait3A_689 = tpu.memref_squeeze %dma_wait3A_688 : memref<1x1x1x8x128xf32, #tpu.memory_space<hbm>> -> memref<8x128xf32, #tpu.memory_space<hbm>>
        %dma_wait3A_690 = arith.constant 0 : i32
        %dma_wait3A_691 = arith.constant 0 : i32
        %dma_wait3A_692 = tpu.memref_slice %arg5[%add3A_293, %dma_wait3A_682, %add3A, %dma_wait3A_690, %dma_wait3A_691] : memref<200x8x32x8x128xf32, #tpu.memory_space<hbm>> -> memref<1x1x1x8x128xf32, #tpu.memory_space<hbm>>
        %dma_wait3A_693 = tpu.memref_squeeze %dma_wait3A_692 : memref<1x1x1x8x128xf32, #tpu.memory_space<hbm>> -> memref<8x128xf32, #tpu.memory_space<hbm>>
        %dma_wait3A_694 = arith.constant 48 : i32
        %dma_wait3A_695 = arith.constant 0 : i32
        %dma_wait3A_696 = tpu.memref_slice %arg10[%dma_wait3A_694, %dma_wait3A_695] : memref<64x129xf32, #tpu.memory_space<vmem>> -> memref<8x128xf32, #tpu.memory_space<vmem>>
        tpu.wait_dma2 semaphore(%arg14 : memref<!tpu.dma_semaphore, #tpu.memory_space<semaphore_mem>>) src(%dma_wait3A_696 : memref<8x128xf32, #tpu.memory_space<vmem>>) dst(%dma_wait3A_693 : memref<8x128xf32, #tpu.memory_space<hbm>>)
        %dma_wait3A_697 = arith.constant 7 : i32
        %dma_wait3A_698 = arith.constant 56 : i32
        %dma_wait3A_699 = arith.constant 0 : i32
        %dma_wait3A_700 = tpu.memref_slice %arg10[%dma_wait3A_698, %dma_wait3A_699] : memref<64x129xf32, #tpu.memory_space<vmem>> -> memref<8x128xf32, #tpu.memory_space<vmem>>
        %dma_wait3A_701 = arith.constant 0 : i32
        %dma_wait3A_702 = arith.constant 0 : i32
        %dma_wait3A_703 = tpu.memref_slice %arg5[%add3A_293, %dma_wait3A_697, %add3A, %dma_wait3A_701, %dma_wait3A_702] : memref<200x8x32x8x128xf32, #tpu.memory_space<hbm>> -> memref<1x1x1x8x128xf32, #tpu.memory_space<hbm>>
        %dma_wait3A_704 = tpu.memref_squeeze %dma_wait3A_703 : memref<1x1x1x8x128xf32, #tpu.memory_space<hbm>> -> memref<8x128xf32, #tpu.memory_space<hbm>>
        %dma_wait3A_705 = arith.constant 0 : i32
        %dma_wait3A_706 = arith.constant 0 : i32
        %dma_wait3A_707 = tpu.memref_slice %arg5[%add3A_293, %dma_wait3A_697, %add3A, %dma_wait3A_705, %dma_wait3A_706] : memref<200x8x32x8x128xf32, #tpu.memory_space<hbm>> -> memref<1x1x1x8x128xf32, #tpu.memory_space<hbm>>
        %dma_wait3A_708 = tpu.memref_squeeze %dma_wait3A_707 : memref<1x1x1x8x128xf32, #tpu.memory_space<hbm>> -> memref<8x128xf32, #tpu.memory_space<hbm>>
        %dma_wait3A_709 = arith.constant 56 : i32
        %dma_wait3A_710 = arith.constant 0 : i32
        %dma_wait3A_711 = tpu.memref_slice %arg10[%dma_wait3A_709, %dma_wait3A_710] : memref<64x129xf32, #tpu.memory_space<vmem>> -> memref<8x128xf32, #tpu.memory_space<vmem>>
        tpu.wait_dma2 semaphore(%arg14 : memref<!tpu.dma_semaphore, #tpu.memory_space<semaphore_mem>>) src(%dma_wait3A_711 : memref<8x128xf32, #tpu.memory_space<vmem>>) dst(%dma_wait3A_708 : memref<8x128xf32, #tpu.memory_space<hbm>>)
      } else {
      }
      %get3A = arith.index_cast %add3A_293 : i32 to index
      %get3A_302 = arith.constant 0 : index
      %get3A_303 = tpu.vector_load %arg7[%get3A, %get3A_302] {strides = array<i32>} : memref<200x80xf32, #tpu.memory_space<vmem>>, vector<16xf32>,
      %get3A_304 = arith.index_cast %add3A_293 : i32 to index
      %get3A_305 = arith.constant 16 : index
      %get3A_306 = tpu.vector_load %arg7[%get3A_304, %get3A_305] {strides = array<i32>} : memref<200x80xf32, #tpu.memory_space<vmem>>, vector<16xf32>,
      %get3A_307 = arith.index_cast %add3A_293 : i32 to index
      %get3A_308 = arith.constant 32 : index
      %get3A_309 = tpu.vector_load %arg7[%get3A_307, %get3A_308] {strides = array<i32>} : memref<200x80xf32, #tpu.memory_space<vmem>>, vector<16xf32>,
      %get3A_310 = arith.index_cast %add3A_293 : i32 to index
      %get3A_311 = arith.constant 48 : index
      %get3A_312 = tpu.vector_load %arg7[%get3A_310, %get3A_311] {strides = array<i32>} : memref<200x80xf32, #tpu.memory_space<vmem>>, vector<16xf32>,
      %parallel_loop3A = arith.constant 0 : i32
      %parallel_loop3A_313 = arith.constant 128 : i32
      %parallel_loop3A_314 = arith.constant 1 : i32
      scf.for %parallel_loop3A_592 = %parallel_loop3A to %parallel_loop3A_313 step %parallel_loop3A_314  : i32 {
        %parallel_loop3A_593 = vector.broadcast %parallel_loop3A_592 : i32 to vector<16xi32>
        %parallel_loop3A_594 = arith.index_cast %parallel_loop3A_592 : i32 to index
        %parallel_loop3A_595 = arith.constant 0 : index
        %parallel_loop3A_596 = tpu.vector_load %arg8[%parallel_loop3A_594, %parallel_loop3A_595] {strides = array<i32>} : memref<128x64xf32, #tpu.memory_space<vmem>>, vector<16xf32>,
        %parallel_loop3A_597 = arith.addf %parallel_loop3A_596, %get3A_303 : vector<16xf32>
        tpu.vector_store_idx %arg10[%add3A_5, %parallel_loop3A_593], %parallel_loop3A_597 : memref<64x129xf32, #tpu.memory_space<vmem>>[vector<16xi32>, vector<16xi32>], vector<16xf32>,
        %parallel_loop3A_598 = arith.index_cast %parallel_loop3A_592 : i32 to index
        %parallel_loop3A_599 = arith.constant 16 : index
        %parallel_loop3A_600 = tpu.vector_load %arg8[%parallel_loop3A_598, %parallel_loop3A_599] {strides = array<i32>} : memref<128x64xf32, #tpu.memory_space<vmem>>, vector<16xf32>,
        %parallel_loop3A_601 = arith.addf %parallel_loop3A_600, %get3A_306 : vector<16xf32>
        tpu.vector_store_idx %arg10[%add3A_8, %parallel_loop3A_593], %parallel_loop3A_601 : memref<64x129xf32, #tpu.memory_space<vmem>>[vector<16xi32>, vector<16xi32>], vector<16xf32>,
        %parallel_loop3A_602 = arith.index_cast %parallel_loop3A_592 : i32 to index
        %parallel_loop3A_603 = arith.constant 32 : index
        %parallel_loop3A_604 = tpu.vector_load %arg8[%parallel_loop3A_602, %parallel_loop3A_603] {strides = array<i32>} : memref<128x64xf32, #tpu.memory_space<vmem>>, vector<16xf32>,
        %parallel_loop3A_605 = arith.addf %parallel_loop3A_604, %get3A_309 : vector<16xf32>
        tpu.vector_store_idx %arg10[%add3A_11, %parallel_loop3A_593], %parallel_loop3A_605 : memref<64x129xf32, #tpu.memory_space<vmem>>[vector<16xi32>, vector<16xi32>], vector<16xf32>,
        %parallel_loop3A_606 = arith.index_cast %parallel_loop3A_592 : i32 to index
        %parallel_loop3A_607 = arith.constant 48 : index
        %parallel_loop3A_608 = tpu.vector_load %arg8[%parallel_loop3A_606, %parallel_loop3A_607] {strides = array<i32>} : memref<128x64xf32, #tpu.memory_space<vmem>>, vector<16xf32>,
        %parallel_loop3A_609 = arith.addf %parallel_loop3A_608, %get3A_312 : vector<16xf32>
        tpu.vector_store_idx %arg10[%add3A_14, %parallel_loop3A_593], %parallel_loop3A_609 : memref<64x129xf32, #tpu.memory_space<vmem>>[vector<16xi32>, vector<16xi32>], vector<16xf32>,
      } {sc.loop_unroll_factor = 8 : i64, sc.parallel_access}
      %dma_start3A_315 = arith.constant 0 : i32
      %dma_start3A_316 = arith.constant 0 : i32
      %dma_start3A_317 = arith.constant 0 : i32
      %dma_start3A_318 = tpu.memref_slice %arg10[%dma_start3A_316, %dma_start3A_317] : memref<64x129xf32, #tpu.memory_space<vmem>> -> memref<8x128xf32, #tpu.memory_space<vmem>>
      %dma_start3A_319 = arith.constant 0 : i32
      %dma_start3A_320 = arith.constant 0 : i32
      %dma_start3A_321 = tpu.memref_slice %arg5[%add3A_293, %dma_start3A_315, %add3A, %dma_start3A_319, %dma_start3A_320] : memref<200x8x32x8x128xf32, #tpu.memory_space<hbm>> -> memref<1x1x1x8x128xf32, #tpu.memory_space<hbm>>
      %dma_start3A_322 = tpu.memref_squeeze %dma_start3A_321 : memref<1x1x1x8x128xf32, #tpu.memory_space<hbm>> -> memref<8x128xf32, #tpu.memory_space<hbm>>
      %dma_start3A_323 = arith.constant 0 : i32
      %dma_start3A_324 = arith.constant 0 : i32
      %dma_start3A_325 = tpu.memref_slice %arg5[%add3A_293, %dma_start3A_315, %add3A, %dma_start3A_323, %dma_start3A_324] : memref<200x8x32x8x128xf32, #tpu.memory_space<hbm>> -> memref<1x1x1x8x128xf32, #tpu.memory_space<hbm>>
      %dma_start3A_326 = tpu.memref_squeeze %dma_start3A_325 : memref<1x1x1x8x128xf32, #tpu.memory_space<hbm>> -> memref<8x128xf32, #tpu.memory_space<hbm>>
      %dma_start3A_327 = arith.constant 0 : i32
      %dma_start3A_328 = arith.constant 0 : i32
      %dma_start3A_329 = tpu.memref_slice %arg10[%dma_start3A_327, %dma_start3A_328] : memref<64x129xf32, #tpu.memory_space<vmem>> -> memref<8x128xf32, #tpu.memory_space<vmem>>
      tpu.enqueue_dma source(%dma_start3A_329 : memref<8x128xf32, #tpu.memory_space<vmem>>) target(%dma_start3A_326 : memref<8x128xf32, #tpu.memory_space<hbm>>) target_semaphore(%arg14 : memref<!tpu.dma_semaphore, #tpu.memory_space<semaphore_mem>>)
      %dma_start3A_330 = arith.constant 1 : i32
      %dma_start3A_331 = arith.constant 8 : i32
      %dma_start3A_332 = arith.constant 0 : i32
      %dma_start3A_333 = tpu.memref_slice %arg10[%dma_start3A_331, %dma_start3A_332] : memref<64x129xf32, #tpu.memory_space<vmem>> -> memref<8x128xf32, #tpu.memory_space<vmem>>
      %dma_start3A_334 = arith.constant 0 : i32
      %dma_start3A_335 = arith.constant 0 : i32
      %dma_start3A_336 = tpu.memref_slice %arg5[%add3A_293, %dma_start3A_330, %add3A, %dma_start3A_334, %dma_start3A_335] : memref<200x8x32x8x128xf32, #tpu.memory_space<hbm>> -> memref<1x1x1x8x128xf32, #tpu.memory_space<hbm>>
      %dma_start3A_337 = tpu.memref_squeeze %dma_start3A_336 : memref<1x1x1x8x128xf32, #tpu.memory_space<hbm>> -> memref<8x128xf32, #tpu.memory_space<hbm>>
      %dma_start3A_338 = arith.constant 0 : i32
      %dma_start3A_339 = arith.constant 0 : i32
      %dma_start3A_340 = tpu.memref_slice %arg5[%add3A_293, %dma_start3A_330, %add3A, %dma_start3A_338, %dma_start3A_339] : memref<200x8x32x8x128xf32, #tpu.memory_space<hbm>> -> memref<1x1x1x8x128xf32, #tpu.memory_space<hbm>>
      %dma_start3A_341 = tpu.memref_squeeze %dma_start3A_340 : memref<1x1x1x8x128xf32, #tpu.memory_space<hbm>> -> memref<8x128xf32, #tpu.memory_space<hbm>>
      %dma_start3A_342 = arith.constant 8 : i32
      %dma_start3A_343 = arith.constant 0 : i32
      %dma_start3A_344 = tpu.memref_slice %arg10[%dma_start3A_342, %dma_start3A_343] : memref<64x129xf32, #tpu.memory_space<vmem>> -> memref<8x128xf32, #tpu.memory_space<vmem>>
      tpu.enqueue_dma source(%dma_start3A_344 : memref<8x128xf32, #tpu.memory_space<vmem>>) target(%dma_start3A_341 : memref<8x128xf32, #tpu.memory_space<hbm>>) target_semaphore(%arg14 : memref<!tpu.dma_semaphore, #tpu.memory_space<semaphore_mem>>)
      %dma_start3A_345 = arith.constant 2 : i32
      %dma_start3A_346 = arith.constant 16 : i32
      %dma_start3A_347 = arith.constant 0 : i32
      %dma_start3A_348 = tpu.memref_slice %arg10[%dma_start3A_346, %dma_start3A_347] : memref<64x129xf32, #tpu.memory_space<vmem>> -> memref<8x128xf32, #tpu.memory_space<vmem>>
      %dma_start3A_349 = arith.constant 0 : i32
      %dma_start3A_350 = arith.constant 0 : i32
      %dma_start3A_351 = tpu.memref_slice %arg5[%add3A_293, %dma_start3A_345, %add3A, %dma_start3A_349, %dma_start3A_350] : memref<200x8x32x8x128xf32, #tpu.memory_space<hbm>> -> memref<1x1x1x8x128xf32, #tpu.memory_space<hbm>>
      %dma_start3A_352 = tpu.memref_squeeze %dma_start3A_351 : memref<1x1x1x8x128xf32, #tpu.memory_space<hbm>> -> memref<8x128xf32, #tpu.memory_space<hbm>>
      %dma_start3A_353 = arith.constant 0 : i32
      %dma_start3A_354 = arith.constant 0 : i32
      %dma_start3A_355 = tpu.memref_slice %arg5[%add3A_293, %dma_start3A_345, %add3A, %dma_start3A_353, %dma_start3A_354] : memref<200x8x32x8x128xf32, #tpu.memory_space<hbm>> -> memref<1x1x1x8x128xf32, #tpu.memory_space<hbm>>
      %dma_start3A_356 = tpu.memref_squeeze %dma_start3A_355 : memref<1x1x1x8x128xf32, #tpu.memory_space<hbm>> -> memref<8x128xf32, #tpu.memory_space<hbm>>
      %dma_start3A_357 = arith.constant 16 : i32
      %dma_start3A_358 = arith.constant 0 : i32
      %dma_start3A_359 = tpu.memref_slice %arg10[%dma_start3A_357, %dma_start3A_358] : memref<64x129xf32, #tpu.memory_space<vmem>> -> memref<8x128xf32, #tpu.memory_space<vmem>>
      tpu.enqueue_dma source(%dma_start3A_359 : memref<8x128xf32, #tpu.memory_space<vmem>>) target(%dma_start3A_356 : memref<8x128xf32, #tpu.memory_space<hbm>>) target_semaphore(%arg14 : memref<!tpu.dma_semaphore, #tpu.memory_space<semaphore_mem>>)
      %dma_start3A_360 = arith.constant 3 : i32
      %dma_start3A_361 = arith.constant 24 : i32
      %dma_start3A_362 = arith.constant 0 : i32
      %dma_start3A_363 = tpu.memref_slice %arg10[%dma_start3A_361, %dma_start3A_362] : memref<64x129xf32, #tpu.memory_space<vmem>> -> memref<8x128xf32, #tpu.memory_space<vmem>>
      %dma_start3A_364 = arith.constant 0 : i32
      %dma_start3A_365 = arith.constant 0 : i32
      %dma_start3A_366 = tpu.memref_slice %arg5[%add3A_293, %dma_start3A_360, %add3A, %dma_start3A_364, %dma_start3A_365] : memref<200x8x32x8x128xf32, #tpu.memory_space<hbm>> -> memref<1x1x1x8x128xf32, #tpu.memory_space<hbm>>
      %dma_start3A_367 = tpu.memref_squeeze %dma_start3A_366 : memref<1x1x1x8x128xf32, #tpu.memory_space<hbm>> -> memref<8x128xf32, #tpu.memory_space<hbm>>
      %dma_start3A_368 = arith.constant 0 : i32
      %dma_start3A_369 = arith.constant 0 : i32
      %dma_start3A_370 = tpu.memref_slice %arg5[%add3A_293, %dma_start3A_360, %add3A, %dma_start3A_368, %dma_start3A_369] : memref<200x8x32x8x128xf32, #tpu.memory_space<hbm>> -> memref<1x1x1x8x128xf32, #tpu.memory_space<hbm>>
      %dma_start3A_371 = tpu.memref_squeeze %dma_start3A_370 : memref<1x1x1x8x128xf32, #tpu.memory_space<hbm>> -> memref<8x128xf32, #tpu.memory_space<hbm>>
      %dma_start3A_372 = arith.constant 24 : i32
      %dma_start3A_373 = arith.constant 0 : i32
      %dma_start3A_374 = tpu.memref_slice %arg10[%dma_start3A_372, %dma_start3A_373] : memref<64x129xf32, #tpu.memory_space<vmem>> -> memref<8x128xf32, #tpu.memory_space<vmem>>
      tpu.enqueue_dma source(%dma_start3A_374 : memref<8x128xf32, #tpu.memory_space<vmem>>) target(%dma_start3A_371 : memref<8x128xf32, #tpu.memory_space<hbm>>) target_semaphore(%arg14 : memref<!tpu.dma_semaphore, #tpu.memory_space<semaphore_mem>>)
      %dma_start3A_375 = arith.constant 4 : i32
      %dma_start3A_376 = arith.constant 32 : i32
      %dma_start3A_377 = arith.constant 0 : i32
      %dma_start3A_378 = tpu.memref_slice %arg10[%dma_start3A_376, %dma_start3A_377] : memref<64x129xf32, #tpu.memory_space<vmem>> -> memref<8x128xf32, #tpu.memory_space<vmem>>
      %dma_start3A_379 = arith.constant 0 : i32
      %dma_start3A_380 = arith.constant 0 : i32
      %dma_start3A_381 = tpu.memref_slice %arg5[%add3A_293, %dma_start3A_375, %add3A, %dma_start3A_379, %dma_start3A_380] : memref<200x8x32x8x128xf32, #tpu.memory_space<hbm>> -> memref<1x1x1x8x128xf32, #tpu.memory_space<hbm>>
      %dma_start3A_382 = tpu.memref_squeeze %dma_start3A_381 : memref<1x1x1x8x128xf32, #tpu.memory_space<hbm>> -> memref<8x128xf32, #tpu.memory_space<hbm>>
      %dma_start3A_383 = arith.constant 0 : i32
      %dma_start3A_384 = arith.constant 0 : i32
      %dma_start3A_385 = tpu.memref_slice %arg5[%add3A_293, %dma_start3A_375, %add3A, %dma_start3A_383, %dma_start3A_384] : memref<200x8x32x8x128xf32, #tpu.memory_space<hbm>> -> memref<1x1x1x8x128xf32, #tpu.memory_space<hbm>>
      %dma_start3A_386 = tpu.memref_squeeze %dma_start3A_385 : memref<1x1x1x8x128xf32, #tpu.memory_space<hbm>> -> memref<8x128xf32, #tpu.memory_space<hbm>>
      %dma_start3A_387 = arith.constant 32 : i32
      %dma_start3A_388 = arith.constant 0 : i32
      %dma_start3A_389 = tpu.memref_slice %arg10[%dma_start3A_387, %dma_start3A_388] : memref<64x129xf32, #tpu.memory_space<vmem>> -> memref<8x128xf32, #tpu.memory_space<vmem>>
      tpu.enqueue_dma source(%dma_start3A_389 : memref<8x128xf32, #tpu.memory_space<vmem>>) target(%dma_start3A_386 : memref<8x128xf32, #tpu.memory_space<hbm>>) target_semaphore(%arg14 : memref<!tpu.dma_semaphore, #tpu.memory_space<semaphore_mem>>)
      %dma_start3A_390 = arith.constant 5 : i32
      %dma_start3A_391 = arith.constant 40 : i32
      %dma_start3A_392 = arith.constant 0 : i32
      %dma_start3A_393 = tpu.memref_slice %arg10[%dma_start3A_391, %dma_start3A_392] : memref<64x129xf32, #tpu.memory_space<vmem>> -> memref<8x128xf32, #tpu.memory_space<vmem>>
      %dma_start3A_394 = arith.constant 0 : i32
      %dma_start3A_395 = arith.constant 0 : i32
      %dma_start3A_396 = tpu.memref_slice %arg5[%add3A_293, %dma_start3A_390, %add3A, %dma_start3A_394, %dma_start3A_395] : memref<200x8x32x8x128xf32, #tpu.memory_space<hbm>> -> memref<1x1x1x8x128xf32, #tpu.memory_space<hbm>>
      %dma_start3A_397 = tpu.memref_squeeze %dma_start3A_396 : memref<1x1x1x8x128xf32, #tpu.memory_space<hbm>> -> memref<8x128xf32, #tpu.memory_space<hbm>>
      %dma_start3A_398 = arith.constant 0 : i32
      %dma_start3A_399 = arith.constant 0 : i32
      %dma_start3A_400 = tpu.memref_slice %arg5[%add3A_293, %dma_start3A_390, %add3A, %dma_start3A_398, %dma_start3A_399] : memref<200x8x32x8x128xf32, #tpu.memory_space<hbm>> -> memref<1x1x1x8x128xf32, #tpu.memory_space<hbm>>
      %dma_start3A_401 = tpu.memref_squeeze %dma_start3A_400 : memref<1x1x1x8x128xf32, #tpu.memory_space<hbm>> -> memref<8x128xf32, #tpu.memory_space<hbm>>
      %dma_start3A_402 = arith.constant 40 : i32
      %dma_start3A_403 = arith.constant 0 : i32
      %dma_start3A_404 = tpu.memref_slice %arg10[%dma_start3A_402, %dma_start3A_403] : memref<64x129xf32, #tpu.memory_space<vmem>> -> memref<8x128xf32, #tpu.memory_space<vmem>>
      tpu.enqueue_dma source(%dma_start3A_404 : memref<8x128xf32, #tpu.memory_space<vmem>>) target(%dma_start3A_401 : memref<8x128xf32, #tpu.memory_space<hbm>>) target_semaphore(%arg14 : memref<!tpu.dma_semaphore, #tpu.memory_space<semaphore_mem>>)
      %dma_start3A_405 = arith.constant 6 : i32
      %dma_start3A_406 = arith.constant 48 : i32
      %dma_start3A_407 = arith.constant 0 : i32
      %dma_start3A_408 = tpu.memref_slice %arg10[%dma_start3A_406, %dma_start3A_407] : memref<64x129xf32, #tpu.memory_space<vmem>> -> memref<8x128xf32, #tpu.memory_space<vmem>>
      %dma_start3A_409 = arith.constant 0 : i32
      %dma_start3A_410 = arith.constant 0 : i32
      %dma_start3A_411 = tpu.memref_slice %arg5[%add3A_293, %dma_start3A_405, %add3A, %dma_start3A_409, %dma_start3A_410] : memref<200x8x32x8x128xf32, #tpu.memory_space<hbm>> -> memref<1x1x1x8x128xf32, #tpu.memory_space<hbm>>
      %dma_start3A_412 = tpu.memref_squeeze %dma_start3A_411 : memref<1x1x1x8x128xf32, #tpu.memory_space<hbm>> -> memref<8x128xf32, #tpu.memory_space<hbm>>
      %dma_start3A_413 = arith.constant 0 : i32
      %dma_start3A_414 = arith.constant 0 : i32
      %dma_start3A_415 = tpu.memref_slice %arg5[%add3A_293, %dma_start3A_405, %add3A, %dma_start3A_413, %dma_start3A_414] : memref<200x8x32x8x128xf32, #tpu.memory_space<hbm>> -> memref<1x1x1x8x128xf32, #tpu.memory_space<hbm>>
      %dma_start3A_416 = tpu.memref_squeeze %dma_start3A_415 : memref<1x1x1x8x128xf32, #tpu.memory_space<hbm>> -> memref<8x128xf32, #tpu.memory_space<hbm>>
      %dma_start3A_417 = arith.constant 48 : i32
      %dma_start3A_418 = arith.constant 0 : i32
      %dma_start3A_419 = tpu.memref_slice %arg10[%dma_start3A_417, %dma_start3A_418] : memref<64x129xf32, #tpu.memory_space<vmem>> -> memref<8x128xf32, #tpu.memory_space<vmem>>
      tpu.enqueue_dma source(%dma_start3A_419 : memref<8x128xf32, #tpu.memory_space<vmem>>) target(%dma_start3A_416 : memref<8x128xf32, #tpu.memory_space<hbm>>) target_semaphore(%arg14 : memref<!tpu.dma_semaphore, #tpu.memory_space<semaphore_mem>>)
      %dma_start3A_420 = arith.constant 7 : i32
      %dma_start3A_421 = arith.constant 56 : i32
      %dma_start3A_422 = arith.constant 0 : i32
      %dma_start3A_423 = tpu.memref_slice %arg10[%dma_start3A_421, %dma_start3A_422] : memref<64x129xf32, #tpu.memory_space<vmem>> -> memref<8x128xf32, #tpu.memory_space<vmem>>
      %dma_start3A_424 = arith.constant 0 : i32
      %dma_start3A_425 = arith.constant 0 : i32
      %dma_start3A_426 = tpu.memref_slice %arg5[%add3A_293, %dma_start3A_420, %add3A, %dma_start3A_424, %dma_start3A_425] : memref<200x8x32x8x128xf32, #tpu.memory_space<hbm>> -> memref<1x1x1x8x128xf32, #tpu.memory_space<hbm>>
      %dma_start3A_427 = tpu.memref_squeeze %dma_start3A_426 : memref<1x1x1x8x128xf32, #tpu.memory_space<hbm>> -> memref<8x128xf32, #tpu.memory_space<hbm>>
      %dma_start3A_428 = arith.constant 0 : i32
      %dma_start3A_429 = arith.constant 0 : i32
      %dma_start3A_430 = tpu.memref_slice %arg5[%add3A_293, %dma_start3A_420, %add3A, %dma_start3A_428, %dma_start3A_429] : memref<200x8x32x8x128xf32, #tpu.memory_space<hbm>> -> memref<1x1x1x8x128xf32, #tpu.memory_space<hbm>>
      %dma_start3A_431 = tpu.memref_squeeze %dma_start3A_430 : memref<1x1x1x8x128xf32, #tpu.memory_space<hbm>> -> memref<8x128xf32, #tpu.memory_space<hbm>>
      %dma_start3A_432 = arith.constant 56 : i32
      %dma_start3A_433 = arith.constant 0 : i32
      %dma_start3A_434 = tpu.memref_slice %arg10[%dma_start3A_432, %dma_start3A_433] : memref<64x129xf32, #tpu.memory_space<vmem>> -> memref<8x128xf32, #tpu.memory_space<vmem>>
      tpu.enqueue_dma source(%dma_start3A_434 : memref<8x128xf32, #tpu.memory_space<vmem>>) target(%dma_start3A_431 : memref<8x128xf32, #tpu.memory_space<hbm>>) target_semaphore(%arg14 : memref<!tpu.dma_semaphore, #tpu.memory_space<semaphore_mem>>)
      %lt3A = arith.constant 198 : i32
      %lt3A_435 = arith.cmpi slt, %add3A_291, %lt3A : i32
      %convert_element_type3A_436 = arith.extui %lt3A_435 : i1 to i32
      %cond3A_437 = arith.constant 0 : i32
      %cond3A_438 = arith.cmpi ne, %convert_element_type3A_436, %cond3A_437 : i32
      scf.if %cond3A_438 {
        %add3A_592 = arith.constant 2 : i32
        %add3A_593 = arith.addi %add3A_293, %add3A_592 : i32
        %dma_start3A_594 = arith.constant 0 : i32
        %dma_start3A_595 = tpu.memref_slice %arg6[%add3A_593, %dma_start3A_594] : memref<200x128xi32, #tpu.memory_space<vmem>> -> memref<1x128xi32, #tpu.memory_space<vmem>>
        %dma_start3A_596 = tpu.memref_squeeze %dma_start3A_595 : memref<1x128xi32, #tpu.memory_space<vmem>> -> memref<128xi32, #tpu.memory_space<vmem>>
        %dma_start3A_597 = arith.constant 0 : i32
        %dma_start3A_598 = arith.constant 0 : i32
        %dma_start3A_599 = tpu.memref_slice %arg4[%dma_start3A_597, %dma_start3A_598] : memref<1000000x64xf32, #tpu.memory_space<hbm>> -> memref<1000000x64xf32, #tpu.memory_space<hbm>>
        tpu.enqueue_indirect_dma source(%dma_start3A_599 : memref<1000000x64xf32, #tpu.memory_space<hbm>>) target(%arg8 : memref<128x64xf32, #tpu.memory_space<vmem>>) offsets(%dma_start3A_596 : memref<128xi32, #tpu.memory_space<vmem>>) semaphore(%arg12 : memref<!tpu.dma_semaphore, #tpu.memory_space<semaphore_mem>>)
      } else {
      }
      %add3A_439 = arith.constant 1 : i32
      %add3A_440 = arith.addi %add3A_291, %add3A_439 : i32
      %dma_wait3A_441 = arith.constant 0 : i32
      %dma_wait3A_442 = tpu.memref_slice %arg6[%add3A_440, %dma_wait3A_441] : memref<200x128xi32, #tpu.memory_space<vmem>> -> memref<1x128xi32, #tpu.memory_space<vmem>>
      %dma_wait3A_443 = tpu.memref_squeeze %dma_wait3A_442 : memref<1x128xi32, #tpu.memory_space<vmem>> -> memref<128xi32, #tpu.memory_space<vmem>>
      %dma_wait3A_444 = arith.constant 0 : i32
      %dma_wait3A_445 = arith.constant 0 : i32
      %dma_wait3A_446 = tpu.memref_slice %arg4[%dma_wait3A_444, %dma_wait3A_445] : memref<1000000x64xf32, #tpu.memory_space<hbm>> -> memref<1000000x64xf32, #tpu.memory_space<hbm>>
      tpu.wait_indirect_dma semaphore(%arg13 : memref<!tpu.dma_semaphore, #tpu.memory_space<semaphore_mem>>) src(%dma_wait3A_446 : memref<1000000x64xf32, #tpu.memory_space<hbm>>) dst(%arg9 : memref<128x64xf32, #tpu.memory_space<vmem>>)
      %gt3A_447 = arith.constant 0 : i32
      %gt3A_448 = arith.cmpi sgt, %add3A_291, %gt3A_447 : i32
      %convert_element_type3A_449 = arith.extui %gt3A_448 : i1 to i32
      %cond3A_450 = arith.constant 0 : i32
      %cond3A_451 = arith.cmpi ne, %convert_element_type3A_449, %cond3A_450 : i32
      scf.if %cond3A_451 {
        %dma_wait3A_592 = arith.constant 0 : i32
        %dma_wait3A_593 = arith.constant 0 : i32
        %dma_wait3A_594 = arith.constant 0 : i32
        %dma_wait3A_595 = tpu.memref_slice %arg11[%dma_wait3A_593, %dma_wait3A_594] : memref<64x129xf32, #tpu.memory_space<vmem>> -> memref<8x128xf32, #tpu.memory_space<vmem>>
        %dma_wait3A_596 = arith.constant 0 : i32
        %dma_wait3A_597 = arith.constant 0 : i32
        %dma_wait3A_598 = tpu.memref_slice %arg5[%add3A_440, %dma_wait3A_592, %add3A, %dma_wait3A_596, %dma_wait3A_597] : memref<200x8x32x8x128xf32, #tpu.memory_space<hbm>> -> memref<1x1x1x8x128xf32, #tpu.memory_space<hbm>>
        %dma_wait3A_599 = tpu.memref_squeeze %dma_wait3A_598 : memref<1x1x1x8x128xf32, #tpu.memory_space<hbm>> -> memref<8x128xf32, #tpu.memory_space<hbm>>
        %dma_wait3A_600 = arith.constant 0 : i32
        %dma_wait3A_601 = arith.constant 0 : i32
        %dma_wait3A_602 = tpu.memref_slice %arg5[%add3A_440, %dma_wait3A_592, %add3A, %dma_wait3A_600, %dma_wait3A_601] : memref<200x8x32x8x128xf32, #tpu.memory_space<hbm>> -> memref<1x1x1x8x128xf32, #tpu.memory_space<hbm>>
        %dma_wait3A_603 = tpu.memref_squeeze %dma_wait3A_602 : memref<1x1x1x8x128xf32, #tpu.memory_space<hbm>> -> memref<8x128xf32, #tpu.memory_space<hbm>>
        %dma_wait3A_604 = arith.constant 0 : i32
        %dma_wait3A_605 = arith.constant 0 : i32
        %dma_wait3A_606 = tpu.memref_slice %arg11[%dma_wait3A_604, %dma_wait3A_605] : memref<64x129xf32, #tpu.memory_space<vmem>> -> memref<8x128xf32, #tpu.memory_space<vmem>>
        tpu.wait_dma2 semaphore(%arg15 : memref<!tpu.dma_semaphore, #tpu.memory_space<semaphore_mem>>) src(%dma_wait3A_606 : memref<8x128xf32, #tpu.memory_space<vmem>>) dst(%dma_wait3A_603 : memref<8x128xf32, #tpu.memory_space<hbm>>)
        %dma_wait3A_607 = arith.constant 1 : i32
        %dma_wait3A_608 = arith.constant 8 : i32
        %dma_wait3A_609 = arith.constant 0 : i32
        %dma_wait3A_610 = tpu.memref_slice %arg11[%dma_wait3A_608, %dma_wait3A_609] : memref<64x129xf32, #tpu.memory_space<vmem>> -> memref<8x128xf32, #tpu.memory_space<vmem>>
        %dma_wait3A_611 = arith.constant 0 : i32
        %dma_wait3A_612 = arith.constant 0 : i32
        %dma_wait3A_613 = tpu.memref_slice %arg5[%add3A_440, %dma_wait3A_607, %add3A, %dma_wait3A_611, %dma_wait3A_612] : memref<200x8x32x8x128xf32, #tpu.memory_space<hbm>> -> memref<1x1x1x8x128xf32, #tpu.memory_space<hbm>>
        %dma_wait3A_614 = tpu.memref_squeeze %dma_wait3A_613 : memref<1x1x1x8x128xf32, #tpu.memory_space<hbm>> -> memref<8x128xf32, #tpu.memory_space<hbm>>
        %dma_wait3A_615 = arith.constant 0 : i32
        %dma_wait3A_616 = arith.constant 0 : i32
        %dma_wait3A_617 = tpu.memref_slice %arg5[%add3A_440, %dma_wait3A_607, %add3A, %dma_wait3A_615, %dma_wait3A_616] : memref<200x8x32x8x128xf32, #tpu.memory_space<hbm>> -> memref<1x1x1x8x128xf32, #tpu.memory_space<hbm>>
        %dma_wait3A_618 = tpu.memref_squeeze %dma_wait3A_617 : memref<1x1x1x8x128xf32, #tpu.memory_space<hbm>> -> memref<8x128xf32, #tpu.memory_space<hbm>>
        %dma_wait3A_619 = arith.constant 8 : i32
        %dma_wait3A_620 = arith.constant 0 : i32
        %dma_wait3A_621 = tpu.memref_slice %arg11[%dma_wait3A_619, %dma_wait3A_620] : memref<64x129xf32, #tpu.memory_space<vmem>> -> memref<8x128xf32, #tpu.memory_space<vmem>>
        tpu.wait_dma2 semaphore(%arg15 : memref<!tpu.dma_semaphore, #tpu.memory_space<semaphore_mem>>) src(%dma_wait3A_621 : memref<8x128xf32, #tpu.memory_space<vmem>>) dst(%dma_wait3A_618 : memref<8x128xf32, #tpu.memory_space<hbm>>)
        %dma_wait3A_622 = arith.constant 2 : i32
        %dma_wait3A_623 = arith.constant 16 : i32
        %dma_wait3A_624 = arith.constant 0 : i32
        %dma_wait3A_625 = tpu.memref_slice %arg11[%dma_wait3A_623, %dma_wait3A_624] : memref<64x129xf32, #tpu.memory_space<vmem>> -> memref<8x128xf32, #tpu.memory_space<vmem>>
        %dma_wait3A_626 = arith.constant 0 : i32
        %dma_wait3A_627 = arith.constant 0 : i32
        %dma_wait3A_628 = tpu.memref_slice %arg5[%add3A_440, %dma_wait3A_622, %add3A, %dma_wait3A_626, %dma_wait3A_627] : memref<200x8x32x8x128xf32, #tpu.memory_space<hbm>> -> memref<1x1x1x8x128xf32, #tpu.memory_space<hbm>>
        %dma_wait3A_629 = tpu.memref_squeeze %dma_wait3A_628 : memref<1x1x1x8x128xf32, #tpu.memory_space<hbm>> -> memref<8x128xf32, #tpu.memory_space<hbm>>
        %dma_wait3A_630 = arith.constant 0 : i32
        %dma_wait3A_631 = arith.constant 0 : i32
        %dma_wait3A_632 = tpu.memref_slice %arg5[%add3A_440, %dma_wait3A_622, %add3A, %dma_wait3A_630, %dma_wait3A_631] : memref<200x8x32x8x128xf32, #tpu.memory_space<hbm>> -> memref<1x1x1x8x128xf32, #tpu.memory_space<hbm>>
        %dma_wait3A_633 = tpu.memref_squeeze %dma_wait3A_632 : memref<1x1x1x8x128xf32, #tpu.memory_space<hbm>> -> memref<8x128xf32, #tpu.memory_space<hbm>>
        %dma_wait3A_634 = arith.constant 16 : i32
        %dma_wait3A_635 = arith.constant 0 : i32
        %dma_wait3A_636 = tpu.memref_slice %arg11[%dma_wait3A_634, %dma_wait3A_635] : memref<64x129xf32, #tpu.memory_space<vmem>> -> memref<8x128xf32, #tpu.memory_space<vmem>>
        tpu.wait_dma2 semaphore(%arg15 : memref<!tpu.dma_semaphore, #tpu.memory_space<semaphore_mem>>) src(%dma_wait3A_636 : memref<8x128xf32, #tpu.memory_space<vmem>>) dst(%dma_wait3A_633 : memref<8x128xf32, #tpu.memory_space<hbm>>)
        %dma_wait3A_637 = arith.constant 3 : i32
        %dma_wait3A_638 = arith.constant 24 : i32
        %dma_wait3A_639 = arith.constant 0 : i32
        %dma_wait3A_640 = tpu.memref_slice %arg11[%dma_wait3A_638, %dma_wait3A_639] : memref<64x129xf32, #tpu.memory_space<vmem>> -> memref<8x128xf32, #tpu.memory_space<vmem>>
        %dma_wait3A_641 = arith.constant 0 : i32
        %dma_wait3A_642 = arith.constant 0 : i32
        %dma_wait3A_643 = tpu.memref_slice %arg5[%add3A_440, %dma_wait3A_637, %add3A, %dma_wait3A_641, %dma_wait3A_642] : memref<200x8x32x8x128xf32, #tpu.memory_space<hbm>> -> memref<1x1x1x8x128xf32, #tpu.memory_space<hbm>>
        %dma_wait3A_644 = tpu.memref_squeeze %dma_wait3A_643 : memref<1x1x1x8x128xf32, #tpu.memory_space<hbm>> -> memref<8x128xf32, #tpu.memory_space<hbm>>
        %dma_wait3A_645 = arith.constant 0 : i32
        %dma_wait3A_646 = arith.constant 0 : i32
        %dma_wait3A_647 = tpu.memref_slice %arg5[%add3A_440, %dma_wait3A_637, %add3A, %dma_wait3A_645, %dma_wait3A_646] : memref<200x8x32x8x128xf32, #tpu.memory_space<hbm>> -> memref<1x1x1x8x128xf32, #tpu.memory_space<hbm>>
        %dma_wait3A_648 = tpu.memref_squeeze %dma_wait3A_647 : memref<1x1x1x8x128xf32, #tpu.memory_space<hbm>> -> memref<8x128xf32, #tpu.memory_space<hbm>>
        %dma_wait3A_649 = arith.constant 24 : i32
        %dma_wait3A_650 = arith.constant 0 : i32
        %dma_wait3A_651 = tpu.memref_slice %arg11[%dma_wait3A_649, %dma_wait3A_650] : memref<64x129xf32, #tpu.memory_space<vmem>> -> memref<8x128xf32, #tpu.memory_space<vmem>>
        tpu.wait_dma2 semaphore(%arg15 : memref<!tpu.dma_semaphore, #tpu.memory_space<semaphore_mem>>) src(%dma_wait3A_651 : memref<8x128xf32, #tpu.memory_space<vmem>>) dst(%dma_wait3A_648 : memref<8x128xf32, #tpu.memory_space<hbm>>)
        %dma_wait3A_652 = arith.constant 4 : i32
        %dma_wait3A_653 = arith.constant 32 : i32
        %dma_wait3A_654 = arith.constant 0 : i32
        %dma_wait3A_655 = tpu.memref_slice %arg11[%dma_wait3A_653, %dma_wait3A_654] : memref<64x129xf32, #tpu.memory_space<vmem>> -> memref<8x128xf32, #tpu.memory_space<vmem>>
        %dma_wait3A_656 = arith.constant 0 : i32
        %dma_wait3A_657 = arith.constant 0 : i32
        %dma_wait3A_658 = tpu.memref_slice %arg5[%add3A_440, %dma_wait3A_652, %add3A, %dma_wait3A_656, %dma_wait3A_657] : memref<200x8x32x8x128xf32, #tpu.memory_space<hbm>> -> memref<1x1x1x8x128xf32, #tpu.memory_space<hbm>>
        %dma_wait3A_659 = tpu.memref_squeeze %dma_wait3A_658 : memref<1x1x1x8x128xf32, #tpu.memory_space<hbm>> -> memref<8x128xf32, #tpu.memory_space<hbm>>
        %dma_wait3A_660 = arith.constant 0 : i32
        %dma_wait3A_661 = arith.constant 0 : i32
        %dma_wait3A_662 = tpu.memref_slice %arg5[%add3A_440, %dma_wait3A_652, %add3A, %dma_wait3A_660, %dma_wait3A_661] : memref<200x8x32x8x128xf32, #tpu.memory_space<hbm>> -> memref<1x1x1x8x128xf32, #tpu.memory_space<hbm>>
        %dma_wait3A_663 = tpu.memref_squeeze %dma_wait3A_662 : memref<1x1x1x8x128xf32, #tpu.memory_space<hbm>> -> memref<8x128xf32, #tpu.memory_space<hbm>>
        %dma_wait3A_664 = arith.constant 32 : i32
        %dma_wait3A_665 = arith.constant 0 : i32
        %dma_wait3A_666 = tpu.memref_slice %arg11[%dma_wait3A_664, %dma_wait3A_665] : memref<64x129xf32, #tpu.memory_space<vmem>> -> memref<8x128xf32, #tpu.memory_space<vmem>>
        tpu.wait_dma2 semaphore(%arg15 : memref<!tpu.dma_semaphore, #tpu.memory_space<semaphore_mem>>) src(%dma_wait3A_666 : memref<8x128xf32, #tpu.memory_space<vmem>>) dst(%dma_wait3A_663 : memref<8x128xf32, #tpu.memory_space<hbm>>)
        %dma_wait3A_667 = arith.constant 5 : i32
        %dma_wait3A_668 = arith.constant 40 : i32
        %dma_wait3A_669 = arith.constant 0 : i32
        %dma_wait3A_670 = tpu.memref_slice %arg11[%dma_wait3A_668, %dma_wait3A_669] : memref<64x129xf32, #tpu.memory_space<vmem>> -> memref<8x128xf32, #tpu.memory_space<vmem>>
        %dma_wait3A_671 = arith.constant 0 : i32
        %dma_wait3A_672 = arith.constant 0 : i32
        %dma_wait3A_673 = tpu.memref_slice %arg5[%add3A_440, %dma_wait3A_667, %add3A, %dma_wait3A_671, %dma_wait3A_672] : memref<200x8x32x8x128xf32, #tpu.memory_space<hbm>> -> memref<1x1x1x8x128xf32, #tpu.memory_space<hbm>>
        %dma_wait3A_674 = tpu.memref_squeeze %dma_wait3A_673 : memref<1x1x1x8x128xf32, #tpu.memory_space<hbm>> -> memref<8x128xf32, #tpu.memory_space<hbm>>
        %dma_wait3A_675 = arith.constant 0 : i32
        %dma_wait3A_676 = arith.constant 0 : i32
        %dma_wait3A_677 = tpu.memref_slice %arg5[%add3A_440, %dma_wait3A_667, %add3A, %dma_wait3A_675, %dma_wait3A_676] : memref<200x8x32x8x128xf32, #tpu.memory_space<hbm>> -> memref<1x1x1x8x128xf32, #tpu.memory_space<hbm>>
        %dma_wait3A_678 = tpu.memref_squeeze %dma_wait3A_677 : memref<1x1x1x8x128xf32, #tpu.memory_space<hbm>> -> memref<8x128xf32, #tpu.memory_space<hbm>>
        %dma_wait3A_679 = arith.constant 40 : i32
        %dma_wait3A_680 = arith.constant 0 : i32
        %dma_wait3A_681 = tpu.memref_slice %arg11[%dma_wait3A_679, %dma_wait3A_680] : memref<64x129xf32, #tpu.memory_space<vmem>> -> memref<8x128xf32, #tpu.memory_space<vmem>>
        tpu.wait_dma2 semaphore(%arg15 : memref<!tpu.dma_semaphore, #tpu.memory_space<semaphore_mem>>) src(%dma_wait3A_681 : memref<8x128xf32, #tpu.memory_space<vmem>>) dst(%dma_wait3A_678 : memref<8x128xf32, #tpu.memory_space<hbm>>)
        %dma_wait3A_682 = arith.constant 6 : i32
        %dma_wait3A_683 = arith.constant 48 : i32
        %dma_wait3A_684 = arith.constant 0 : i32
        %dma_wait3A_685 = tpu.memref_slice %arg11[%dma_wait3A_683, %dma_wait3A_684] : memref<64x129xf32, #tpu.memory_space<vmem>> -> memref<8x128xf32, #tpu.memory_space<vmem>>
        %dma_wait3A_686 = arith.constant 0 : i32
        %dma_wait3A_687 = arith.constant 0 : i32
        %dma_wait3A_688 = tpu.memref_slice %arg5[%add3A_440, %dma_wait3A_682, %add3A, %dma_wait3A_686, %dma_wait3A_687] : memref<200x8x32x8x128xf32, #tpu.memory_space<hbm>> -> memref<1x1x1x8x128xf32, #tpu.memory_space<hbm>>
        %dma_wait3A_689 = tpu.memref_squeeze %dma_wait3A_688 : memref<1x1x1x8x128xf32, #tpu.memory_space<hbm>> -> memref<8x128xf32, #tpu.memory_space<hbm>>
        %dma_wait3A_690 = arith.constant 0 : i32
        %dma_wait3A_691 = arith.constant 0 : i32
        %dma_wait3A_692 = tpu.memref_slice %arg5[%add3A_440, %dma_wait3A_682, %add3A, %dma_wait3A_690, %dma_wait3A_691] : memref<200x8x32x8x128xf32, #tpu.memory_space<hbm>> -> memref<1x1x1x8x128xf32, #tpu.memory_space<hbm>>
        %dma_wait3A_693 = tpu.memref_squeeze %dma_wait3A_692 : memref<1x1x1x8x128xf32, #tpu.memory_space<hbm>> -> memref<8x128xf32, #tpu.memory_space<hbm>>
        %dma_wait3A_694 = arith.constant 48 : i32
        %dma_wait3A_695 = arith.constant 0 : i32
        %dma_wait3A_696 = tpu.memref_slice %arg11[%dma_wait3A_694, %dma_wait3A_695] : memref<64x129xf32, #tpu.memory_space<vmem>> -> memref<8x128xf32, #tpu.memory_space<vmem>>
        tpu.wait_dma2 semaphore(%arg15 : memref<!tpu.dma_semaphore, #tpu.memory_space<semaphore_mem>>) src(%dma_wait3A_696 : memref<8x128xf32, #tpu.memory_space<vmem>>) dst(%dma_wait3A_693 : memref<8x128xf32, #tpu.memory_space<hbm>>)
        %dma_wait3A_697 = arith.constant 7 : i32
        %dma_wait3A_698 = arith.constant 56 : i32
        %dma_wait3A_699 = arith.constant 0 : i32
        %dma_wait3A_700 = tpu.memref_slice %arg11[%dma_wait3A_698, %dma_wait3A_699] : memref<64x129xf32, #tpu.memory_space<vmem>> -> memref<8x128xf32, #tpu.memory_space<vmem>>
        %dma_wait3A_701 = arith.constant 0 : i32
        %dma_wait3A_702 = arith.constant 0 : i32
        %dma_wait3A_703 = tpu.memref_slice %arg5[%add3A_440, %dma_wait3A_697, %add3A, %dma_wait3A_701, %dma_wait3A_702] : memref<200x8x32x8x128xf32, #tpu.memory_space<hbm>> -> memref<1x1x1x8x128xf32, #tpu.memory_space<hbm>>
        %dma_wait3A_704 = tpu.memref_squeeze %dma_wait3A_703 : memref<1x1x1x8x128xf32, #tpu.memory_space<hbm>> -> memref<8x128xf32, #tpu.memory_space<hbm>>
        %dma_wait3A_705 = arith.constant 0 : i32
        %dma_wait3A_706 = arith.constant 0 : i32
        %dma_wait3A_707 = tpu.memref_slice %arg5[%add3A_440, %dma_wait3A_697, %add3A, %dma_wait3A_705, %dma_wait3A_706] : memref<200x8x32x8x128xf32, #tpu.memory_space<hbm>> -> memref<1x1x1x8x128xf32, #tpu.memory_space<hbm>>
        %dma_wait3A_708 = tpu.memref_squeeze %dma_wait3A_707 : memref<1x1x1x8x128xf32, #tpu.memory_space<hbm>> -> memref<8x128xf32, #tpu.memory_space<hbm>>
        %dma_wait3A_709 = arith.constant 56 : i32
        %dma_wait3A_710 = arith.constant 0 : i32
        %dma_wait3A_711 = tpu.memref_slice %arg11[%dma_wait3A_709, %dma_wait3A_710] : memref<64x129xf32, #tpu.memory_space<vmem>> -> memref<8x128xf32, #tpu.memory_space<vmem>>
        tpu.wait_dma2 semaphore(%arg15 : memref<!tpu.dma_semaphore, #tpu.memory_space<semaphore_mem>>) src(%dma_wait3A_711 : memref<8x128xf32, #tpu.memory_space<vmem>>) dst(%dma_wait3A_708 : memref<8x128xf32, #tpu.memory_space<hbm>>)
      } else {
      }
      %get3A_452 = arith.index_cast %add3A_440 : i32 to index
      %get3A_453 = arith.constant 0 : index
      %get3A_454 = tpu.vector_load %arg7[%get3A_452, %get3A_453] {strides = array<i32>} : memref<200x80xf32, #tpu.memory_space<vmem>>, vector<16xf32>,
      %get3A_455 = arith.index_cast %add3A_440 : i32 to index
      %get3A_456 = arith.constant 16 : index
      %get3A_457 = tpu.vector_load %arg7[%get3A_455, %get3A_456] {strides = array<i32>} : memref<200x80xf32, #tpu.memory_space<vmem>>, vector<16xf32>,
      %get3A_458 = arith.index_cast %add3A_440 : i32 to index
      %get3A_459 = arith.constant 32 : index
      %get3A_460 = tpu.vector_load %arg7[%get3A_458, %get3A_459] {strides = array<i32>} : memref<200x80xf32, #tpu.memory_space<vmem>>, vector<16xf32>,
      %get3A_461 = arith.index_cast %add3A_440 : i32 to index
      %get3A_462 = arith.constant 48 : index
      %get3A_463 = tpu.vector_load %arg7[%get3A_461, %get3A_462] {strides = array<i32>} : memref<200x80xf32, #tpu.memory_space<vmem>>, vector<16xf32>,
      %parallel_loop3A_464 = arith.constant 0 : i32
      %parallel_loop3A_465 = arith.constant 128 : i32
      %parallel_loop3A_466 = arith.constant 1 : i32
      scf.for %parallel_loop3A_592 = %parallel_loop3A_464 to %parallel_loop3A_465 step %parallel_loop3A_466  : i32 {
        %parallel_loop3A_593 = vector.broadcast %parallel_loop3A_592 : i32 to vector<16xi32>
        %parallel_loop3A_594 = arith.index_cast %parallel_loop3A_592 : i32 to index
        %parallel_loop3A_595 = arith.constant 0 : index
        %parallel_loop3A_596 = tpu.vector_load %arg9[%parallel_loop3A_594, %parallel_loop3A_595] {strides = array<i32>} : memref<128x64xf32, #tpu.memory_space<vmem>>, vector<16xf32>,
        %parallel_loop3A_597 = arith.addf %parallel_loop3A_596, %get3A_454 : vector<16xf32>
        tpu.vector_store_idx %arg11[%add3A_5, %parallel_loop3A_593], %parallel_loop3A_597 : memref<64x129xf32, #tpu.memory_space<vmem>>[vector<16xi32>, vector<16xi32>], vector<16xf32>,
        %parallel_loop3A_598 = arith.index_cast %parallel_loop3A_592 : i32 to index
        %parallel_loop3A_599 = arith.constant 16 : index
        %parallel_loop3A_600 = tpu.vector_load %arg9[%parallel_loop3A_598, %parallel_loop3A_599] {strides = array<i32>} : memref<128x64xf32, #tpu.memory_space<vmem>>, vector<16xf32>,
        %parallel_loop3A_601 = arith.addf %parallel_loop3A_600, %get3A_457 : vector<16xf32>
        tpu.vector_store_idx %arg11[%add3A_8, %parallel_loop3A_593], %parallel_loop3A_601 : memref<64x129xf32, #tpu.memory_space<vmem>>[vector<16xi32>, vector<16xi32>], vector<16xf32>,
        %parallel_loop3A_602 = arith.index_cast %parallel_loop3A_592 : i32 to index
        %parallel_loop3A_603 = arith.constant 32 : index
        %parallel_loop3A_604 = tpu.vector_load %arg9[%parallel_loop3A_602, %parallel_loop3A_603] {strides = array<i32>} : memref<128x64xf32, #tpu.memory_space<vmem>>, vector<16xf32>,
        %parallel_loop3A_605 = arith.addf %parallel_loop3A_604, %get3A_460 : vector<16xf32>
        tpu.vector_store_idx %arg11[%add3A_11, %parallel_loop3A_593], %parallel_loop3A_605 : memref<64x129xf32, #tpu.memory_space<vmem>>[vector<16xi32>, vector<16xi32>], vector<16xf32>,
        %parallel_loop3A_606 = arith.index_cast %parallel_loop3A_592 : i32 to index
        %parallel_loop3A_607 = arith.constant 48 : index
        %parallel_loop3A_608 = tpu.vector_load %arg9[%parallel_loop3A_606, %parallel_loop3A_607] {strides = array<i32>} : memref<128x64xf32, #tpu.memory_space<vmem>>, vector<16xf32>,
        %parallel_loop3A_609 = arith.addf %parallel_loop3A_608, %get3A_463 : vector<16xf32>
        tpu.vector_store_idx %arg11[%add3A_14, %parallel_loop3A_593], %parallel_loop3A_609 : memref<64x129xf32, #tpu.memory_space<vmem>>[vector<16xi32>, vector<16xi32>], vector<16xf32>,
      } {sc.loop_unroll_factor = 8 : i64, sc.parallel_access}
      %dma_start3A_467 = arith.constant 0 : i32
      %dma_start3A_468 = arith.constant 0 : i32
      %dma_start3A_469 = arith.constant 0 : i32
      %dma_start3A_470 = tpu.memref_slice %arg11[%dma_start3A_468, %dma_start3A_469] : memref<64x129xf32, #tpu.memory_space<vmem>> -> memref<8x128xf32, #tpu.memory_space<vmem>>
      %dma_start3A_471 = arith.constant 0 : i32
      %dma_start3A_472 = arith.constant 0 : i32
      %dma_start3A_473 = tpu.memref_slice %arg5[%add3A_440, %dma_start3A_467, %add3A, %dma_start3A_471, %dma_start3A_472] : memref<200x8x32x8x128xf32, #tpu.memory_space<hbm>> -> memref<1x1x1x8x128xf32, #tpu.memory_space<hbm>>
      %dma_start3A_474 = tpu.memref_squeeze %dma_start3A_473 : memref<1x1x1x8x128xf32, #tpu.memory_space<hbm>> -> memref<8x128xf32, #tpu.memory_space<hbm>>
      %dma_start3A_475 = arith.constant 0 : i32
      %dma_start3A_476 = arith.constant 0 : i32
      %dma_start3A_477 = tpu.memref_slice %arg5[%add3A_440, %dma_start3A_467, %add3A, %dma_start3A_475, %dma_start3A_476] : memref<200x8x32x8x128xf32, #tpu.memory_space<hbm>> -> memref<1x1x1x8x128xf32, #tpu.memory_space<hbm>>
      %dma_start3A_478 = tpu.memref_squeeze %dma_start3A_477 : memref<1x1x1x8x128xf32, #tpu.memory_space<hbm>> -> memref<8x128xf32, #tpu.memory_space<hbm>>
      %dma_start3A_479 = arith.constant 0 : i32
      %dma_start3A_480 = arith.constant 0 : i32
      %dma_start3A_481 = tpu.memref_slice %arg11[%dma_start3A_479, %dma_start3A_480] : memref<64x129xf32, #tpu.memory_space<vmem>> -> memref<8x128xf32, #tpu.memory_space<vmem>>
      tpu.enqueue_dma source(%dma_start3A_481 : memref<8x128xf32, #tpu.memory_space<vmem>>) target(%dma_start3A_478 : memref<8x128xf32, #tpu.memory_space<hbm>>) target_semaphore(%arg15 : memref<!tpu.dma_semaphore, #tpu.memory_space<semaphore_mem>>)
      %dma_start3A_482 = arith.constant 1 : i32
      %dma_start3A_483 = arith.constant 8 : i32
      %dma_start3A_484 = arith.constant 0 : i32
      %dma_start3A_485 = tpu.memref_slice %arg11[%dma_start3A_483, %dma_start3A_484] : memref<64x129xf32, #tpu.memory_space<vmem>> -> memref<8x128xf32, #tpu.memory_space<vmem>>
      %dma_start3A_486 = arith.constant 0 : i32
      %dma_start3A_487 = arith.constant 0 : i32
      %dma_start3A_488 = tpu.memref_slice %arg5[%add3A_440, %dma_start3A_482, %add3A, %dma_start3A_486, %dma_start3A_487] : memref<200x8x32x8x128xf32, #tpu.memory_space<hbm>> -> memref<1x1x1x8x128xf32, #tpu.memory_space<hbm>>
      %dma_start3A_489 = tpu.memref_squeeze %dma_start3A_488 : memref<1x1x1x8x128xf32, #tpu.memory_space<hbm>> -> memref<8x128xf32, #tpu.memory_space<hbm>>
      %dma_start3A_490 = arith.constant 0 : i32
      %dma_start3A_491 = arith.constant 0 : i32
      %dma_start3A_492 = tpu.memref_slice %arg5[%add3A_440, %dma_start3A_482, %add3A, %dma_start3A_490, %dma_start3A_491] : memref<200x8x32x8x128xf32, #tpu.memory_space<hbm>> -> memref<1x1x1x8x128xf32, #tpu.memory_space<hbm>>
      %dma_start3A_493 = tpu.memref_squeeze %dma_start3A_492 : memref<1x1x1x8x128xf32, #tpu.memory_space<hbm>> -> memref<8x128xf32, #tpu.memory_space<hbm>>
      %dma_start3A_494 = arith.constant 8 : i32
      %dma_start3A_495 = arith.constant 0 : i32
      %dma_start3A_496 = tpu.memref_slice %arg11[%dma_start3A_494, %dma_start3A_495] : memref<64x129xf32, #tpu.memory_space<vmem>> -> memref<8x128xf32, #tpu.memory_space<vmem>>
      tpu.enqueue_dma source(%dma_start3A_496 : memref<8x128xf32, #tpu.memory_space<vmem>>) target(%dma_start3A_493 : memref<8x128xf32, #tpu.memory_space<hbm>>) target_semaphore(%arg15 : memref<!tpu.dma_semaphore, #tpu.memory_space<semaphore_mem>>)
      %dma_start3A_497 = arith.constant 2 : i32
      %dma_start3A_498 = arith.constant 16 : i32
      %dma_start3A_499 = arith.constant 0 : i32
      %dma_start3A_500 = tpu.memref_slice %arg11[%dma_start3A_498, %dma_start3A_499] : memref<64x129xf32, #tpu.memory_space<vmem>> -> memref<8x128xf32, #tpu.memory_space<vmem>>
      %dma_start3A_501 = arith.constant 0 : i32
      %dma_start3A_502 = arith.constant 0 : i32
      %dma_start3A_503 = tpu.memref_slice %arg5[%add3A_440, %dma_start3A_497, %add3A, %dma_start3A_501, %dma_start3A_502] : memref<200x8x32x8x128xf32, #tpu.memory_space<hbm>> -> memref<1x1x1x8x128xf32, #tpu.memory_space<hbm>>
      %dma_start3A_504 = tpu.memref_squeeze %dma_start3A_503 : memref<1x1x1x8x128xf32, #tpu.memory_space<hbm>> -> memref<8x128xf32, #tpu.memory_space<hbm>>
      %dma_start3A_505 = arith.constant 0 : i32
      %dma_start3A_506 = arith.constant 0 : i32
      %dma_start3A_507 = tpu.memref_slice %arg5[%add3A_440, %dma_start3A_497, %add3A, %dma_start3A_505, %dma_start3A_506] : memref<200x8x32x8x128xf32, #tpu.memory_space<hbm>> -> memref<1x1x1x8x128xf32, #tpu.memory_space<hbm>>
      %dma_start3A_508 = tpu.memref_squeeze %dma_start3A_507 : memref<1x1x1x8x128xf32, #tpu.memory_space<hbm>> -> memref<8x128xf32, #tpu.memory_space<hbm>>
      %dma_start3A_509 = arith.constant 16 : i32
      %dma_start3A_510 = arith.constant 0 : i32
      %dma_start3A_511 = tpu.memref_slice %arg11[%dma_start3A_509, %dma_start3A_510] : memref<64x129xf32, #tpu.memory_space<vmem>> -> memref<8x128xf32, #tpu.memory_space<vmem>>
      tpu.enqueue_dma source(%dma_start3A_511 : memref<8x128xf32, #tpu.memory_space<vmem>>) target(%dma_start3A_508 : memref<8x128xf32, #tpu.memory_space<hbm>>) target_semaphore(%arg15 : memref<!tpu.dma_semaphore, #tpu.memory_space<semaphore_mem>>)
      %dma_start3A_512 = arith.constant 3 : i32
      %dma_start3A_513 = arith.constant 24 : i32
      %dma_start3A_514 = arith.constant 0 : i32
      %dma_start3A_515 = tpu.memref_slice %arg11[%dma_start3A_513, %dma_start3A_514] : memref<64x129xf32, #tpu.memory_space<vmem>> -> memref<8x128xf32, #tpu.memory_space<vmem>>
      %dma_start3A_516 = arith.constant 0 : i32
      %dma_start3A_517 = arith.constant 0 : i32
      %dma_start3A_518 = tpu.memref_slice %arg5[%add3A_440, %dma_start3A_512, %add3A, %dma_start3A_516, %dma_start3A_517] : memref<200x8x32x8x128xf32, #tpu.memory_space<hbm>> -> memref<1x1x1x8x128xf32, #tpu.memory_space<hbm>>
      %dma_start3A_519 = tpu.memref_squeeze %dma_start3A_518 : memref<1x1x1x8x128xf32, #tpu.memory_space<hbm>> -> memref<8x128xf32, #tpu.memory_space<hbm>>
      %dma_start3A_520 = arith.constant 0 : i32
      %dma_start3A_521 = arith.constant 0 : i32
      %dma_start3A_522 = tpu.memref_slice %arg5[%add3A_440, %dma_start3A_512, %add3A, %dma_start3A_520, %dma_start3A_521] : memref<200x8x32x8x128xf32, #tpu.memory_space<hbm>> -> memref<1x1x1x8x128xf32, #tpu.memory_space<hbm>>
      %dma_start3A_523 = tpu.memref_squeeze %dma_start3A_522 : memref<1x1x1x8x128xf32, #tpu.memory_space<hbm>> -> memref<8x128xf32, #tpu.memory_space<hbm>>
      %dma_start3A_524 = arith.constant 24 : i32
      %dma_start3A_525 = arith.constant 0 : i32
      %dma_start3A_526 = tpu.memref_slice %arg11[%dma_start3A_524, %dma_start3A_525] : memref<64x129xf32, #tpu.memory_space<vmem>> -> memref<8x128xf32, #tpu.memory_space<vmem>>
      tpu.enqueue_dma source(%dma_start3A_526 : memref<8x128xf32, #tpu.memory_space<vmem>>) target(%dma_start3A_523 : memref<8x128xf32, #tpu.memory_space<hbm>>) target_semaphore(%arg15 : memref<!tpu.dma_semaphore, #tpu.memory_space<semaphore_mem>>)
      %dma_start3A_527 = arith.constant 4 : i32
      %dma_start3A_528 = arith.constant 32 : i32
      %dma_start3A_529 = arith.constant 0 : i32
      %dma_start3A_530 = tpu.memref_slice %arg11[%dma_start3A_528, %dma_start3A_529] : memref<64x129xf32, #tpu.memory_space<vmem>> -> memref<8x128xf32, #tpu.memory_space<vmem>>
      %dma_start3A_531 = arith.constant 0 : i32
      %dma_start3A_532 = arith.constant 0 : i32
      %dma_start3A_533 = tpu.memref_slice %arg5[%add3A_440, %dma_start3A_527, %add3A, %dma_start3A_531, %dma_start3A_532] : memref<200x8x32x8x128xf32, #tpu.memory_space<hbm>> -> memref<1x1x1x8x128xf32, #tpu.memory_space<hbm>>
      %dma_start3A_534 = tpu.memref_squeeze %dma_start3A_533 : memref<1x1x1x8x128xf32, #tpu.memory_space<hbm>> -> memref<8x128xf32, #tpu.memory_space<hbm>>
      %dma_start3A_535 = arith.constant 0 : i32
      %dma_start3A_536 = arith.constant 0 : i32
      %dma_start3A_537 = tpu.memref_slice %arg5[%add3A_440, %dma_start3A_527, %add3A, %dma_start3A_535, %dma_start3A_536] : memref<200x8x32x8x128xf32, #tpu.memory_space<hbm>> -> memref<1x1x1x8x128xf32, #tpu.memory_space<hbm>>
      %dma_start3A_538 = tpu.memref_squeeze %dma_start3A_537 : memref<1x1x1x8x128xf32, #tpu.memory_space<hbm>> -> memref<8x128xf32, #tpu.memory_space<hbm>>
      %dma_start3A_539 = arith.constant 32 : i32
      %dma_start3A_540 = arith.constant 0 : i32
      %dma_start3A_541 = tpu.memref_slice %arg11[%dma_start3A_539, %dma_start3A_540] : memref<64x129xf32, #tpu.memory_space<vmem>> -> memref<8x128xf32, #tpu.memory_space<vmem>>
      tpu.enqueue_dma source(%dma_start3A_541 : memref<8x128xf32, #tpu.memory_space<vmem>>) target(%dma_start3A_538 : memref<8x128xf32, #tpu.memory_space<hbm>>) target_semaphore(%arg15 : memref<!tpu.dma_semaphore, #tpu.memory_space<semaphore_mem>>)
      %dma_start3A_542 = arith.constant 5 : i32
      %dma_start3A_543 = arith.constant 40 : i32
      %dma_start3A_544 = arith.constant 0 : i32
      %dma_start3A_545 = tpu.memref_slice %arg11[%dma_start3A_543, %dma_start3A_544] : memref<64x129xf32, #tpu.memory_space<vmem>> -> memref<8x128xf32, #tpu.memory_space<vmem>>
      %dma_start3A_546 = arith.constant 0 : i32
      %dma_start3A_547 = arith.constant 0 : i32
      %dma_start3A_548 = tpu.memref_slice %arg5[%add3A_440, %dma_start3A_542, %add3A, %dma_start3A_546, %dma_start3A_547] : memref<200x8x32x8x128xf32, #tpu.memory_space<hbm>> -> memref<1x1x1x8x128xf32, #tpu.memory_space<hbm>>
      %dma_start3A_549 = tpu.memref_squeeze %dma_start3A_548 : memref<1x1x1x8x128xf32, #tpu.memory_space<hbm>> -> memref<8x128xf32, #tpu.memory_space<hbm>>
      %dma_start3A_550 = arith.constant 0 : i32
      %dma_start3A_551 = arith.constant 0 : i32
      %dma_start3A_552 = tpu.memref_slice %arg5[%add3A_440, %dma_start3A_542, %add3A, %dma_start3A_550, %dma_start3A_551] : memref<200x8x32x8x128xf32, #tpu.memory_space<hbm>> -> memref<1x1x1x8x128xf32, #tpu.memory_space<hbm>>
      %dma_start3A_553 = tpu.memref_squeeze %dma_start3A_552 : memref<1x1x1x8x128xf32, #tpu.memory_space<hbm>> -> memref<8x128xf32, #tpu.memory_space<hbm>>
      %dma_start3A_554 = arith.constant 40 : i32
      %dma_start3A_555 = arith.constant 0 : i32
      %dma_start3A_556 = tpu.memref_slice %arg11[%dma_start3A_554, %dma_start3A_555] : memref<64x129xf32, #tpu.memory_space<vmem>> -> memref<8x128xf32, #tpu.memory_space<vmem>>
      tpu.enqueue_dma source(%dma_start3A_556 : memref<8x128xf32, #tpu.memory_space<vmem>>) target(%dma_start3A_553 : memref<8x128xf32, #tpu.memory_space<hbm>>) target_semaphore(%arg15 : memref<!tpu.dma_semaphore, #tpu.memory_space<semaphore_mem>>)
      %dma_start3A_557 = arith.constant 6 : i32
      %dma_start3A_558 = arith.constant 48 : i32
      %dma_start3A_559 = arith.constant 0 : i32
      %dma_start3A_560 = tpu.memref_slice %arg11[%dma_start3A_558, %dma_start3A_559] : memref<64x129xf32, #tpu.memory_space<vmem>> -> memref<8x128xf32, #tpu.memory_space<vmem>>
      %dma_start3A_561 = arith.constant 0 : i32
      %dma_start3A_562 = arith.constant 0 : i32
      %dma_start3A_563 = tpu.memref_slice %arg5[%add3A_440, %dma_start3A_557, %add3A, %dma_start3A_561, %dma_start3A_562] : memref<200x8x32x8x128xf32, #tpu.memory_space<hbm>> -> memref<1x1x1x8x128xf32, #tpu.memory_space<hbm>>
      %dma_start3A_564 = tpu.memref_squeeze %dma_start3A_563 : memref<1x1x1x8x128xf32, #tpu.memory_space<hbm>> -> memref<8x128xf32, #tpu.memory_space<hbm>>
      %dma_start3A_565 = arith.constant 0 : i32
      %dma_start3A_566 = arith.constant 0 : i32
      %dma_start3A_567 = tpu.memref_slice %arg5[%add3A_440, %dma_start3A_557, %add3A, %dma_start3A_565, %dma_start3A_566] : memref<200x8x32x8x128xf32, #tpu.memory_space<hbm>> -> memref<1x1x1x8x128xf32, #tpu.memory_space<hbm>>
      %dma_start3A_568 = tpu.memref_squeeze %dma_start3A_567 : memref<1x1x1x8x128xf32, #tpu.memory_space<hbm>> -> memref<8x128xf32, #tpu.memory_space<hbm>>
      %dma_start3A_569 = arith.constant 48 : i32
      %dma_start3A_570 = arith.constant 0 : i32
      %dma_start3A_571 = tpu.memref_slice %arg11[%dma_start3A_569, %dma_start3A_570] : memref<64x129xf32, #tpu.memory_space<vmem>> -> memref<8x128xf32, #tpu.memory_space<vmem>>
      tpu.enqueue_dma source(%dma_start3A_571 : memref<8x128xf32, #tpu.memory_space<vmem>>) target(%dma_start3A_568 : memref<8x128xf32, #tpu.memory_space<hbm>>) target_semaphore(%arg15 : memref<!tpu.dma_semaphore, #tpu.memory_space<semaphore_mem>>)
      %dma_start3A_572 = arith.constant 7 : i32
      %dma_start3A_573 = arith.constant 56 : i32
      %dma_start3A_574 = arith.constant 0 : i32
      %dma_start3A_575 = tpu.memref_slice %arg11[%dma_start3A_573, %dma_start3A_574] : memref<64x129xf32, #tpu.memory_space<vmem>> -> memref<8x128xf32, #tpu.memory_space<vmem>>
      %dma_start3A_576 = arith.constant 0 : i32
      %dma_start3A_577 = arith.constant 0 : i32
      %dma_start3A_578 = tpu.memref_slice %arg5[%add3A_440, %dma_start3A_572, %add3A, %dma_start3A_576, %dma_start3A_577] : memref<200x8x32x8x128xf32, #tpu.memory_space<hbm>> -> memref<1x1x1x8x128xf32, #tpu.memory_space<hbm>>
      %dma_start3A_579 = tpu.memref_squeeze %dma_start3A_578 : memref<1x1x1x8x128xf32, #tpu.memory_space<hbm>> -> memref<8x128xf32, #tpu.memory_space<hbm>>
      %dma_start3A_580 = arith.constant 0 : i32
      %dma_start3A_581 = arith.constant 0 : i32
      %dma_start3A_582 = tpu.memref_slice %arg5[%add3A_440, %dma_start3A_572, %add3A, %dma_start3A_580, %dma_start3A_581] : memref<200x8x32x8x128xf32, #tpu.memory_space<hbm>> -> memref<1x1x1x8x128xf32, #tpu.memory_space<hbm>>
      %dma_start3A_583 = tpu.memref_squeeze %dma_start3A_582 : memref<1x1x1x8x128xf32, #tpu.memory_space<hbm>> -> memref<8x128xf32, #tpu.memory_space<hbm>>
      %dma_start3A_584 = arith.constant 56 : i32
      %dma_start3A_585 = arith.constant 0 : i32
      %dma_start3A_586 = tpu.memref_slice %arg11[%dma_start3A_584, %dma_start3A_585] : memref<64x129xf32, #tpu.memory_space<vmem>> -> memref<8x128xf32, #tpu.memory_space<vmem>>
      tpu.enqueue_dma source(%dma_start3A_586 : memref<8x128xf32, #tpu.memory_space<vmem>>) target(%dma_start3A_583 : memref<8x128xf32, #tpu.memory_space<hbm>>) target_semaphore(%arg15 : memref<!tpu.dma_semaphore, #tpu.memory_space<semaphore_mem>>)
      %lt3A_587 = arith.constant 198 : i32
      %lt3A_588 = arith.cmpi slt, %add3A_291, %lt3A_587 : i32
      %convert_element_type3A_589 = arith.extui %lt3A_588 : i1 to i32
      %cond3A_590 = arith.constant 0 : i32
      %cond3A_591 = arith.cmpi ne, %convert_element_type3A_589, %cond3A_590 : i32
      scf.if %cond3A_591 {
        %add3A_592 = arith.constant 2 : i32
        %add3A_593 = arith.addi %add3A_440, %add3A_592 : i32
        %dma_start3A_594 = arith.constant 0 : i32
        %dma_start3A_595 = tpu.memref_slice %arg6[%add3A_593, %dma_start3A_594] : memref<200x128xi32, #tpu.memory_space<vmem>> -> memref<1x128xi32, #tpu.memory_space<vmem>>
        %dma_start3A_596 = tpu.memref_squeeze %dma_start3A_595 : memref<1x128xi32, #tpu.memory_space<vmem>> -> memref<128xi32, #tpu.memory_space<vmem>>
        %dma_start3A_597 = arith.constant 0 : i32
        %dma_start3A_598 = arith.constant 0 : i32
        %dma_start3A_599 = tpu.memref_slice %arg4[%dma_start3A_597, %dma_start3A_598] : memref<1000000x64xf32, #tpu.memory_space<hbm>> -> memref<1000000x64xf32, #tpu.memory_space<hbm>>
        tpu.enqueue_indirect_dma source(%dma_start3A_599 : memref<1000000x64xf32, #tpu.memory_space<hbm>>) target(%arg9 : memref<128x64xf32, #tpu.memory_space<vmem>>) offsets(%dma_start3A_596 : memref<128xi32, #tpu.memory_space<vmem>>) semaphore(%arg13 : memref<!tpu.dma_semaphore, #tpu.memory_space<semaphore_mem>>)
      } else {
      }
    }
    %scan3A_31 = arith.constant 100 : i32
    %dma_wait3A = arith.constant 0 : i32
    %dma_wait3A_32 = arith.constant 0 : i32
    %dma_wait3A_33 = arith.constant 0 : i32
    %dma_wait3A_34 = arith.constant 0 : i32
    %dma_wait3A_35 = tpu.memref_slice %arg10[%dma_wait3A_33, %dma_wait3A_34] : memref<64x129xf32, #tpu.memory_space<vmem>> -> memref<8x128xf32, #tpu.memory_space<vmem>>
    %dma_wait3A_36 = arith.constant 0 : i32
    %dma_wait3A_37 = arith.constant 0 : i32
    %dma_wait3A_38 = tpu.memref_slice %arg5[%dma_wait3A, %dma_wait3A_32, %add3A, %dma_wait3A_36, %dma_wait3A_37] : memref<200x8x32x8x128xf32, #tpu.memory_space<hbm>> -> memref<1x1x1x8x128xf32, #tpu.memory_space<hbm>>
    %dma_wait3A_39 = tpu.memref_squeeze %dma_wait3A_38 : memref<1x1x1x8x128xf32, #tpu.memory_space<hbm>> -> memref<8x128xf32, #tpu.memory_space<hbm>>
    %dma_wait3A_40 = arith.constant 0 : i32
    %dma_wait3A_41 = arith.constant 0 : i32
    %dma_wait3A_42 = tpu.memref_slice %arg5[%dma_wait3A, %dma_wait3A_32, %add3A, %dma_wait3A_40, %dma_wait3A_41] : memref<200x8x32x8x128xf32, #tpu.memory_space<hbm>> -> memref<1x1x1x8x128xf32, #tpu.memory_space<hbm>>
    %dma_wait3A_43 = tpu.memref_squeeze %dma_wait3A_42 : memref<1x1x1x8x128xf32, #tpu.memory_space<hbm>> -> memref<8x128xf32, #tpu.memory_space<hbm>>
    %dma_wait3A_44 = arith.constant 0 : i32
    %dma_wait3A_45 = arith.constant 0 : i32
    %dma_wait3A_46 = tpu.memref_slice %arg10[%dma_wait3A_44, %dma_wait3A_45] : memref<64x129xf32, #tpu.memory_space<vmem>> -> memref<8x128xf32, #tpu.memory_space<vmem>>
    tpu.wait_dma2 semaphore(%arg14 : memref<!tpu.dma_semaphore, #tpu.memory_space<semaphore_mem>>) src(%dma_wait3A_46 : memref<8x128xf32, #tpu.memory_space<vmem>>) dst(%dma_wait3A_43 : memref<8x128xf32, #tpu.memory_space<hbm>>)
    %dma_wait3A_47 = arith.constant 0 : i32
    %dma_wait3A_48 = arith.constant 1 : i32
    %dma_wait3A_49 = arith.constant 8 : i32
    %dma_wait3A_50 = arith.constant 0 : i32
    %dma_wait3A_51 = tpu.memref_slice %arg10[%dma_wait3A_49, %dma_wait3A_50] : memref<64x129xf32, #tpu.memory_space<vmem>> -> memref<8x128xf32, #tpu.memory_space<vmem>>
    %dma_wait3A_52 = arith.constant 0 : i32
    %dma_wait3A_53 = arith.constant 0 : i32
    %dma_wait3A_54 = tpu.memref_slice %arg5[%dma_wait3A_47, %dma_wait3A_48, %add3A, %dma_wait3A_52, %dma_wait3A_53] : memref<200x8x32x8x128xf32, #tpu.memory_space<hbm>> -> memref<1x1x1x8x128xf32, #tpu.memory_space<hbm>>
    %dma_wait3A_55 = tpu.memref_squeeze %dma_wait3A_54 : memref<1x1x1x8x128xf32, #tpu.memory_space<hbm>> -> memref<8x128xf32, #tpu.memory_space<hbm>>
    %dma_wait3A_56 = arith.constant 0 : i32
    %dma_wait3A_57 = arith.constant 0 : i32
    %dma_wait3A_58 = tpu.memref_slice %arg5[%dma_wait3A_47, %dma_wait3A_48, %add3A, %dma_wait3A_56, %dma_wait3A_57] : memref<200x8x32x8x128xf32, #tpu.memory_space<hbm>> -> memref<1x1x1x8x128xf32, #tpu.memory_space<hbm>>
    %dma_wait3A_59 = tpu.memref_squeeze %dma_wait3A_58 : memref<1x1x1x8x128xf32, #tpu.memory_space<hbm>> -> memref<8x128xf32, #tpu.memory_space<hbm>>
    %dma_wait3A_60 = arith.constant 8 : i32
    %dma_wait3A_61 = arith.constant 0 : i32
    %dma_wait3A_62 = tpu.memref_slice %arg10[%dma_wait3A_60, %dma_wait3A_61] : memref<64x129xf32, #tpu.memory_space<vmem>> -> memref<8x128xf32, #tpu.memory_space<vmem>>
    tpu.wait_dma2 semaphore(%arg14 : memref<!tpu.dma_semaphore, #tpu.memory_space<semaphore_mem>>) src(%dma_wait3A_62 : memref<8x128xf32, #tpu.memory_space<vmem>>) dst(%dma_wait3A_59 : memref<8x128xf32, #tpu.memory_space<hbm>>)
    %dma_wait3A_63 = arith.constant 0 : i32
    %dma_wait3A_64 = arith.constant 2 : i32
    %dma_wait3A_65 = arith.constant 16 : i32
    %dma_wait3A_66 = arith.constant 0 : i32
    %dma_wait3A_67 = tpu.memref_slice %arg10[%dma_wait3A_65, %dma_wait3A_66] : memref<64x129xf32, #tpu.memory_space<vmem>> -> memref<8x128xf32, #tpu.memory_space<vmem>>
    %dma_wait3A_68 = arith.constant 0 : i32
    %dma_wait3A_69 = arith.constant 0 : i32
    %dma_wait3A_70 = tpu.memref_slice %arg5[%dma_wait3A_63, %dma_wait3A_64, %add3A, %dma_wait3A_68, %dma_wait3A_69] : memref<200x8x32x8x128xf32, #tpu.memory_space<hbm>> -> memref<1x1x1x8x128xf32, #tpu.memory_space<hbm>>
    %dma_wait3A_71 = tpu.memref_squeeze %dma_wait3A_70 : memref<1x1x1x8x128xf32, #tpu.memory_space<hbm>> -> memref<8x128xf32, #tpu.memory_space<hbm>>
    %dma_wait3A_72 = arith.constant 0 : i32
    %dma_wait3A_73 = arith.constant 0 : i32
    %dma_wait3A_74 = tpu.memref_slice %arg5[%dma_wait3A_63, %dma_wait3A_64, %add3A, %dma_wait3A_72, %dma_wait3A_73] : memref<200x8x32x8x128xf32, #tpu.memory_space<hbm>> -> memref<1x1x1x8x128xf32, #tpu.memory_space<hbm>>
    %dma_wait3A_75 = tpu.memref_squeeze %dma_wait3A_74 : memref<1x1x1x8x128xf32, #tpu.memory_space<hbm>> -> memref<8x128xf32, #tpu.memory_space<hbm>>
    %dma_wait3A_76 = arith.constant 16 : i32
    %dma_wait3A_77 = arith.constant 0 : i32
    %dma_wait3A_78 = tpu.memref_slice %arg10[%dma_wait3A_76, %dma_wait3A_77] : memref<64x129xf32, #tpu.memory_space<vmem>> -> memref<8x128xf32, #tpu.memory_space<vmem>>
    tpu.wait_dma2 semaphore(%arg14 : memref<!tpu.dma_semaphore, #tpu.memory_space<semaphore_mem>>) src(%dma_wait3A_78 : memref<8x128xf32, #tpu.memory_space<vmem>>) dst(%dma_wait3A_75 : memref<8x128xf32, #tpu.memory_space<hbm>>)
    %dma_wait3A_79 = arith.constant 0 : i32
    %dma_wait3A_80 = arith.constant 3 : i32
    %dma_wait3A_81 = arith.constant 24 : i32
    %dma_wait3A_82 = arith.constant 0 : i32
    %dma_wait3A_83 = tpu.memref_slice %arg10[%dma_wait3A_81, %dma_wait3A_82] : memref<64x129xf32, #tpu.memory_space<vmem>> -> memref<8x128xf32, #tpu.memory_space<vmem>>
    %dma_wait3A_84 = arith.constant 0 : i32
    %dma_wait3A_85 = arith.constant 0 : i32
    %dma_wait3A_86 = tpu.memref_slice %arg5[%dma_wait3A_79, %dma_wait3A_80, %add3A, %dma_wait3A_84, %dma_wait3A_85] : memref<200x8x32x8x128xf32, #tpu.memory_space<hbm>> -> memref<1x1x1x8x128xf32, #tpu.memory_space<hbm>>
    %dma_wait3A_87 = tpu.memref_squeeze %dma_wait3A_86 : memref<1x1x1x8x128xf32, #tpu.memory_space<hbm>> -> memref<8x128xf32, #tpu.memory_space<hbm>>
    %dma_wait3A_88 = arith.constant 0 : i32
    %dma_wait3A_89 = arith.constant 0 : i32
    %dma_wait3A_90 = tpu.memref_slice %arg5[%dma_wait3A_79, %dma_wait3A_80, %add3A, %dma_wait3A_88, %dma_wait3A_89] : memref<200x8x32x8x128xf32, #tpu.memory_space<hbm>> -> memref<1x1x1x8x128xf32, #tpu.memory_space<hbm>>
    %dma_wait3A_91 = tpu.memref_squeeze %dma_wait3A_90 : memref<1x1x1x8x128xf32, #tpu.memory_space<hbm>> -> memref<8x128xf32, #tpu.memory_space<hbm>>
    %dma_wait3A_92 = arith.constant 24 : i32
    %dma_wait3A_93 = arith.constant 0 : i32
    %dma_wait3A_94 = tpu.memref_slice %arg10[%dma_wait3A_92, %dma_wait3A_93] : memref<64x129xf32, #tpu.memory_space<vmem>> -> memref<8x128xf32, #tpu.memory_space<vmem>>
    tpu.wait_dma2 semaphore(%arg14 : memref<!tpu.dma_semaphore, #tpu.memory_space<semaphore_mem>>) src(%dma_wait3A_94 : memref<8x128xf32, #tpu.memory_space<vmem>>) dst(%dma_wait3A_91 : memref<8x128xf32, #tpu.memory_space<hbm>>)
    %dma_wait3A_95 = arith.constant 0 : i32
    %dma_wait3A_96 = arith.constant 4 : i32
    %dma_wait3A_97 = arith.constant 32 : i32
    %dma_wait3A_98 = arith.constant 0 : i32
    %dma_wait3A_99 = tpu.memref_slice %arg10[%dma_wait3A_97, %dma_wait3A_98] : memref<64x129xf32, #tpu.memory_space<vmem>> -> memref<8x128xf32, #tpu.memory_space<vmem>>
    %dma_wait3A_100 = arith.constant 0 : i32
    %dma_wait3A_101 = arith.constant 0 : i32
    %dma_wait3A_102 = tpu.memref_slice %arg5[%dma_wait3A_95, %dma_wait3A_96, %add3A, %dma_wait3A_100, %dma_wait3A_101] : memref<200x8x32x8x128xf32, #tpu.memory_space<hbm>> -> memref<1x1x1x8x128xf32, #tpu.memory_space<hbm>>
    %dma_wait3A_103 = tpu.memref_squeeze %dma_wait3A_102 : memref<1x1x1x8x128xf32, #tpu.memory_space<hbm>> -> memref<8x128xf32, #tpu.memory_space<hbm>>
    %dma_wait3A_104 = arith.constant 0 : i32
    %dma_wait3A_105 = arith.constant 0 : i32
    %dma_wait3A_106 = tpu.memref_slice %arg5[%dma_wait3A_95, %dma_wait3A_96, %add3A, %dma_wait3A_104, %dma_wait3A_105] : memref<200x8x32x8x128xf32, #tpu.memory_space<hbm>> -> memref<1x1x1x8x128xf32, #tpu.memory_space<hbm>>
    %dma_wait3A_107 = tpu.memref_squeeze %dma_wait3A_106 : memref<1x1x1x8x128xf32, #tpu.memory_space<hbm>> -> memref<8x128xf32, #tpu.memory_space<hbm>>
    %dma_wait3A_108 = arith.constant 32 : i32
    %dma_wait3A_109 = arith.constant 0 : i32
    %dma_wait3A_110 = tpu.memref_slice %arg10[%dma_wait3A_108, %dma_wait3A_109] : memref<64x129xf32, #tpu.memory_space<vmem>> -> memref<8x128xf32, #tpu.memory_space<vmem>>
    tpu.wait_dma2 semaphore(%arg14 : memref<!tpu.dma_semaphore, #tpu.memory_space<semaphore_mem>>) src(%dma_wait3A_110 : memref<8x128xf32, #tpu.memory_space<vmem>>) dst(%dma_wait3A_107 : memref<8x128xf32, #tpu.memory_space<hbm>>)
    %dma_wait3A_111 = arith.constant 0 : i32
    %dma_wait3A_112 = arith.constant 5 : i32
    %dma_wait3A_113 = arith.constant 40 : i32
    %dma_wait3A_114 = arith.constant 0 : i32
    %dma_wait3A_115 = tpu.memref_slice %arg10[%dma_wait3A_113, %dma_wait3A_114] : memref<64x129xf32, #tpu.memory_space<vmem>> -> memref<8x128xf32, #tpu.memory_space<vmem>>
    %dma_wait3A_116 = arith.constant 0 : i32
    %dma_wait3A_117 = arith.constant 0 : i32
    %dma_wait3A_118 = tpu.memref_slice %arg5[%dma_wait3A_111, %dma_wait3A_112, %add3A, %dma_wait3A_116, %dma_wait3A_117] : memref<200x8x32x8x128xf32, #tpu.memory_space<hbm>> -> memref<1x1x1x8x128xf32, #tpu.memory_space<hbm>>
    %dma_wait3A_119 = tpu.memref_squeeze %dma_wait3A_118 : memref<1x1x1x8x128xf32, #tpu.memory_space<hbm>> -> memref<8x128xf32, #tpu.memory_space<hbm>>
    %dma_wait3A_120 = arith.constant 0 : i32
    %dma_wait3A_121 = arith.constant 0 : i32
    %dma_wait3A_122 = tpu.memref_slice %arg5[%dma_wait3A_111, %dma_wait3A_112, %add3A, %dma_wait3A_120, %dma_wait3A_121] : memref<200x8x32x8x128xf32, #tpu.memory_space<hbm>> -> memref<1x1x1x8x128xf32, #tpu.memory_space<hbm>>
    %dma_wait3A_123 = tpu.memref_squeeze %dma_wait3A_122 : memref<1x1x1x8x128xf32, #tpu.memory_space<hbm>> -> memref<8x128xf32, #tpu.memory_space<hbm>>
    %dma_wait3A_124 = arith.constant 40 : i32
    %dma_wait3A_125 = arith.constant 0 : i32
    %dma_wait3A_126 = tpu.memref_slice %arg10[%dma_wait3A_124, %dma_wait3A_125] : memref<64x129xf32, #tpu.memory_space<vmem>> -> memref<8x128xf32, #tpu.memory_space<vmem>>
    tpu.wait_dma2 semaphore(%arg14 : memref<!tpu.dma_semaphore, #tpu.memory_space<semaphore_mem>>) src(%dma_wait3A_126 : memref<8x128xf32, #tpu.memory_space<vmem>>) dst(%dma_wait3A_123 : memref<8x128xf32, #tpu.memory_space<hbm>>)
    %dma_wait3A_127 = arith.constant 0 : i32
    %dma_wait3A_128 = arith.constant 6 : i32
    %dma_wait3A_129 = arith.constant 48 : i32
    %dma_wait3A_130 = arith.constant 0 : i32
    %dma_wait3A_131 = tpu.memref_slice %arg10[%dma_wait3A_129, %dma_wait3A_130] : memref<64x129xf32, #tpu.memory_space<vmem>> -> memref<8x128xf32, #tpu.memory_space<vmem>>
    %dma_wait3A_132 = arith.constant 0 : i32
    %dma_wait3A_133 = arith.constant 0 : i32
    %dma_wait3A_134 = tpu.memref_slice %arg5[%dma_wait3A_127, %dma_wait3A_128, %add3A, %dma_wait3A_132, %dma_wait3A_133] : memref<200x8x32x8x128xf32, #tpu.memory_space<hbm>> -> memref<1x1x1x8x128xf32, #tpu.memory_space<hbm>>
    %dma_wait3A_135 = tpu.memref_squeeze %dma_wait3A_134 : memref<1x1x1x8x128xf32, #tpu.memory_space<hbm>> -> memref<8x128xf32, #tpu.memory_space<hbm>>
    %dma_wait3A_136 = arith.constant 0 : i32
    %dma_wait3A_137 = arith.constant 0 : i32
    %dma_wait3A_138 = tpu.memref_slice %arg5[%dma_wait3A_127, %dma_wait3A_128, %add3A, %dma_wait3A_136, %dma_wait3A_137] : memref<200x8x32x8x128xf32, #tpu.memory_space<hbm>> -> memref<1x1x1x8x128xf32, #tpu.memory_space<hbm>>
    %dma_wait3A_139 = tpu.memref_squeeze %dma_wait3A_138 : memref<1x1x1x8x128xf32, #tpu.memory_space<hbm>> -> memref<8x128xf32, #tpu.memory_space<hbm>>
    %dma_wait3A_140 = arith.constant 48 : i32
    %dma_wait3A_141 = arith.constant 0 : i32
    %dma_wait3A_142 = tpu.memref_slice %arg10[%dma_wait3A_140, %dma_wait3A_141] : memref<64x129xf32, #tpu.memory_space<vmem>> -> memref<8x128xf32, #tpu.memory_space<vmem>>
    tpu.wait_dma2 semaphore(%arg14 : memref<!tpu.dma_semaphore, #tpu.memory_space<semaphore_mem>>) src(%dma_wait3A_142 : memref<8x128xf32, #tpu.memory_space<vmem>>) dst(%dma_wait3A_139 : memref<8x128xf32, #tpu.memory_space<hbm>>)
    %dma_wait3A_143 = arith.constant 0 : i32
    %dma_wait3A_144 = arith.constant 7 : i32
    %dma_wait3A_145 = arith.constant 56 : i32
    %dma_wait3A_146 = arith.constant 0 : i32
    %dma_wait3A_147 = tpu.memref_slice %arg10[%dma_wait3A_145, %dma_wait3A_146] : memref<64x129xf32, #tpu.memory_space<vmem>> -> memref<8x128xf32, #tpu.memory_space<vmem>>
    %dma_wait3A_148 = arith.constant 0 : i32
    %dma_wait3A_149 = arith.constant 0 : i32
    %dma_wait3A_150 = tpu.memref_slice %arg5[%dma_wait3A_143, %dma_wait3A_144, %add3A, %dma_wait3A_148, %dma_wait3A_149] : memref<200x8x32x8x128xf32, #tpu.memory_space<hbm>> -> memref<1x1x1x8x128xf32, #tpu.memory_space<hbm>>
    %dma_wait3A_151 = tpu.memref_squeeze %dma_wait3A_150 : memref<1x1x1x8x128xf32, #tpu.memory_space<hbm>> -> memref<8x128xf32, #tpu.memory_space<hbm>>
    %dma_wait3A_152 = arith.constant 0 : i32
    %dma_wait3A_153 = arith.constant 0 : i32
    %dma_wait3A_154 = tpu.memref_slice %arg5[%dma_wait3A_143, %dma_wait3A_144, %add3A, %dma_wait3A_152, %dma_wait3A_153] : memref<200x8x32x8x128xf32, #tpu.memory_space<hbm>> -> memref<1x1x1x8x128xf32, #tpu.memory_space<hbm>>
    %dma_wait3A_155 = tpu.memref_squeeze %dma_wait3A_154 : memref<1x1x1x8x128xf32, #tpu.memory_space<hbm>> -> memref<8x128xf32, #tpu.memory_space<hbm>>
    %dma_wait3A_156 = arith.constant 56 : i32
    %dma_wait3A_157 = arith.constant 0 : i32
    %dma_wait3A_158 = tpu.memref_slice %arg10[%dma_wait3A_156, %dma_wait3A_157] : memref<64x129xf32, #tpu.memory_space<vmem>> -> memref<8x128xf32, #tpu.memory_space<vmem>>
    tpu.wait_dma2 semaphore(%arg14 : memref<!tpu.dma_semaphore, #tpu.memory_space<semaphore_mem>>) src(%dma_wait3A_158 : memref<8x128xf32, #tpu.memory_space<vmem>>) dst(%dma_wait3A_155 : memref<8x128xf32, #tpu.memory_space<hbm>>)
    %dma_wait3A_159 = arith.constant 1 : i32
    %dma_wait3A_160 = arith.constant 0 : i32
    %dma_wait3A_161 = arith.constant 0 : i32
    %dma_wait3A_162 = arith.constant 0 : i32
    %dma_wait3A_163 = tpu.memref_slice %arg11[%dma_wait3A_161, %dma_wait3A_162] : memref<64x129xf32, #tpu.memory_space<vmem>> -> memref<8x128xf32, #tpu.memory_space<vmem>>
    %dma_wait3A_164 = arith.constant 0 : i32
    %dma_wait3A_165 = arith.constant 0 : i32
    %dma_wait3A_166 = tpu.memref_slice %arg5[%dma_wait3A_159, %dma_wait3A_160, %add3A, %dma_wait3A_164, %dma_wait3A_165] : memref<200x8x32x8x128xf32, #tpu.memory_space<hbm>> -> memref<1x1x1x8x128xf32, #tpu.memory_space<hbm>>
    %dma_wait3A_167 = tpu.memref_squeeze %dma_wait3A_166 : memref<1x1x1x8x128xf32, #tpu.memory_space<hbm>> -> memref<8x128xf32, #tpu.memory_space<hbm>>
    %dma_wait3A_168 = arith.constant 0 : i32
    %dma_wait3A_169 = arith.constant 0 : i32
    %dma_wait3A_170 = tpu.memref_slice %arg5[%dma_wait3A_159, %dma_wait3A_160, %add3A, %dma_wait3A_168, %dma_wait3A_169] : memref<200x8x32x8x128xf32, #tpu.memory_space<hbm>> -> memref<1x1x1x8x128xf32, #tpu.memory_space<hbm>>
    %dma_wait3A_171 = tpu.memref_squeeze %dma_wait3A_170 : memref<1x1x1x8x128xf32, #tpu.memory_space<hbm>> -> memref<8x128xf32, #tpu.memory_space<hbm>>
    %dma_wait3A_172 = arith.constant 0 : i32
    %dma_wait3A_173 = arith.constant 0 : i32
    %dma_wait3A_174 = tpu.memref_slice %arg11[%dma_wait3A_172, %dma_wait3A_173] : memref<64x129xf32, #tpu.memory_space<vmem>> -> memref<8x128xf32, #tpu.memory_space<vmem>>
    tpu.wait_dma2 semaphore(%arg15 : memref<!tpu.dma_semaphore, #tpu.memory_space<semaphore_mem>>) src(%dma_wait3A_174 : memref<8x128xf32, #tpu.memory_space<vmem>>) dst(%dma_wait3A_171 : memref<8x128xf32, #tpu.memory_space<hbm>>)
    %dma_wait3A_175 = arith.constant 1 : i32
    %dma_wait3A_176 = arith.constant 1 : i32
    %dma_wait3A_177 = arith.constant 8 : i32
    %dma_wait3A_178 = arith.constant 0 : i32
    %dma_wait3A_179 = tpu.memref_slice %arg11[%dma_wait3A_177, %dma_wait3A_178] : memref<64x129xf32, #tpu.memory_space<vmem>> -> memref<8x128xf32, #tpu.memory_space<vmem>>
    %dma_wait3A_180 = arith.constant 0 : i32
    %dma_wait3A_181 = arith.constant 0 : i32
    %dma_wait3A_182 = tpu.memref_slice %arg5[%dma_wait3A_175, %dma_wait3A_176, %add3A, %dma_wait3A_180, %dma_wait3A_181] : memref<200x8x32x8x128xf32, #tpu.memory_space<hbm>> -> memref<1x1x1x8x128xf32, #tpu.memory_space<hbm>>
    %dma_wait3A_183 = tpu.memref_squeeze %dma_wait3A_182 : memref<1x1x1x8x128xf32, #tpu.memory_space<hbm>> -> memref<8x128xf32, #tpu.memory_space<hbm>>
    %dma_wait3A_184 = arith.constant 0 : i32
    %dma_wait3A_185 = arith.constant 0 : i32
    %dma_wait3A_186 = tpu.memref_slice %arg5[%dma_wait3A_175, %dma_wait3A_176, %add3A, %dma_wait3A_184, %dma_wait3A_185] : memref<200x8x32x8x128xf32, #tpu.memory_space<hbm>> -> memref<1x1x1x8x128xf32, #tpu.memory_space<hbm>>
    %dma_wait3A_187 = tpu.memref_squeeze %dma_wait3A_186 : memref<1x1x1x8x128xf32, #tpu.memory_space<hbm>> -> memref<8x128xf32, #tpu.memory_space<hbm>>
    %dma_wait3A_188 = arith.constant 8 : i32
    %dma_wait3A_189 = arith.constant 0 : i32
    %dma_wait3A_190 = tpu.memref_slice %arg11[%dma_wait3A_188, %dma_wait3A_189] : memref<64x129xf32, #tpu.memory_space<vmem>> -> memref<8x128xf32, #tpu.memory_space<vmem>>
    tpu.wait_dma2 semaphore(%arg15 : memref<!tpu.dma_semaphore, #tpu.memory_space<semaphore_mem>>) src(%dma_wait3A_190 : memref<8x128xf32, #tpu.memory_space<vmem>>) dst(%dma_wait3A_187 : memref<8x128xf32, #tpu.memory_space<hbm>>)
    %dma_wait3A_191 = arith.constant 1 : i32
    %dma_wait3A_192 = arith.constant 2 : i32
    %dma_wait3A_193 = arith.constant 16 : i32
    %dma_wait3A_194 = arith.constant 0 : i32
    %dma_wait3A_195 = tpu.memref_slice %arg11[%dma_wait3A_193, %dma_wait3A_194] : memref<64x129xf32, #tpu.memory_space<vmem>> -> memref<8x128xf32, #tpu.memory_space<vmem>>
    %dma_wait3A_196 = arith.constant 0 : i32
    %dma_wait3A_197 = arith.constant 0 : i32
    %dma_wait3A_198 = tpu.memref_slice %arg5[%dma_wait3A_191, %dma_wait3A_192, %add3A, %dma_wait3A_196, %dma_wait3A_197] : memref<200x8x32x8x128xf32, #tpu.memory_space<hbm>> -> memref<1x1x1x8x128xf32, #tpu.memory_space<hbm>>
    %dma_wait3A_199 = tpu.memref_squeeze %dma_wait3A_198 : memref<1x1x1x8x128xf32, #tpu.memory_space<hbm>> -> memref<8x128xf32, #tpu.memory_space<hbm>>
    %dma_wait3A_200 = arith.constant 0 : i32
    %dma_wait3A_201 = arith.constant 0 : i32
    %dma_wait3A_202 = tpu.memref_slice %arg5[%dma_wait3A_191, %dma_wait3A_192, %add3A, %dma_wait3A_200, %dma_wait3A_201] : memref<200x8x32x8x128xf32, #tpu.memory_space<hbm>> -> memref<1x1x1x8x128xf32, #tpu.memory_space<hbm>>
    %dma_wait3A_203 = tpu.memref_squeeze %dma_wait3A_202 : memref<1x1x1x8x128xf32, #tpu.memory_space<hbm>> -> memref<8x128xf32, #tpu.memory_space<hbm>>
    %dma_wait3A_204 = arith.constant 16 : i32
    %dma_wait3A_205 = arith.constant 0 : i32
    %dma_wait3A_206 = tpu.memref_slice %arg11[%dma_wait3A_204, %dma_wait3A_205] : memref<64x129xf32, #tpu.memory_space<vmem>> -> memref<8x128xf32, #tpu.memory_space<vmem>>
    tpu.wait_dma2 semaphore(%arg15 : memref<!tpu.dma_semaphore, #tpu.memory_space<semaphore_mem>>) src(%dma_wait3A_206 : memref<8x128xf32, #tpu.memory_space<vmem>>) dst(%dma_wait3A_203 : memref<8x128xf32, #tpu.memory_space<hbm>>)
    %dma_wait3A_207 = arith.constant 1 : i32
    %dma_wait3A_208 = arith.constant 3 : i32
    %dma_wait3A_209 = arith.constant 24 : i32
    %dma_wait3A_210 = arith.constant 0 : i32
    %dma_wait3A_211 = tpu.memref_slice %arg11[%dma_wait3A_209, %dma_wait3A_210] : memref<64x129xf32, #tpu.memory_space<vmem>> -> memref<8x128xf32, #tpu.memory_space<vmem>>
    %dma_wait3A_212 = arith.constant 0 : i32
    %dma_wait3A_213 = arith.constant 0 : i32
    %dma_wait3A_214 = tpu.memref_slice %arg5[%dma_wait3A_207, %dma_wait3A_208, %add3A, %dma_wait3A_212, %dma_wait3A_213] : memref<200x8x32x8x128xf32, #tpu.memory_space<hbm>> -> memref<1x1x1x8x128xf32, #tpu.memory_space<hbm>>
    %dma_wait3A_215 = tpu.memref_squeeze %dma_wait3A_214 : memref<1x1x1x8x128xf32, #tpu.memory_space<hbm>> -> memref<8x128xf32, #tpu.memory_space<hbm>>
    %dma_wait3A_216 = arith.constant 0 : i32
    %dma_wait3A_217 = arith.constant 0 : i32
    %dma_wait3A_218 = tpu.memref_slice %arg5[%dma_wait3A_207, %dma_wait3A_208, %add3A, %dma_wait3A_216, %dma_wait3A_217] : memref<200x8x32x8x128xf32, #tpu.memory_space<hbm>> -> memref<1x1x1x8x128xf32, #tpu.memory_space<hbm>>
    %dma_wait3A_219 = tpu.memref_squeeze %dma_wait3A_218 : memref<1x1x1x8x128xf32, #tpu.memory_space<hbm>> -> memref<8x128xf32, #tpu.memory_space<hbm>>
    %dma_wait3A_220 = arith.constant 24 : i32
    %dma_wait3A_221 = arith.constant 0 : i32
    %dma_wait3A_222 = tpu.memref_slice %arg11[%dma_wait3A_220, %dma_wait3A_221] : memref<64x129xf32, #tpu.memory_space<vmem>> -> memref<8x128xf32, #tpu.memory_space<vmem>>
    tpu.wait_dma2 semaphore(%arg15 : memref<!tpu.dma_semaphore, #tpu.memory_space<semaphore_mem>>) src(%dma_wait3A_222 : memref<8x128xf32, #tpu.memory_space<vmem>>) dst(%dma_wait3A_219 : memref<8x128xf32, #tpu.memory_space<hbm>>)
    %dma_wait3A_223 = arith.constant 1 : i32
    %dma_wait3A_224 = arith.constant 4 : i32
    %dma_wait3A_225 = arith.constant 32 : i32
    %dma_wait3A_226 = arith.constant 0 : i32
    %dma_wait3A_227 = tpu.memref_slice %arg11[%dma_wait3A_225, %dma_wait3A_226] : memref<64x129xf32, #tpu.memory_space<vmem>> -> memref<8x128xf32, #tpu.memory_space<vmem>>
    %dma_wait3A_228 = arith.constant 0 : i32
    %dma_wait3A_229 = arith.constant 0 : i32
    %dma_wait3A_230 = tpu.memref_slice %arg5[%dma_wait3A_223, %dma_wait3A_224, %add3A, %dma_wait3A_228, %dma_wait3A_229] : memref<200x8x32x8x128xf32, #tpu.memory_space<hbm>> -> memref<1x1x1x8x128xf32, #tpu.memory_space<hbm>>
    %dma_wait3A_231 = tpu.memref_squeeze %dma_wait3A_230 : memref<1x1x1x8x128xf32, #tpu.memory_space<hbm>> -> memref<8x128xf32, #tpu.memory_space<hbm>>
    %dma_wait3A_232 = arith.constant 0 : i32
    %dma_wait3A_233 = arith.constant 0 : i32
    %dma_wait3A_234 = tpu.memref_slice %arg5[%dma_wait3A_223, %dma_wait3A_224, %add3A, %dma_wait3A_232, %dma_wait3A_233] : memref<200x8x32x8x128xf32, #tpu.memory_space<hbm>> -> memref<1x1x1x8x128xf32, #tpu.memory_space<hbm>>
    %dma_wait3A_235 = tpu.memref_squeeze %dma_wait3A_234 : memref<1x1x1x8x128xf32, #tpu.memory_space<hbm>> -> memref<8x128xf32, #tpu.memory_space<hbm>>
    %dma_wait3A_236 = arith.constant 32 : i32
    %dma_wait3A_237 = arith.constant 0 : i32
    %dma_wait3A_238 = tpu.memref_slice %arg11[%dma_wait3A_236, %dma_wait3A_237] : memref<64x129xf32, #tpu.memory_space<vmem>> -> memref<8x128xf32, #tpu.memory_space<vmem>>
    tpu.wait_dma2 semaphore(%arg15 : memref<!tpu.dma_semaphore, #tpu.memory_space<semaphore_mem>>) src(%dma_wait3A_238 : memref<8x128xf32, #tpu.memory_space<vmem>>) dst(%dma_wait3A_235 : memref<8x128xf32, #tpu.memory_space<hbm>>)
    %dma_wait3A_239 = arith.constant 1 : i32
    %dma_wait3A_240 = arith.constant 5 : i32
    %dma_wait3A_241 = arith.constant 40 : i32
    %dma_wait3A_242 = arith.constant 0 : i32
    %dma_wait3A_243 = tpu.memref_slice %arg11[%dma_wait3A_241, %dma_wait3A_242] : memref<64x129xf32, #tpu.memory_space<vmem>> -> memref<8x128xf32, #tpu.memory_space<vmem>>
    %dma_wait3A_244 = arith.constant 0 : i32
    %dma_wait3A_245 = arith.constant 0 : i32
    %dma_wait3A_246 = tpu.memref_slice %arg5[%dma_wait3A_239, %dma_wait3A_240, %add3A, %dma_wait3A_244, %dma_wait3A_245] : memref<200x8x32x8x128xf32, #tpu.memory_space<hbm>> -> memref<1x1x1x8x128xf32, #tpu.memory_space<hbm>>
    %dma_wait3A_247 = tpu.memref_squeeze %dma_wait3A_246 : memref<1x1x1x8x128xf32, #tpu.memory_space<hbm>> -> memref<8x128xf32, #tpu.memory_space<hbm>>
    %dma_wait3A_248 = arith.constant 0 : i32
    %dma_wait3A_249 = arith.constant 0 : i32
    %dma_wait3A_250 = tpu.memref_slice %arg5[%dma_wait3A_239, %dma_wait3A_240, %add3A, %dma_wait3A_248, %dma_wait3A_249] : memref<200x8x32x8x128xf32, #tpu.memory_space<hbm>> -> memref<1x1x1x8x128xf32, #tpu.memory_space<hbm>>
    %dma_wait3A_251 = tpu.memref_squeeze %dma_wait3A_250 : memref<1x1x1x8x128xf32, #tpu.memory_space<hbm>> -> memref<8x128xf32, #tpu.memory_space<hbm>>
    %dma_wait3A_252 = arith.constant 40 : i32
    %dma_wait3A_253 = arith.constant 0 : i32
    %dma_wait3A_254 = tpu.memref_slice %arg11[%dma_wait3A_252, %dma_wait3A_253] : memref<64x129xf32, #tpu.memory_space<vmem>> -> memref<8x128xf32, #tpu.memory_space<vmem>>
    tpu.wait_dma2 semaphore(%arg15 : memref<!tpu.dma_semaphore, #tpu.memory_space<semaphore_mem>>) src(%dma_wait3A_254 : memref<8x128xf32, #tpu.memory_space<vmem>>) dst(%dma_wait3A_251 : memref<8x128xf32, #tpu.memory_space<hbm>>)
    %dma_wait3A_255 = arith.constant 1 : i32
    %dma_wait3A_256 = arith.constant 6 : i32
    %dma_wait3A_257 = arith.constant 48 : i32
    %dma_wait3A_258 = arith.constant 0 : i32
    %dma_wait3A_259 = tpu.memref_slice %arg11[%dma_wait3A_257, %dma_wait3A_258] : memref<64x129xf32, #tpu.memory_space<vmem>> -> memref<8x128xf32, #tpu.memory_space<vmem>>
    %dma_wait3A_260 = arith.constant 0 : i32
    %dma_wait3A_261 = arith.constant 0 : i32
    %dma_wait3A_262 = tpu.memref_slice %arg5[%dma_wait3A_255, %dma_wait3A_256, %add3A, %dma_wait3A_260, %dma_wait3A_261] : memref<200x8x32x8x128xf32, #tpu.memory_space<hbm>> -> memref<1x1x1x8x128xf32, #tpu.memory_space<hbm>>
    %dma_wait3A_263 = tpu.memref_squeeze %dma_wait3A_262 : memref<1x1x1x8x128xf32, #tpu.memory_space<hbm>> -> memref<8x128xf32, #tpu.memory_space<hbm>>
    %dma_wait3A_264 = arith.constant 0 : i32
    %dma_wait3A_265 = arith.constant 0 : i32
    %dma_wait3A_266 = tpu.memref_slice %arg5[%dma_wait3A_255, %dma_wait3A_256, %add3A, %dma_wait3A_264, %dma_wait3A_265] : memref<200x8x32x8x128xf32, #tpu.memory_space<hbm>> -> memref<1x1x1x8x128xf32, #tpu.memory_space<hbm>>
    %dma_wait3A_267 = tpu.memref_squeeze %dma_wait3A_266 : memref<1x1x1x8x128xf32, #tpu.memory_space<hbm>> -> memref<8x128xf32, #tpu.memory_space<hbm>>
    %dma_wait3A_268 = arith.constant 48 : i32
    %dma_wait3A_269 = arith.constant 0 : i32
    %dma_wait3A_270 = tpu.memref_slice %arg11[%dma_wait3A_268, %dma_wait3A_269] : memref<64x129xf32, #tpu.memory_space<vmem>> -> memref<8x128xf32, #tpu.memory_space<vmem>>
    tpu.wait_dma2 semaphore(%arg15 : memref<!tpu.dma_semaphore, #tpu.memory_space<semaphore_mem>>) src(%dma_wait3A_270 : memref<8x128xf32, #tpu.memory_space<vmem>>) dst(%dma_wait3A_267 : memref<8x128xf32, #tpu.memory_space<hbm>>)
    %dma_wait3A_271 = arith.constant 1 : i32
    %dma_wait3A_272 = arith.constant 7 : i32
    %dma_wait3A_273 = arith.constant 56 : i32
    %dma_wait3A_274 = arith.constant 0 : i32
    %dma_wait3A_275 = tpu.memref_slice %arg11[%dma_wait3A_273, %dma_wait3A_274] : memref<64x129xf32, #tpu.memory_space<vmem>> -> memref<8x128xf32, #tpu.memory_space<vmem>>
    %dma_wait3A_276 = arith.constant 0 : i32
    %dma_wait3A_277 = arith.constant 0 : i32
    %dma_wait3A_278 = tpu.memref_slice %arg5[%dma_wait3A_271, %dma_wait3A_272, %add3A, %dma_wait3A_276, %dma_wait3A_277] : memref<200x8x32x8x128xf32, #tpu.memory_space<hbm>> -> memref<1x1x1x8x128xf32, #tpu.memory_space<hbm>>
    %dma_wait3A_279 = tpu.memref_squeeze %dma_wait3A_278 : memref<1x1x1x8x128xf32, #tpu.memory_space<hbm>> -> memref<8x128xf32, #tpu.memory_space<hbm>>
    %dma_wait3A_280 = arith.constant 0 : i32
    %dma_wait3A_281 = arith.constant 0 : i32
    %dma_wait3A_282 = tpu.memref_slice %arg5[%dma_wait3A_271, %dma_wait3A_272, %add3A, %dma_wait3A_280, %dma_wait3A_281] : memref<200x8x32x8x128xf32, #tpu.memory_space<hbm>> -> memref<1x1x1x8x128xf32, #tpu.memory_space<hbm>>
    %dma_wait3A_283 = tpu.memref_squeeze %dma_wait3A_282 : memref<1x1x1x8x128xf32, #tpu.memory_space<hbm>> -> memref<8x128xf32, #tpu.memory_space<hbm>>
    %dma_wait3A_284 = arith.constant 56 : i32
    %dma_wait3A_285 = arith.constant 0 : i32
    %dma_wait3A_286 = tpu.memref_slice %arg11[%dma_wait3A_284, %dma_wait3A_285] : memref<64x129xf32, #tpu.memory_space<vmem>> -> memref<8x128xf32, #tpu.memory_space<vmem>>
    tpu.wait_dma2 semaphore(%arg15 : memref<!tpu.dma_semaphore, #tpu.memory_space<semaphore_mem>>) src(%dma_wait3A_286 : memref<8x128xf32, #tpu.memory_space<vmem>>) dst(%dma_wait3A_283 : memref<8x128xf32, #tpu.memory_space<hbm>>)
    return
  }
}

</mosaic_0001>

<sc_bundles>
// kernel: kernel.3.cloned.1.call-start
scs
__scs_entry_jumppad:
0x0: {  	(pc) =	sbr.rel $0x88, $3  }
0x1: {  	(tag) =	ssettag $0x0;
	lr =	simm.s32 $0x1  }
0x2: {  	[smem:$0x3F9F] =	sst lr;
	_ =	strace $0xD0000000  }
0x3: {  	_ = 	snop  }
0x4: {  	_ = 	snop  }
0x5: {  	_ = 	snop  }
0x6: {  	_ = 	snop  }
0x7: {  	_ = 	snop  }
__scs_overlays_trampoline_lowered:
0x8: {  	[smem:$0x3FAE] =	sst s0  }
0x9: {  	[smem:$0x3FAF] =	sst s1  }
0xa: {  	[smem:$0x3FB0] =	sst s2  }
0xb: {  	[smem:$0x3FB1] =	sst s3  }
0xc: {  	[smem:$0x3FB2] =	sst s4  }
0xd: {  	[smem:$0x3FB3] =	sst s5  }
0xe: {  	[smem:$0x3FB4] =	sst s6  }
0xf: {  	[smem:$0x3FB5] =	sst s7  }
0x10: {  	[smem:$0x3FB6] =	sst s8  }
0x11: {  	[smem:$0x3FB7] =	sst s9;
	s0 =	simm.s32 @!p0 $0x0  }
0x12: {  	s1 =	sld [smem:$0x3F9D];
	s0 =	simm.s32 @p0 $0x1  }
0x13: {  	[smem:$0x3FB8] =	sst s0;
	s0 =	simm.s32 @!p1 $0x0  }
0x14: {  	s2 =	sld [smem:$0x3F9C];
	s0 =	simm.s32 @p1 $0x1  }
0x15: {  	[smem:$0x3FB9] =	sst s0;
	s0 =	simm.s32 @!p2 $0x0  }
0x16: {  	s3 =	sld [smem:$0x3FDB];
	s0 =	simm.s32 @p2 $0x1  }
0x17: {  	s4 =	simm.s32 $0x1BF5;
	[smem:$0x3FBB] =	sst s0  }
0x18: {  	s0 =	sld [smem:$0x3F9E];
	_ =	swait.ge [sflag:s4], $0x0  }
0x19: {  	s7 =	sld [smem:$0x3F9F]  }
0x1a: {  	s8 =	sadd.s32 $0xFFFFE003, lr  }
0x1b: {  	s9 =	sadd.s32 $0xFFFFFEF7, lr;
	s5 =	simm.s32 $0xFFFFFFFF;
	p2 =	slt.u32 s8, $0xFFFFF086  }
0x1c: {  	p1 =	slt.u32 s9, $0xF7A;
	s5 =	simm.s32 @!p2 $0x0  }
0x1d: {  	s5 =	simm.s32 @p1 $0x1;
	p0 =	seq.s32 s7, s2  }
0x1e: {  	s7 =	smul.u32 @!p0 $0xF7A, s2;
	p2 =	seq.s32 @!p0 s5, $0x0  }
0x1f: {  	s9 =	smul.u32 $0xF7A, s1;
	s8 =	simm.s32 @!p0 $0x1BF5;
	p2 =	por !p2, p0  }
0x20: {  	[sflag:s8] =	ssyncset.s32 @!p0 $0xFFFFF086;
	s6 =	sadd.s32 @!p0 s3, s7;
	s7 =	simm.s32 @!p0 $0x108  }
0x21: {  	s3 =	sadd.s32 s3, s9;
	s6 =	sadd.s32 @!p0 $0x88, s6;
	s7 =	simm.s32 @p2 $0x1082  }
0x22: {  	[simem:s7], [sflag:s8] =	dma.local @!p0 [hbm:s6], $0xF7A  }
0x23: {  	s9 =	sor.u32 $0xD0000000, s2;
	s6 =	simm.s32 $0x108;
	_ =	swait.ge @!p0 [sflag:s8], $0x0  }
0x24: {  	s3 =	sadd.s32 $0x88, s3;
	s6 =	simm.s32 @!p1 $0x1082;
	[sflag:s4] =	ssyncset.s32 $0xFFFFF086  }
0x25: {  	[simem:s6], [sflag:s4] =	dma.local [hbm:s3], $0xF7A  }
0x26: {  	[smem:$0x3F9F] =	sst s1;
	(tag) =	ssettag s2;
	_ =	strace s9  }
0x27: {  	s1 =	sld [smem:$0x3FAF]  }
0x28: {  	s2 =	sld [smem:$0x3FB0]  }
0x29: {  	s4 =	sld [smem:$0x3FB2]  }
0x2a: {  	p0 =	seq.s32 s5, $0x0;
	s5 =	sld [smem:$0x3FB3]  }
0x2b: {  	s6 =	sld [smem:$0x3FB4]  }
0x2c: {  	s7 =	sld [smem:$0x3FB5]  }
0x2d: {  	s3 =	simm.s32 $0x108;
	s8 =	sld [smem:$0x3FB6]  }
0x2e: {  	s3 =	simm.s32 @!p0 $0x1082;
	s9 =	sld [smem:$0x3FB7]  }
0x2f: {  	lr =	sadd.s32 s0, s3;
	s0 =	sld [smem:$0x3FAE]  }
0x30: {  	s3 =	sld [smem:$0x3FB1]  }
0x31: {  	[smem:$0x3FBA] =	sst s10  }
0x32: {  	s10 =	sld [smem:$0x3FB8];
	_ =	sdelay $0x3  }
0x33: {  	p0 =	seq.s32 s10, $0x1;
	s10 =	sld [smem:$0x3FBA];
	_ =	sdelay $0x3  }
0x34: {  	[smem:$0x3FBA] =	sst s10  }
0x35: {  	s10 =	sld [smem:$0x3FB9];
	_ =	sdelay $0x3  }
0x36: {  	p1 =	seq.s32 s10, $0x1;
	s10 =	sld [smem:$0x3FBA];
	_ =	sdelay $0x3  }
0x37: {  	[smem:$0x3FBA] =	sst s10  }
0x38: {  	s10 =	sld [smem:$0x3FBB]  }
0x39: {  	_ = 	snop;
	(pc) =	sbr.ind lr, $3  }
0x3a: {  	_ = 	snop  }
0x3b: {  	_ = 	snop  }
0x3c: {  	p2 =	seq.s32 s10, $0x1;
	s10 =	sld [smem:$0x3FBA]  }
0x3d: {  	_ =	shalt  }
0x3e: {  	_ =	shalt  }
0x3f: {  	_ =	shalt  }
0x40: {  	_ =	shalt  }
0x41: {  	_ =	shalt  }
0x42: {  	_ =	shalt  }
0x43: {  	_ =	shalt  }
0x44: {  	_ =	shalt  }
0x45: {  	_ =	shalt  }
0x46: {  	_ =	shalt  }
0x47: {  	_ =	shalt  }
0x48: {  	_ =	shalt  }
0x49: {  	_ =	shalt  }
0x4a: {  	_ =	shalt  }
0x4b: {  	_ =	shalt  }
0x4c: {  	_ =	shalt  }
0x4d: {  	_ =	shalt  }
0x4e: {  	_ =	shalt  }
0x4f: {  	_ =	shalt  }
0x50: {  	_ =	shalt  }
0x51: {  	_ =	shalt  }
0x52: {  	_ =	shalt  }
0x53: {  	_ =	shalt  }
0x54: {  	_ =	shalt  }
0x55: {  	_ =	shalt  }
0x56: {  	_ =	shalt  }
0x57: {  	_ =	shalt  }
0x58: {  	_ =	shalt  }
0x59: {  	_ =	shalt  }
0x5a: {  	_ =	shalt  }
0x5b: {  	_ =	shalt  }
0x5c: {  	_ =	shalt  }
0x5d: {  	_ =	shalt  }
0x5e: {  	_ =	shalt  }
0x5f: {  	_ =	shalt  }
0x60: {  	_ =	shalt  }
0x61: {  	_ =	shalt  }
0x62: {  	_ =	shalt  }
0x63: {  	_ =	shalt  }
0x64: {  	_ =	shalt  }
0x65: {  	_ =	shalt  }
0x66: {  	_ =	shalt  }
0x67: {  	_ =	shalt  }
0x68: {  	_ =	shalt  }
0x69: {  	_ =	shalt  }
0x6a: {  	_ =	shalt  }
0x6b: {  	_ =	shalt  }
0x6c: {  	_ =	shalt  }
0x6d: {  	_ =	shalt  }
0x6e: {  	_ =	shalt  }
0x6f: {  	_ =	shalt  }
0x70: {  	_ =	shalt  }
0x71: {  	_ =	shalt  }
0x72: {  	_ =	shalt  }
0x73: {  	_ =	shalt  }
0x74: {  	_ =	shalt  }
0x75: {  	_ =	shalt  }
0x76: {  	_ =	shalt  }
0x77: {  	_ =	shalt  }
0x78: {  	_ =	shalt  }
0x79: {  	_ =	shalt  }
0x7a: {  	_ =	shalt  }
0x7b: {  	_ =	shalt  }
0x7c: {  	_ =	shalt  }
0x7d: {  	_ =	shalt  }
0x7e: {  	_ =	shalt  }
0x7f: {  	_ =	shalt  }
0x80: {  	_ =	shalt  }
0x81: {  	_ =	shalt  }
0x82: {  	_ =	shalt  }
0x83: {  	_ =	shalt  }
0x84: {  	_ =	shalt  }
0x85: {  	_ =	shalt  }
0x86: {  	_ =	shalt  }
0x87: {  	_ =	shalt  }
.Lfunc_end0:
.L_simem_size_0:
called_computation_lowered:
.L_overlay_start_0:
0x88: {  	s2 =	sld [smem:$0x3FD9]  }
0x89: {  	s3 =	sld [smem:$0x3FFE];
	_ =	sdelay $0x1  }
0x8a: {  	s1 =	srdreg.scid  }
0x8b: {  	s0 =	sand.u32 $0x1, s1  }
0x8c: {  	s17 =	sshll.u32 s0, $0xA;
	s2 =	sadd.s32 s3, s2  }
0x8d: {  	s2 =	sadd.s32 s2, s17  }
0x8e: {  	[smem:$0x3FC6] =	sst s2  }
0x8f: {  	_ = 	snop  }
0x90: {  	s2 =	sld [smem:$0x3FD0];
	(tm) =	ssettm $0x1  }
0x91: {  	s18 =	sld [smem:$0x3FFB];
	_ =	sdelay $0x3  }
0x92: {  	_ =	strace s18  }
0x93: {  	s3 =	sld [smem:$0x3FFC];
	_ =	sdelay $0x3  }
0x94: {  	_ =	strace s3  }
0x95: {  	s3 =	sld [smem:$0x3FFD];
	_ =	sdelay $0x3  }
0x96: {  	_ =	strace s3  }
0x97: {  	_ =	strace $0x8FFFFFFF  }
0x98: {  	s19 =	sld [smem:$0x3FDB];
	_ =	sdelay $0x1  }
0x99: {  	s4 =	simm.s32 $_scs_section_size  }
0x9a: {  	s5 =	simm.s32 $_size__tile_overlayer_lowered;
	s6 =	simm.s32 $_tile_overlayer_lowered  }
0x9b: {  	s22 =	simm.s32 $0x1BFF;
	s21 =	sshll.u32 s6, $0x1;
	s3 =	sadd.s32 s4, s19  }
0x9c: {  	s7 =	simm.s32 $0x0;
	s20 =	sshll.u32 s5, $0x1;
	s5 =	sadd.s32 s21, s3  }
0x9d: {  	[timem:s7], [sflag:s22] =	dma.local [hbm:s5], s20  }
0x9e: {  	_ =	swait.ge [sflag:s22], s20  }
0x9f: {  	s4 =	ssub.s32 $0x0, s20;
	[sflag:s22] =	ssyncset.done $0x0  }
0xa0: {  	[sflag:s22] =	ssyncadd.s32 s4;
	_ =	sdelay $0x1  }
0xa1: {  	s23 =	simm.s32 $0x1B8B  }
0xa2: {  	_ =	swait.ge [sflag:s23], $0x1  }
0xa3: {  	[sflag:s23] =	ssyncset.done $0x0  }
0xa4: {  	s25 =	simm.s32 $0x1B8E;
	s24 =	sld [smem:$0x3FFE];
	[sflag:s23] =	ssyncadd.s32 $0xFFFFFFFF  }
0xa5: {  	s26 =	simm.s32 $execute0_lowered;
	[smem:$0x3FD2] =	sst s25  }
0xa6: {  	s5 =	sshll.u32 s26, $0x1;
	_ =	strace $0x80000046;
	[dreg:$0x1] =	wrdreg $0xFFFFFFFF  }
0xa7: {  	s28 =	simm.s32 $_size_execute0_lowered;
	s3 =	sadd.s32 s3, s5;
	[dreg:$0x0] =	wrdreg $0x0  }
0xa8: {  	s5 =	sshll.u32 s28, $0x1;
	[dreg:$0x2] =	wrdreg s3  }
0xa9: {  	[dreg:$0x3] =	wrdreg s5  }
0xaa: {  	[dreg:$0x4] =	wrdreg $0xC0  }
0xab: {  	_ =	task [dreg:s7], $0x5FFFF  }
0xac: {  	[dreg:$0x1] =	wrdreg $0xFFFFFFFF  }
0xad: {  	[dreg:$0x0] =	wrdreg $0x60  }
0xae: {  	[dreg:$0x2] =	wrdreg s24  }
0xaf: {  	[dreg:$0x3] =	wrdreg s2  }
0xb0: {  	[dreg:$0x4] =	wrdreg $0x9  }
0xb1: {  	_ =	task.clear_ibuf [dreg:s7], $0x5FFFF;
	_ =	strace $0x90000046  }
0xb2: {  	s29 =	simm.s32 $0x9;
	_ =	strace $0x80000048  }
0xb3: {  	_ =	swait.ge [sflag:s29], $0x1  }
0xb4: {  	[sflag:s29] =	ssyncadd.s32 $0xFFFFFFFF  }
0xb5: {  	_ =	strace $0x90000048  }
0xb6: {  	_ =	sfence  }
0xb7: {  	s30 =	sld [smem:$0x0];
	_ =	sdelay $0x2  }
0xb8: {  	s31 =	sshll.u32 s1, $0xD;
	s1 =	sshrl.u32 s1, $0x2  }
0xb9: {  	s3 =	sand.u32 $0x4000, s31;
	s1 =	sadd.s32 s1, s30  }
0xba: {  	s0 =	sor.u32 s3, s0;
	s1 =	sshll.u32 s1, $0x11  }
0xbb: {  	s0 =	sor.u32 s1, s0  }
0xbc: {  	s0 =	sadd.s32 $0x8F2B, s0  }
0xbd: {  	[sflag:s0] =	ssyncadd.remote.s32 $0x1  }
0xbe: {  	_ =	sfence.sel $0xFFFF  }
0xbf: {  	[dreg:$0x0] =	wrdreg $0xFFFFFFFF;
	(pc) =	sbr.abs _section_cstart, $3  }
0xc0: {  	[dreg:$0x1] =	wrdreg $0xFFFFFFFF  }
0xc1: {  	_ =	task.clear_ibuf [dreg:s7], $0x2FFFF;
	_ =	strace $0x9FFFFFFF  }
0xc2: {  	(tm) =	ssettm $0x7FFFFFFF  }
0xc3: {  	_ =	shalt  }
tec
execute0_lowered:
.L_overlay_start_1:
0x0: {  	(tag) =	ssettag $0x1  }
0x1: {  	v0 =	vlaneseq.u32  }
0x2: {  	v25 =	vmul.u32 $0x88, v0  }
0x3: {  	s0 =	rddreg [dreg:$0x0];
	s3 =	simm.s32 $0x0;
	vm0 =	vcmask $0x300;
	v0 =	vimm.s32 $0x0  }
0x4: {  	[smem:$0x7FF] =	sst s3;
	v1 =	vsel vm0, $0x3, v0;
	v0 =	vadd.s32 $0x1980, v25  }
0x5: {  	s2 =	rddreg [dreg:$0x1];
	_ =	strace $0x80000047;
	v4 =	vadd.s32 $0x1986, v25;
	[tilespmem:$0x1FE10] =	vst v0  }
0x6: {  	v32 =	vadd.s32 $0x884, v25;
	[tilespmem:$0x1FE20] =	vst v4  }
0x7: {  	v2 =	vadd.s32 $0x1984, v25;
	[tilespmem:$0x1FE40] =	vst v32  }
0x8: {  	v5 =	vor.u32 $0x5, v25;
	[tilespmem:$0x1FE50] =	vst v2  }
0x9: {  	v38 =	vadd.s32 $0x885, v25;
	[tilespmem:$0x1FE60] =	vst v5  }
0xa: {  	v29 =	vadd.s32 $0x1105, v25;
	[tilespmem:$0x1FE70] =	vst v38  }
0xb: {  	v3 =	vadd.s32 $0x1985, v25;
	[tilespmem:$0x1FE80] =	vst v29  }
0xc: {  	v39 =	vor.u32 $0x6, v25;
	[tilespmem:$0x1FE90] =	vst v3  }
0xd: {  	v40 =	vadd.s32 $0x886, v25;
	[tilespmem:$0x1FEA0] =	vst v39  }
0xe: {  	v51 =	vadd.s32 $0x1106, v25;
	[tilespmem:$0x1FEB0] =	vst v40  }
0xf: {  	v26 =	vor.u32 $0x7, v25;
	[tilespmem:$0x1FEC0] =	vst v51  }
0x10: {  	v45 =	vadd.s32 $0x887, v25;
	[tilespmem:$0x1FED0] =	vst v26  }
0x11: {  	v48 =	vadd.s32 $0x1107, v25;
	[tilespmem:$0x1FEE0] =	vst v45  }
0x12: {  	v49 =	vadd.s32 $0x1104, v25;
	[tilespmem:$0x1FEF0] =	vst v48  }
0x13: {  	v63 =	vor.u32 $0x4, v25;
	[tilespmem:$0x1FF10] =	vst v49  }
0x14: {  	v18 =	vadd.s32 $0x882, v25;
	[tilespmem:$0x1FF20] =	vst v63  }
0x15: {  	v20 =	vor.u32 $0x3, v25;
	[tilespmem:$0x1FF30] =	vst v18  }
0x16: {  	v22 =	vadd.s32 $0x883, v25;
	[tilespmem:$0x1FF40] =	vst v20  }
0x17: {  	v61 =	vadd.s32 $0x1103, v25;
	[tilespmem:$0x1FF50] =	vst v22  }
0x18: {  	s1 =	srdreg.scid;
	s4 =	stileid.u32;
	v19 =	vadd.s32 $0x1102, v25;
	[tilespmem:$0x1FF60] =	vst v61  }
0x19: {  	s15 =	simm.s32 $0x5;
	s21 =	simm.s32 $0x1;
	s22 =	simm.s32 $0xE280;
	v30 =	vadd.s32 $0x1101, v25;
	[tilespmem:$0x1FF70] =	vst v19  }
0x1a: {  	s20 =	simm.s32 $0x2;
	s23 =	simm.s32 $0x10480;
	s28 =	simm.s32 $0x12570;
	v31 =	vadd.s32 $0x881, v25;
	[tilespmem:$0x1FF80] =	vst v30  }
0x1b: {  	s29 =	simm.s32 $0x125F8;
	s30 =	simm.s32 $0x0;
	s1 =	sand.u32 $0x1, s1;
	v62 =	vor.u32 $0x1, v25;
	[tilespmem:$0x1FF90] =	vst v31  }
0x1c: {  	s4 =	sshll.u32 s4, $0x1;
	s5 =	sadd.s32 $0xF42C00, s0;
	s9 =	sadd.s32 $0x2000, s2;
	v21 =	vadd.s32 $0x1982, v25;
	[tilespmem:$0x1FFA0] =	vst v62  }
0x1d: {  	s10 =	sadd.s32 $0x3000, s2;
	s11 =	sadd.s32 $0x4000, s2;
	s12 =	sadd.s32 $0x5000, s2;
	v53 =	vadd.s32 $0x1100, v25;
	[tilespmem:$0x1FFB0] =	vst v21  }
0x1e: {  	s13 =	sadd.s32 $0x6000, s2;
	s14 =	sadd.s32 $0x7000, s2;
	s6 =	sor.u32 s1, s4;
	v23 =	vadd.s32 $0x1981, v25;
	[tilespmem:$0x1FFC0] =	vst v53  }
.Ltmp0:
0x1f: {  	s1 =	ssub.s32 $0x2, s1;
	s4 =	sshll.u32 s6, $0x4;
	v24 =	vor.u32 $0x2, v25;
	[tilespmem:$0x1FFD0] =	vst v23;
	(pc) =	sbr.rel .LBB2_1-.Ltmp0, $4  }
0x20: {  	s8 =	sshrl.u32 s1, $0x1;
	v28 =	vadd.s32 $0x880, v25;
	s7 =	sadd.s32 s4, s0;
	s4 =	sadd.s32 $0x19800, s0;
	[tilespmem:$0x1FFE0] =	vst v24  }
0x21: {  	s26 =	ssub.s32 s1, s8;
	s8 =	sadd.s32 $0x1000, s2;
	v0 =	vadd.s32 $0x1983, v25;
	[tilespmem:$0x1FFF0] =	vst v28;
	s31 =	sadd.s32 $0x800, s7  }
0x22: {  	v4 =	vadd.s32 $0x1987, v25;
	s7 =	sshll.u32 s6, $0xA;
	s0 =	smax.u32 s26, $0x1;
	[tilespmem:$0x1FE30] =	vst v0;
	[dreg:$0x3] =	wrdreg s31  }
0x23: {  	s26 =	simm.s32 $0x80;
	s6 =	simm.s32 $0x0;
	[tilespmem:$0x1FF00] =	vst v4;
	[dreg:$0x4] =	wrdreg s0  }
.LBB2_10:
0x24: {  	s0 =	simm.s32 $0x3  }
0x25: {  	_ =	swait.ge [sflag:s0], $0x400  }
0x26: {  	[sflag:s0] =	ssyncset.done $0x0  }
0x27: {  	[sflag:s0] =	ssyncadd.s32 $0xFFFFFC00  }
0x28: {  	_ =	swait.ge [sflag:s0], $0x400  }
0x29: {  	[sflag:s0] =	ssyncset.done $0x0  }
0x2a: {  	[sflag:s0] =	ssyncadd.s32 $0xFFFFFC00  }
0x2b: {  	_ =	swait.ge [sflag:s0], $0x400  }
0x2c: {  	[sflag:s0] =	ssyncset.done $0x0  }
0x2d: {  	[sflag:s0] =	ssyncadd.s32 $0xFFFFFC00  }
0x2e: {  	_ =	swait.ge [sflag:s0], $0x400  }
0x2f: {  	[sflag:s0] =	ssyncset.done $0x0  }
0x30: {  	[sflag:s0] =	ssyncadd.s32 $0xFFFFFC00  }
0x31: {  	_ =	swait.ge [sflag:s0], $0x400  }
0x32: {  	[sflag:s0] =	ssyncset.done $0x0  }
0x33: {  	[sflag:s0] =	ssyncadd.s32 $0xFFFFFC00  }
0x34: {  	_ =	swait.ge [sflag:s0], $0x400  }
0x35: {  	[sflag:s0] =	ssyncset.done $0x0  }
0x36: {  	[sflag:s0] =	ssyncadd.s32 $0xFFFFFC00  }
0x37: {  	_ =	swait.ge [sflag:s0], $0x400  }
0x38: {  	[sflag:s0] =	ssyncset.done $0x0  }
0x39: {  	[sflag:s0] =	ssyncadd.s32 $0xFFFFFC00  }
0x3a: {  	_ =	swait.ge [sflag:s0], $0x400  }
0x3b: {  	[sflag:s0] =	ssyncset.done $0x0  }
0x3c: {  	s1 =	simm.s32 $0x4;
	[sflag:s0] =	ssyncadd.s32 $0xFFFFFC00  }
0x3d: {  	_ =	swait.ge [sflag:s1], $0x400  }
0x3e: {  	[sflag:s1] =	ssyncset.done $0x0  }
0x3f: {  	[sflag:s1] =	ssyncadd.s32 $0xFFFFFC00  }
0x40: {  	_ =	swait.ge [sflag:s1], $0x400  }
0x41: {  	[sflag:s1] =	ssyncset.done $0x0  }
0x42: {  	[sflag:s1] =	ssyncadd.s32 $0xFFFFFC00  }
0x43: {  	_ =	swait.ge [sflag:s1], $0x400  }
0x44: {  	[sflag:s1] =	ssyncset.done $0x0  }
0x45: {  	[sflag:s1] =	ssyncadd.s32 $0xFFFFFC00  }
0x46: {  	_ =	swait.ge [sflag:s1], $0x400  }
0x47: {  	[sflag:s1] =	ssyncset.done $0x0  }
0x48: {  	[sflag:s1] =	ssyncadd.s32 $0xFFFFFC00  }
0x49: {  	_ =	swait.ge [sflag:s1], $0x400  }
0x4a: {  	[sflag:s1] =	ssyncset.done $0x0  }
0x4b: {  	[sflag:s1] =	ssyncadd.s32 $0xFFFFFC00  }
0x4c: {  	_ =	swait.ge [sflag:s1], $0x400  }
0x4d: {  	[sflag:s1] =	ssyncset.done $0x0  }
0x4e: {  	[sflag:s1] =	ssyncadd.s32 $0xFFFFFC00  }
0x4f: {  	_ =	swait.ge [sflag:s1], $0x400  }
0x50: {  	[sflag:s1] =	ssyncset.done $0x0  }
0x51: {  	[sflag:s1] =	ssyncadd.s32 $0xFFFFFC00  }
0x52: {  	_ =	swait.ge [sflag:s1], $0x400  }
0x53: {  	v63 =	vld [tilespmem:$0x1FF20]  }
0x54: {  	v30 =	vmov v32;
	v32 =	vld [tilespmem:$0x1FE40]  }
0x55: {  	v5 =	vld [tilespmem:$0x1FE60]  }
0x56: {  	s6 =	rddreg [dreg:$0x5];
	v38 =	vld [tilespmem:$0x1FE70]  }
0x57: {  	v23 =	vmov v29;
	s31 =	rddreg [dreg:$0x4];
	v29 =	vld [tilespmem:$0x1FE80];
	s6 =	sadd.s32 $0x1, s6  }
0x58: {  	v39 =	vld [tilespmem:$0x1FEA0];
	p0 =	sne.s32 s6, s31  }
.Ltmp1:
0x59: {  	v40 =	vld [tilespmem:$0x1FEB0];
	(pc) =	sbr.rel @!p0 .LBB2_11-.Ltmp1, $4  }
0x5a: {  	v51 =	vld [tilespmem:$0x1FEC0]  }
0x5b: {  	v25 =	vmov v26;
	v26 =	vld [tilespmem:$0x1FED0]  }
0x5c: {  	[sflag:s1] =	ssyncset.done $0x0;
	v45 =	vld [tilespmem:$0x1FEE0]  }
0x5d: {  	s15 =	simm.s32 $0x5;
	v53 =	vmovc v14;
	v62 =	vmov v57;
	v24 =	vmov v27;
	v61 =	vmov v36;
	v48 =	vld [tilespmem:$0x1FEF0];
	[sflag:s1] =	ssyncadd.s32 $0xFFFFFC00  }
.LBB2_1:
0x5e: {  	[dreg:$0x5] =	wrdreg s6  }
0x5f: {  	s0 =	rddreg [dreg:$0x3];
	s1 =	simm.s32 $0x1000  }
0x60: {  	[tilespmem:s3], [sflag:$0x5] =	stream.strided.gather [hbm4b:s0+s26], $0x6400, s1, s26, $0x38;
	[tilespmem:$0x12680] =	vst v63  }
0x61: {  	_ =	swait.ge [sflag:s15], $0x6400  }
0x62: {  	s17 =	sadd.s32 $0x0, s4;
	s6 =	simm.s32 $0x6450;
	[sflag:s15] =	ssyncset.done $0x0  }
0x63: {  	s0 =	simm.s32 $0x6400;
	s1 =	simm.s32 $0x8;
	[sflag:s15] =	ssyncadd.s32 $0xFFFF9C00  }
.LBB2_2:
0x64: {  	[tilespmem:s0], [sflag:$0x5] =	stream.linear.gather [hbm4b:s17+s3], $0x40, $0x38;
	[tilespmem:$0x12680] =	vst v63  }
0x65: {  	s17 =	smov.u32 s1;
	s0 =	smov.u32 s6;
	p0 =	sne.s32 s1, $0x638  }
.Ltmp2:
0x66: {  	s1 =	sadd.s32 $0x8, s1;
	(pc) =	sbr.rel @p0 .LBB2_2-.Ltmp2, $2  }
0x67: {  	_ =	sdelay $0x2  }
0x68: {  	s6 =	sadd.s32 $0x50, s6;
	s17 =	sadd.s32 s17, s4  }
0x69: {  	[tilespmem:s0], [sflag:$0x5] =	stream.linear.gather [hbm4b:s17+s3], $0x40, $0x38;
	[tilespmem:$0x12680] =	vst v63  }
0x6a: {  	_ =	swait.ge [sflag:s15], $0x3200  }
0x6b: {  	[sflag:s15] =	ssyncset.done $0x0  }
0x6c: {  	s24 =	simm.s32 $0x80;
	s1 =	simm.s32 $0xA280;
	[sflag:s15] =	ssyncadd.s32 $0xFFFFCE00  }
0x6d: {  	[tilespmem:s1], [sflag:$0x1] =	stream.indirect.gather [hbm4b:s5+s24], $0x40, s30, s24, $0xb8;
	[tilespmem:$0x12680] =	vst v63  }
0x6e: {  	s26 =	simm.s32 $0x80;
	s25 =	simm.s32 $0xC280;
	s31 =	simm.s32 $0x0  }
0x6f: {  	[tilespmem:s25], [sflag:$0x2] =	stream.indirect.gather [hbm4b:s5+s24], $0x40, s24, s24, $0xb8;
	[tilespmem:$0x12680] =	vst v63  }
.LBB2_4:
0x70: {  	_ =	swait.ge [sflag:s21], $0x2000  }
0x71: {  	p0 =	seq.s32 s31, $0x0;
	[sflag:s21] =	ssyncset.done $0x0  }
0x72: {  	s0 =	simm.s32 @!p0 $0x3;
	[sflag:s21] =	ssyncadd.s32 $0xFFFFE000  }
0x73: {  	_ =	swait.ge @!p0 [sflag:s0], $0x400  }
0x74: {  	[sflag:s0] =	ssyncset.done @!p0 $0x0  }
0x75: {  	[sflag:s0] =	ssyncadd.s32 @!p0 $0xFFFFFC00  }
0x76: {  	_ =	swait.ge @!p0 [sflag:s0], $0x400  }
0x77: {  	[sflag:s0] =	ssyncset.done @!p0 $0x0  }
0x78: {  	[sflag:s0] =	ssyncadd.s32 @!p0 $0xFFFFFC00  }
0x79: {  	_ =	swait.ge @!p0 [sflag:s0], $0x400  }
0x7a: {  	[sflag:s0] =	ssyncset.done @!p0 $0x0  }
0x7b: {  	[sflag:s0] =	ssyncadd.s32 @!p0 $0xFFFFFC00  }
0x7c: {  	_ =	swait.ge @!p0 [sflag:s0], $0x400  }
0x7d: {  	[sflag:s0] =	ssyncset.done @!p0 $0x0  }
0x7e: {  	[sflag:s0] =	ssyncadd.s32 @!p0 $0xFFFFFC00  }
0x7f: {  	_ =	swait.ge @!p0 [sflag:s0], $0x400  }
0x80: {  	[sflag:s0] =	ssyncset.done @!p0 $0x0  }
0x81: {  	[sflag:s0] =	ssyncadd.s32 @!p0 $0xFFFFFC00  }
0x82: {  	_ =	swait.ge @!p0 [sflag:s0], $0x400  }
0x83: {  	[sflag:s0] =	ssyncset.done @!p0 $0x0  }
0x84: {  	[sflag:s0] =	ssyncadd.s32 @!p0 $0xFFFFFC00  }
0x85: {  	_ =	swait.ge @!p0 [sflag:s0], $0x400  }
0x86: {  	[sflag:s0] =	ssyncset.done @!p0 $0x0  }
0x87: {  	[sflag:s0] =	ssyncadd.s32 @!p0 $0xFFFFFC00  }
0x88: {  	s1 =	smul.u32 $0x280, s31;
	s15 =	simm.s32 $0x1;
	_ =	swait.ge @!p0 [sflag:s0], $0x400  }
0x89: {  	s19 =	simm.s32 $0x2;
	v27 =	vmov v5;
	v5 =	vmov s15;
	[sflag:s0] =	ssyncset.done @!p0 $0x0  }
0x8a: {  	s17 =	simm.s32 $0x5;
	v6 =	vmov s19;
	s24 =	sshra.s32 s1, $0x2;
	v5 =	vshrl.u32 v5, $0x3;
	[sflag:s0] =	ssyncadd.s32 @!p0 $0xFFFFFC00  }
0x8b: {  	s6 =	simm.s32 $0x4;
	v4 =	vmov s17;
	s17 =	simm.s32 $0xA380;
	v6 =	vshrl.u32 v6, $0x3;
	v5 =	vshll.u32 v5, v1;
	v36 =	vld [tilespmem:s24+$0x6400]  }
0x8c: {  	v3 =	vmov s6;
	v6 =	vshll.u32 v6, v1;
	v5 =	vbroadcast v5, $0x0;
	v8 =	vld [tilespmem:s17+$0xFFFFFF40]  }
0x8d: {  	v0 =	vmov s30;
	v3 =	vshrl.u32 v3, $0x3;
	v37 =	vbroadcast v6, $0x0;
	v9 =	vld [tilespmem:s17+$0xFFFFFF80]  }
0x8e: {  	s16 =	simm.s32 $0x3;
	v0 =	vshrl.u32 v0, $0x3;
	v3 =	vshll.u32 v3, v1;
	v10 =	vadd.s32 v62, v5;
	v35 =	vld [tilespmem:s24+$0x6410]  }
0x8f: {  	v44 =	vbroadcast v3, $0x0;
	v3 =	vmov s16;
	v12 =	vadd.s32 v24, v37;
	v34 =	vld [tilespmem:s24+$0x6420]  }
0x90: {  	v17 =	vshll.u32 v0, v1;
	v3 =	vshrl.u32 v3, $0x3;
	v11 =	vadd.s32 v23, v5;
	v7 =	vld [tilespmem:s17+$0x0]  }
0x91: {  	v4 =	vshrl.u32 v4, $0x3;
	v3 =	vshll.u32 v3, v1;
	v33 =	vld [tilespmem:s24+$0x6430];
	[tilespmem:$0x1FDA0] =	vst v11;
	v0 =	vadd.f32 v8, v36  }
0x92: {  	v6 =	vadd.s32 v63, v44;
	v56 =	vbroadcast v3, $0x0;
	v11 =	vld [tilespmem:s17+$0xFFFFFFC0];
	v9 =	vadd.f32 v9, v36  }
0x93: {  	s25 =	simm.s32 $0x7;
	v4 =	vshll.u32 v4, v1;
	v13 =	vld [tilespmem:s17+$0xC0];
	[tilespmem:v10+s22+$0x0] =	vst.idx.msk $0xffff, v0  }
0x94: {  	s18 =	simm.s32 $0x6;
	v2 =	vmov s25;
	v55 =	vbroadcast v4, $0x0;
	v15 =	vadd.s32 v20, v56;
	[tilespmem:v12+s22+$0x0] =	vst.idx.msk $0xffff, v9;
	v4 =	vld [tilespmem:s17+$0xFFFFFF50]  }
0x95: {  	v14 =	vmov s18;
	v2 =	vshrl.u32 v2, $0x3;
	v7 =	vadd.f32 v7, v36;
	v10 =	vld [tilespmem:s17+$0xFFFFFF90]  }
0x96: {  	v2 =	vshll.u32 v2, v1;
	v54 =	vbroadcast v17, $0x0;
	v8 =	vshrl.u32 v14, $0x3  }
0x97: {  	v50 =	vbroadcast v2, $0x0;
	v3 =	vld [tilespmem:s17+$0xFFFFFF00];
	v8 =	vshll.u32 v8, v1;
	[tilespmem:v6+s22+$0x0] =	vst.idx.msk $0xffff, v7;
	v7 =	vadd.f32 v11, v36  }
0x98: {  	v57 =	vmovc v39;
	v17 =	vadd.s32 v18, v37;
	v16 =	vld [tilespmem:s17+$0x80];
	v52 =	vbroadcast v8, $0x0;
	v8 =	vadd.f32 v13, v36  }
0x99: {  	v2 =	vmov v31;
	v14 =	vld [tilespmem:s17+$0x40];
	v9 =	vadd.s32 v31, v5;
	v0 =	vadd.s32 v61, v56;
	[tilespmem:v15+s22+$0x0] =	vst.idx.msk $0xffff, v7  }
0x9a: {  	v31 =	vmovc v45;
	v6 =	vld [tilespmem:s17+$0x10];
	v7 =	vadd.s32 v39, v52;
	v39 =	vadd.f32 v4, v35;
	v4 =	vadd.f32 v10, v35  }
0x9b: {  	v13 =	vld [tilespmem:s17+$0xFFFFFFD0];
	[tilespmem:$0x1FDC0] =	vst v0;
	v10 =	vadd.s32 v45, v50;
	v45 =	vadd.s32 v30, v5;
	v5 =	vadd.s32 v29, v55  }
0x9c: {  	[tilespmem:$0x1FDE0] =	vst v5;
	v5 =	vadd.s32 v48, v50  }
0x9d: {  	v43 =	vadd.s32 v22, v56;
	[tilespmem:$0x1FDB0] =	vst v5  }
0x9e: {  	s25 =	simm.s32 $0x9;
	s1 =	simm.s32 $0xA580;
	v42 =	vadd.s32 v40, v52;
	[tilespmem:v17+s22+$0x0] =	vst.idx.msk $0xffff, v4;
	v4 =	vadd.s32 v51, v52  }
0x9f: {  	v59 =	vmov s25;
	v22 =	vmovc v40;
	v40 =	vadd.s32 v27, v55;
	v27 =	vmovc v48;
	v48 =	vld [tilespmem:s1+$0xFFFFFF40];
	[tilespmem:$0x1FDD0] =	vst v4;
	v4 =	vadd.s32 v53, v54  }
0xa0: {  	v41 =	vadd.s32 v25, v54;
	v16 =	vadd.f32 v16, v36;
	v11 =	vadd.s32 v32, v44;
	[tilespmem:$0x1FDF0] =	vst v4  }
0xa1: {  	v46 =	vadd.s32 v28, v54;
	v47 =	vadd.s32 v19, v37;
	v17 =	vadd.s32 v49, v44;
	v49 =	vld [tilespmem:s17+$0xFFFFFFA0]  }
0xa2: {  	v59 =	vshrl.u32 v59, $0x3;
	v12 =	vadd.s32 v38, v55;
	v14 =	vadd.f32 v14, v36;
	v5 =	vld [tilespmem:s1+$0x80];
	[tilespmem:v7+s22+$0x0] =	vst.idx.msk $0xffff, v16  }
0xa3: {  	s15 =	simm.s32 $0xC;
	s16 =	simm.s32 $0xA;
	v15 =	vadd.s32 v26, v50;
	v0 =	vmov v38;
	v38 =	vadd.f32 v6, v35;
	v60 =	vld [tilespmem:s1+$0xFFFFFF80];
	[tilespmem:v9+s22+$0x0] =	vst.idx.msk $0xffff, v39  }
0xa4: {  	v7 =	vmov s15;
	v16 =	vmov s16;
	v39 =	vshll.u32 v59, v1;
	[tilespmem:v40+s22+$0x0] =	vst.idx.msk $0xffff, v14;
	v59 =	vld [tilespmem:s17+$0x90]  }
0xa5: {  	v3 =	vadd.f32 v3, v36;
	[tilespmem:v11+s22+$0x0] =	vst.idx.msk $0xffff, v38;
	v16 =	vshrl.u32 v16, $0x3;
	v7 =	vshrl.u32 v7, $0x3;
	v11 =	vld [tilespmem:s17+$0x50]  }
0xa6: {  	s24 =	simm.s32 $0xF;
	v29 =	vmovc v51;
	v51 =	vbroadcast v39, $0x0;
	v14 =	vshll.u32 v16, v1;
	v16 =	vld [tilespmem:s17+$0xFFFFFF60];
	v7 =	vshll.u32 v7, v1  }
0xa7: {  	v58 =	vmov s24;
	v6 =	vmovc v18;
	v39 =	vbroadcast v14, $0x0;
	v40 =	vbroadcast v7, $0x0;
	v7 =	vld [tilespmem:s1+$0xFFFFFF00]  }
0xa8: {  	[tilespmem:v41+s22+$0x0] =	vst.idx.msk $0xffff, v3;
	v14 =	vadd.f32 v49, v34;
	v49 =	vshrl.u32 v58, $0x3;
	v58 =	vadd.s32 v62, v51;
	v62 =	vld [tilespmem:s1+$0x0]  }
0xa9: {  	s19 =	simm.s32 $0x8;
	v18 =	vmov v30;
	v13 =	vadd.f32 v13, v35;
	[tilespmem:v15+s22+$0x0] =	vst.idx.msk $0xffff, v8;
	v3 =	vadd.f32 v60, v36;
	v60 =	vld [tilespmem:s17+$0xFFFFFF10]  }
0xaa: {  	s24 =	simm.s32 $0xB;
	v30 =	vmovc v53;
	v53 =	vmov s19;
	v8 =	vadd.s32 v63, v40;
	v15 =	vadd.f32 v59, v35;
	[tilespmem:v47+s22+$0x0] =	vst.idx.msk $0xffff, v14;
	v14 =	vld [tilespmem:s1+$0x40]  }
0xab: {  	[tilespmem:v43+s22+$0x0] =	vst.idx.msk $0xffff, v13;
	v13 =	vshrl.u32 v53, $0x3;
	v43 =	vmov s24;
	v4 =	vmovc v2;
	v47 =	vshll.u32 v49, v1;
	v49 =	vld [tilespmem:s1+$0xC0]  }
0xac: {  	s25 =	simm.s32 $0xE;
	v43 =	vshrl.u32 v43, $0x3;
	v53 =	vadd.s32 v24, v39;
	v16 =	vadd.f32 v16, v34;
	[tilespmem:v42+s22+$0x0] =	vst.idx.msk $0xffff, v15;
	v42 =	vld [tilespmem:s17+$0xD0]  }
0xad: {  	v4 =	vadd.s32 v4, v51;
	v15 =	vmov s25;
	v2 =	vld [tilespmem:s17+$0xFFFFFFB0];
	v59 =	vadd.f32 v62, v36  }
0xae: {  	s18 =	simm.s32 $0xD;
	v63 =	vadd.f32 v48, v36;
	v48 =	vadd.f32 v7, v36;
	[tilespmem:v45+s22+$0x0] =	vst.idx.msk $0xffff, v16;
	v16 =	vld [tilespmem:s17+$0x20];
	v15 =	vshrl.u32 v15, $0x3  }
0xaf: {  	v9 =	vmov s18;
	v62 =	vld [tilespmem:s1+$0xFFFFFFC0];
	v7 =	vshll.u32 v15, v1;
	v15 =	vshll.u32 v43, v1;
	[tilespmem:v8+s22+$0x0] =	vst.idx.msk $0xffff, v59  }
0xb0: {  	v9 =	vshrl.u32 v9, $0x3;
	v41 =	vbroadcast v7, $0x0;
	v43 =	vbroadcast v15, $0x0;
	v7 =	vld [tilespmem:s17+$0xFFFFFF70];
	[tilespmem:$0x1FE00] =	vst v4  }
0xb1: {  	v9 =	vshll.u32 v9, v1;
	v11 =	vadd.f32 v11, v35;
	[tilespmem:v53+s22+$0x0] =	vst.idx.msk $0xffff, v3  }
0xb2: {  	v8 =	vadd.s32 v20, v43;
	v3 =	vadd.f32 v42, v35;
	[tilespmem:v58+s22+$0x0] =	vst.idx.msk $0xffff, v63  }
0xb3: {  	v42 =	vbroadcast v9, $0x0;
	[tilespmem:v12+s22+$0x0] =	vst.idx.msk $0xffff, v11;
	v11 =	vadd.f32 v60, v35  }
0xb4: {  	[tilespmem:v10+s22+$0x0] =	vst.idx.msk $0xffff, v3;
	v3 =	vadd.f32 v16, v34  }
0xb5: {  	v45 =	vbroadcast v47, $0x0;
	v12 =	vadd.f32 v62, v36;
	v47 =	vadd.s32 v0, v42;
	v0 =	vld [tilespmem:$0x1FE50];
	[tilespmem:v46+s22+$0x0] =	vst.idx.msk $0xffff, v11  }
0xb6: {  	[tilespmem:v17+s22+$0x0] =	vst.idx.msk $0xffff, v3  }
0xb7: {  	[tilespmem:v8+s22+$0x0] =	vst.idx.msk $0xffff, v12  }
0xb8: {  	v4 =	vld [tilespmem:$0x1FE90];
	_ =	sdelay $0x4  }
0xb9: {  	v60 =	vadd.s32 v4, v55;
	v4 =	vld [tilespmem:$0x1FDA0];
	_ =	sdelay $0x5  }
0xba: {  	v7 =	vadd.f32 v7, v33;
	_ =	sdelay $0x1  }
0xbb: {  	[tilespmem:v4+s22+$0x0] =	vst.idx.msk $0xffff, v7  }
0xbc: {  	v3 =	vadd.s32 v6, v39;
	v6 =	vld [tilespmem:$0x1FDB0]  }
0xbd: {  	v10 =	vld [tilespmem:s17+$0xE0];
	_ =	sdelay $0x2  }
0xbe: {  	v9 =	vld [tilespmem:s17+$0xA0];
	_ =	sdelay $0x1  }
0xbf: {  	v10 =	vadd.f32 v10, v34;
	_ =	sdelay $0x1  }
0xc0: {  	[tilespmem:v6+s22+$0x0] =	vst.idx.msk $0xffff, v10  }
0xc1: {  	v12 =	vadd.f32 v9, v34;
	v9 =	vld [tilespmem:$0x1FDC0]  }
0xc2: {  	v16 =	vld [tilespmem:s17+$0xFFFFFFE0];
	_ =	sdelay $0x4  }
0xc3: {  	v46 =	vadd.s32 v61, v43;
	v61 =	vadd.f32 v2, v33;
	v2 =	vadd.f32 v16, v34;
	_ =	sdelay $0x1  }
0xc4: {  	[tilespmem:v9+s22+$0x0] =	vst.idx.msk $0xffff, v2  }
0xc5: {  	v2 =	vld [tilespmem:$0x1FE30];
	_ =	sdelay $0x4  }
0xc6: {  	v9 =	vadd.s32 v2, v56;
	v2 =	vld [tilespmem:$0x1FF50];
	_ =	sdelay $0x4  }
0xc7: {  	v63 =	vadd.s32 v2, v43;
	v2 =	vld [tilespmem:$0x1FDD0];
	_ =	sdelay $0x3  }
0xc8: {  	v8 =	vadd.f32 v5, v36;
	v5 =	vld [tilespmem:s17+$0x30];
	_ =	sdelay $0x3  }
0xc9: {  	v11 =	vld [tilespmem:s17+$0x60];
	[tilespmem:v2+s22+$0x0] =	vst.idx.msk $0xffff, v12  }
0xca: {  	v12 =	vadd.f32 v5, v33;
	v5 =	vld [tilespmem:$0x1FF00];
	_ =	sdelay $0x4  }
0xcb: {  	v10 =	vadd.f32 v11, v34;
	v11 =	vadd.s32 v5, v50;
	v5 =	vld [tilespmem:$0x1FDE0];
	_ =	sdelay $0x4  }
0xcc: {  	v17 =	vld [tilespmem:s1+$0xFFFFFF50];
	_ =	sdelay $0x1  }
0xcd: {  	v15 =	vld [tilespmem:s1+$0x10]  }
0xce: {  	v7 =	vld [tilespmem:s1+$0xFFFFFF90];
	[tilespmem:v5+s22+$0x0] =	vst.idx.msk $0xffff, v10  }
0xcf: {  	v0 =	vadd.s32 v0, v44;
	v5 =	vld [tilespmem:$0x1FE20]  }
0xd0: {  	v59 =	vadd.s32 v57, v41;
	v57 =	vadd.s32 v32, v40;
	v4 =	vadd.f32 v17, v35;
	v17 =	vld [tilespmem:s17+$0xFFFFFF20]  }
0xd1: {  	v2 =	vld [tilespmem:s17+$0xF0]  }
0xd2: {  	v13 =	vshll.u32 v13, v1  }
0xd3: {  	v44 =	vbroadcast v13, $0x0;
	v13 =	vadd.f32 v15, v35  }
0xd4: {  	v32 =	vmov v5;
	v10 =	vadd.s32 v5, v52;
	v5 =	vld [tilespmem:$0x1FE10];
	[tilespmem:v0+s22+$0x0] =	vst.idx.msk $0xffff, v12  }
0xd5: {  	v62 =	vadd.f32 v14, v36;
	v14 =	vadd.f32 v7, v35;
	v0 =	vld [tilespmem:$0x1FE60];
	[tilespmem:v57+s22+$0x0] =	vst.idx.msk $0xffff, v13  }
0xd6: {  	v7 =	vadd.f32 v17, v34;
	v17 =	vadd.f32 v2, v33;
	v2 =	vld [tilespmem:$0x1FE80];
	_ =	sdelay $0x4  }
0xd7: {  	v50 =	vadd.s32 v2, v42;
	v2 =	vld [tilespmem:$0x1FDF0];
	_ =	sdelay $0x7  }
0xd8: {  	v6 =	vld [tilespmem:s1+$0xFFFFFFD0];
	[tilespmem:v2+s22+$0x0] =	vst.idx.msk $0xffff, v7  }
0xd9: {  	v7 =	vld [tilespmem:$0x1FE00];
	_ =	sdelay $0x3  }
0xda: {  	v38 =	vadd.s32 v23, v51;
	v49 =	vadd.f32 v49, v36;
	v53 =	vadd.s32 v26, v45  }
0xdb: {  	v58 =	vadd.s32 v22, v41;
	v55 =	vadd.s32 v25, v44;
	v6 =	vadd.f32 v6, v35;
	v15 =	vld [tilespmem:s17+$0xFFFFFFF0]  }
0xdc: {  	v56 =	vadd.s32 v31, v45;
	v12 =	vld [tilespmem:s17+$0xB0];
	v52 =	vadd.s32 v27, v45;
	v5 =	vadd.s32 v5, v54  }
0xdd: {  	v54 =	vadd.s32 v28, v44;
	v16 =	vadd.s32 v0, v42;
	v0 =	vadd.s32 v18, v51;
	v2 =	vld [tilespmem:s17+$0x70]  }
0xde: {  	s6 =	simm.s32 $0xA780;
	s0 =	sshll.u32 s31, $0x1;
	s19 =	simm.s32 $0x10;
	v31 =	vmov v28;
	v51 =	vadd.s32 v29, v41;
	v13 =	vld [tilespmem:s17+$0xFFFFFF30];
	[tilespmem:v7+s22+$0x0] =	vst.idx.msk $0xffff, v4;
	v4 =	vadd.s32 v19, v39  }
.LBB2_5:
0xdf: {  	_ = 	snop  }
0xe0: {  	s18 =	smov.u32 s19;
	[tilespmem:v59+s22+$0x0] =	vst.idx.msk $0xffff, v8  }
0xe1: {  	[tilespmem:v3+s22+$0x0] =	vst.idx.msk $0xffff, v14;
	s16 =	sadd.s32 $0x2, s18  }
0xe2: {  	v28 =	vmovc v21;
	v21 =	vadd.s32 v21, v37;
	[tilespmem:v11+s22+$0x0] =	vst.idx.msk $0xffff, v17;
	v8 =	vld [tilespmem:s6+$0x80];
	v17 =	vmov s16;
	v3 =	vadd.f32 v15, v33  }
0xe3: {  	[tilespmem:v16+s22+$0x0] =	vst.idx.msk $0xffff, v62;
	v20 =	vld [tilespmem:s1+$0xFFFFFFA0];
	v16 =	vshrl.u32 v17, $0x3;
	v12 =	vadd.f32 v12, v33  }
0xe4: {  	[tilespmem:v9+s22+$0x0] =	vst.idx.msk $0xffff, v3;
	v9 =	vshll.u32 v16, v1;
	v16 =	vld [tilespmem:s1+$0x90]  }
0xe5: {  	[tilespmem:v10+s22+$0x0] =	vst.idx.msk $0xffff, v12;
	v12 =	vld [tilespmem:s1+$0xFFFFFF60]  }
0xe6: {  	v18 =	vld [tilespmem:s6+$0xFFFFFF40];
	s24 =	sadd.s32 $0x4, s18;
	v3 =	vadd.f32 v2, v33  }
0xe7: {  	v37 =	vmov v39;
	v14 =	vmov s24;
	v22 =	vld [tilespmem:s6+$0xFFFFFF80];
	[tilespmem:v21+s22+$0x0] =	vst.idx.msk $0xffff, v61;
	v39 =	vbroadcast v9, $0x0  }
0xe8: {  	v17 =	vld [tilespmem:s1+$0x50];
	v10 =	vshrl.u32 v14, $0x3;
	[tilespmem:v60+s22+$0x0] =	vst.idx.msk $0xffff, v3  }
0xe9: {  	s15 =	sadd.s32 $0x7, s19;
	v7 =	vld [tilespmem:$0x1FF10];
	v3 =	vshll.u32 v10, v1;
	v10 =	vadd.f32 v20, v34;
	v21 =	vadd.s32 v24, v39  }
0xea: {  	v26 =	vld [tilespmem:$0x1FED0];
	v19 =	vmov s15;
	s15 =	sadd.s32 $0x1, s18;
	[tilespmem:v63+s22+$0x0] =	vst.idx.msk $0xffff, v6;
	v12 =	vadd.f32 v12, v34  }
0xeb: {  	v11 =	vmov s15;
	v14 =	vld [tilespmem:$0x1FFA0];
	[tilespmem:v4+s22+$0x0] =	vst.idx.msk $0xffff, v10  }
0xec: {  	v59 =	vmov s18;
	s25 =	sadd.s32 $0x5, s18;
	v11 =	vshrl.u32 v11, $0x3;
	v6 =	vld [tilespmem:$0x1FF20];
	[tilespmem:v0+s22+$0x0] =	vst.idx.msk $0xffff, v12;
	v12 =	vadd.f32 v22, v36  }
0xed: {  	s17 =	sadd.s32 $0x6, s18;
	v15 =	vmov s25;
	v13 =	vadd.f32 v13, v33;
	v2 =	vshll.u32 v11, v1;
	v0 =	vld [tilespmem:s1+$0xFFFFFFB0]  }
0xee: {  	v2 =	vbroadcast v2, $0x0;
	v4 =	vadd.f32 v18, v36;
	v18 =	vmov s17;
	[tilespmem:v21+s22+$0x0] =	vst.idx.msk $0xffff, v12;
	v21 =	vld [tilespmem:$0x1FEA0]  }
0xef: {  	v11 =	vshrl.u32 v19, $0x3;
	v20 =	vld [tilespmem:s6+$0x0];
	v3 =	vbroadcast v3, $0x0;
	v18 =	vshrl.u32 v18, $0x3  }
0xf0: {  	s18 =	sadd.s32 $0x3, s18;
	v61 =	vld [tilespmem:s6+$0xC0];
	[tilespmem:v5+s22+$0x0] =	vst.idx.msk $0xffff, v13;
	v13 =	vshrl.u32 v59, $0x3;
	v14 =	vadd.s32 v14, v2;
	v18 =	vshll.u32 v18, v1  }
0xf1: {  	v59 =	vmov s18;
	v60 =	vld [tilespmem:s1+$0x20];
	v6 =	vadd.s32 v6, v3;
	v18 =	vbroadcast v18, $0x0  }
0xf2: {  	v11 =	vshll.u32 v11, v1;
	v59 =	vshrl.u32 v59, $0x3;
	v9 =	vld [tilespmem:s6+$0x40];
	v16 =	vadd.f32 v16, v35  }
0xf3: {  	v63 =	vshll.u32 v59, v1;
	v59 =	vadd.s32 v21, v18;
	v21 =	vbroadcast v11, $0x0;
	v11 =	vld [tilespmem:$0x1FE40]  }
0xf4: {  	v15 =	vshrl.u32 v15, $0x3;
	v20 =	vadd.f32 v20, v36;
	[tilespmem:v58+s22+$0x0] =	vst.idx.msk $0xffff, v16;
	v22 =	vld [tilespmem:s1+$0xFFFFFF70]  }
0xf5: {  	v7 =	vadd.s32 v7, v40;
	v15 =	vshll.u32 v15, v1;
	[tilespmem:v14+s22+$0x0] =	vst.idx.msk $0xffff, v4;
	v14 =	vld [tilespmem:$0x1FE50]  }
0xf6: {  	[tilespmem:v6+s22+$0x0] =	vst.idx.msk $0xffff, v20;
	v6 =	vbroadcast v15, $0x0;
	v15 =	vld [tilespmem:s1+$0xA0]  }
0xf7: {  	[tilespmem:v53+s22+$0x0] =	vst.idx.msk $0xffff, v49;
	v17 =	vadd.f32 v17, v35;
	v53 =	vadd.s32 v26, v21;
	v26 =	vld [tilespmem:$0x1FE90]  }
0xf8: {  	v29 =	vmovc v23;
	v19 =	vadd.s32 v23, v2;
	v58 =	vadd.f32 v60, v34;
	v23 =	vadd.s32 v11, v3;
	v11 =	vld [tilespmem:$0x1FE70]  }
0xf9: {  	[tilespmem:v47+s22+$0x0] =	vst.idx.msk $0xffff, v17;
	v12 =	vld [tilespmem:s6+$0x10]  }
0xfa: {  	[tilespmem:v7+s22+$0x0] =	vst.idx.msk $0xffff, v58;
	v7 =	vld [tilespmem:s1+$0x60]  }
0xfb: {  	v5 =	vld [tilespmem:s6+$0xFFFFFF00];
	[tilespmem:v55+s22+$0x0] =	vst.idx.msk $0xffff, v48  }
0xfc: {  	v55 =	vld [tilespmem:s1+$0xFFFFFF10]  }
0xfd: {  	v10 =	vld [tilespmem:s6+$0xFFFFFFC0];
	v60 =	vadd.s32 v26, v42;
	v42 =	vmovc v6;
	v11 =	vadd.s32 v11, v6;
	v6 =	vadd.f32 v22, v33  }
0xfe: {  	v27 =	vmovc v24;
	v49 =	vadd.f32 v61, v36;
	v61 =	vadd.f32 v0, v33;
	v24 =	vadd.s32 v14, v40;
	v14 =	vld [tilespmem:s6+$0xFFFFFF50]  }
0xff: {  	v0 =	vadd.f32 v15, v34;
	[tilespmem:v38+s22+$0x0] =	vst.idx.msk $0xffff, v6;
	v6 =	vadd.f32 v7, v34;
	v7 =	vld [tilespmem:$0x1FEB0]  }
0x100: {  	v16 =	vld [tilespmem:s1+$0xD0]  }
0x101: {  	[tilespmem:v51+s22+$0x0] =	vst.idx.msk $0xffff, v0;
	v0 =	vld [tilespmem:$0x1FF00]  }
0x102: {  	v40 =	vmov v3;
	v3 =	vld [tilespmem:$0x1FF40]  }
0x103: {  	v5 =	vadd.f32 v5, v36;
	v47 =	vmov v11;
	v11 =	vld [tilespmem:s1+$0x30]  }
0x104: {  	v58 =	vadd.s32 v7, v18;
	v7 =	vld [tilespmem:$0x1FE30]  }
0x105: {  	v48 =	vmov v5;
	v5 =	vbroadcast v63, $0x0;
	v16 =	vadd.f32 v16, v35  }
0x106: {  	v62 =	vadd.f32 v9, v36;
	v9 =	vadd.f32 v55, v35  }
0x107: {  	v4 =	vadd.f32 v10, v36;
	v10 =	vld [tilespmem:s1+$0xFFFFFFE0];
	[tilespmem:v56+s22+$0x0] =	vst.idx.msk $0xffff, v16;
	v16 =	vadd.s32 v3, v5  }
0x108: {  	[tilespmem:v54+s22+$0x0] =	vst.idx.msk $0xffff, v9;
	v3 =	vld [tilespmem:$0x1FF60]  }
0x109: {  	v9 =	vadd.s32 v7, v43;
	v7 =	vadd.f32 v11, v33;
	v11 =	vadd.s32 v0, v45;
	v0 =	vld [tilespmem:$0x1FEE0];
	_ =	sdelay $0x2  }
0x10a: {  	v17 =	vld [tilespmem:s1+$0xE0];
	v10 =	vadd.f32 v10, v34;
	[tilespmem:v16+s22+$0x0] =	vst.idx.msk $0xffff, v4  }
0x10b: {  	v56 =	vadd.s32 v3, v5;
	v16 =	vld [tilespmem:s6+$0xFFFFFFD0];
	v45 =	vmov v21  }
0x10c: {  	[tilespmem:v46+s22+$0x0] =	vst.idx.msk $0xffff, v10;
	v46 =	vmov v56;
	v56 =	vadd.s32 v0, v45;
	v0 =	vld [tilespmem:$0x1FE60];
	_ =	sdelay $0x3  }
0x10d: {  	v13 =	vshll.u32 v13, v1;
	v20 =	vld [tilespmem:$0x1FF90];
	v15 =	vadd.f32 v17, v34  }
0x10e: {  	v13 =	vbroadcast v13, $0x0;
	[tilespmem:v50+s22+$0x0] =	vst.idx.msk $0xffff, v6;
	v6 =	vadd.f32 v16, v35;
	v16 =	vadd.s32 v0, v42;
	v0 =	vld [tilespmem:$0x1FF80]  }
0x10f: {  	v4 =	vld [tilespmem:s1+$0xFFFFFF20]  }
0x110: {  	v55 =	vadd.s32 v25, v13;
	v26 =	vmov v25;
	v25 =	vadd.f32 v12, v35;
	v12 =	vld [tilespmem:s6+$0xFFFFFF90];
	[tilespmem:v52+s22+$0x0] =	vst.idx.msk $0xffff, v15  }
0x111: {  	v57 =	vadd.s32 v30, v44;
	v17 =	vld [tilespmem:s1+$0xF0]  }
0x112: {  	v3 =	vld [tilespmem:$0x1FF30]  }
0x113: {  	v20 =	vadd.s32 v20, v2;
	v0 =	vadd.s32 v0, v2;
	v2 =	vld [tilespmem:$0x1FE80]  }
0x114: {  	v10 =	vadd.s32 v32, v41;
	v41 =	vmov v18;
	v18 =	vld [tilespmem:$0x1FE10];
	v4 =	vadd.f32 v4, v34  }
0x115: {  	v43 =	vmov v5;
	v5 =	vld [tilespmem:$0x1FF50]  }
0x116: {  	[tilespmem:v57+s22+$0x0] =	vst.idx.msk $0xffff, v4;
	v4 =	vld [tilespmem:$0x1FF70]  }
0x117: {  	[tilespmem:v24+s22+$0x0] =	vst.idx.msk $0xffff, v7;
	v7 =	vld [tilespmem:$0x1FEC0]  }
0x118: {  	p1 =	slt.u32 s19, $0x78;
	v22 =	vadd.f32 v14, v35;
	v50 =	vadd.s32 v2, v42;
	v2 =	vld [tilespmem:$0x1FEF0]  }
.Ltmp3:
0x119: {  	v8 =	vadd.f32 v8, v36;
	(pc) =	sbr.rel @p1 .LBB2_5-.Ltmp3, $4  }
0x11a: {  	v38 =	vmov v19;
	v14 =	vadd.f32 v12, v35;
	v12 =	vld [tilespmem:s1+$0xB0];
	[tilespmem:v20+s22+$0x0] =	vst.idx.msk $0xffff, v22;
	v17 =	vadd.f32 v17, v33  }
0x11b: {  	v15 =	vld [tilespmem:s1+$0xFFFFFFF0];
	v3 =	vadd.s32 v3, v39;
	v21 =	vmovc v28;
	v24 =	vmov v27;
	[tilespmem:v23+s22+$0x0] =	vst.idx.msk $0xffff, v25;
	v23 =	vmov v29  }
0x11c: {  	v63 =	vadd.s32 v5, v43;
	v5 =	vadd.s32 v18, v44;
	v44 =	vmovc v13;
	v4 =	vadd.s32 v4, v39;
	v13 =	vld [tilespmem:s1+$0xFFFFFF30]  }
0x11d: {  	s19 =	sadd.s32 $0x8, s19;
	v25 =	vmovc v26;
	v54 =	vadd.s32 v31, v44;
	v51 =	vadd.s32 v7, v41;
	v52 =	vadd.s32 v2, v45;
	v2 =	vld [tilespmem:s1+$0x70];
	s1 =	smov.u32 s6;
	s6 =	sadd.s32 $0x200, s6  }
0x11e: {  	_ =	sdelay $0x3  }
0x11f: {  	[tilespmem:v59+s22+$0x0] =	vst.idx.msk $0xffff, v8  }
0x120: {  	[tilespmem:v3+s22+$0x0] =	vst.idx.msk $0xffff, v14  }
0x121: {  	[tilespmem:v53+s22+$0x0] =	vst.idx.msk $0xffff, v49  }
0x122: {  	[tilespmem:v11+s22+$0x0] =	vst.idx.msk $0xffff, v17  }
0x123: {  	v8 =	vadd.s32 v21, v37;
	[tilespmem:v16+s22+$0x0] =	vst.idx.msk $0xffff, v62;
	v7 =	vld [tilespmem:s1+$0xD0]  }
0x124: {  	[tilespmem:v55+s22+$0x0] =	vst.idx.msk $0xffff, v48;
	v11 =	vadd.f32 v12, v33  }
0x125: {  	[tilespmem:v63+s22+$0x0] =	vst.idx.msk $0xffff, v6;
	v3 =	vadd.f32 v15, v33  }
0x126: {  	[tilespmem:v10+s22+$0x0] =	vst.idx.msk $0xffff, v11  }
0x127: {  	[tilespmem:v9+s22+$0x0] =	vst.idx.msk $0xffff, v3;
	v2 =	vadd.f32 v2, v33  }
0x128: {  	v3 =	vld [tilespmem:s1+$0x90];
	[tilespmem:v8+s22+$0x0] =	vst.idx.msk $0xffff, v61;
	v7 =	vadd.f32 v7, v35  }
0x129: {  	v9 =	vld [tilespmem:s1+$0x50];
	[tilespmem:v60+s22+$0x0] =	vst.idx.msk $0xffff, v2  }
0x12a: {  	v2 =	vld [tilespmem:s1+$0xFFFFFF10];
	[tilespmem:v56+s22+$0x0] =	vst.idx.msk $0xffff, v7  }
0x12b: {  	v48 =	vld [tilespmem:$0x1FF10]  }
0x12c: {  	v10 =	vld [tilespmem:s1+$0xFFFFFF60]  }
0x12d: {  	v3 =	vadd.f32 v3, v35;
	v7 =	vld [tilespmem:s1+$0xE0]  }
0x12e: {  	v8 =	vld [tilespmem:s1+$0x20];
	v6 =	vadd.f32 v9, v35  }
0x12f: {  	v11 =	vadd.f32 v13, v33;
	[tilespmem:v58+s22+$0x0] =	vst.idx.msk $0xffff, v3;
	v3 =	vld [tilespmem:s1+$0xFFFFFFE0]  }
0x130: {  	[tilespmem:v47+s22+$0x0] =	vst.idx.msk $0xffff, v6;
	v2 =	vadd.f32 v2, v35;
	v12 =	vld [tilespmem:s1+$0xA0];
	v9 =	vadd.s32 v48, v40  }
0x131: {  	[tilespmem:v5+s22+$0x0] =	vst.idx.msk $0xffff, v11;
	v5 =	vadd.f32 v10, v34;
	v6 =	vld [tilespmem:s1+$0x60]  }
0x132: {  	v10 =	vld [tilespmem:s1+$0xFFFFFFA0];
	[tilespmem:v54+s22+$0x0] =	vst.idx.msk $0xffff, v2;
	v2 =	vadd.f32 v7, v34  }
0x133: {  	v8 =	vadd.f32 v8, v34;
	[tilespmem:v0+s22+$0x0] =	vst.idx.msk $0xffff, v5;
	v0 =	vld [tilespmem:s1+$0xFFFFFF20]  }
0x134: {  	v3 =	vadd.f32 v3, v34;
	[tilespmem:v52+s22+$0x0] =	vst.idx.msk $0xffff, v2  }
0x135: {  	v5 =	vld [tilespmem:s1+$0xFFFFFF70];
	v7 =	vadd.s32 v30, v44;
	[tilespmem:v9+s22+$0x0] =	vst.idx.msk $0xffff, v8;
	v9 =	vadd.f32 v12, v34  }
0x136: {  	v2 =	vadd.f32 v6, v34;
	[tilespmem:v46+s22+$0x0] =	vst.idx.msk $0xffff, v3;
	v8 =	vld [tilespmem:s1+$0x30]  }
0x137: {  	v6 =	vadd.f32 v10, v34;
	v10 =	vld [tilespmem:$0x1FE50];
	[tilespmem:v51+s22+$0x0] =	vst.idx.msk $0xffff, v9  }
0x138: {  	v0 =	vadd.f32 v0, v34;
	v9 =	vld [tilespmem:$0x1FF00];
	[tilespmem:v50+s22+$0x0] =	vst.idx.msk $0xffff, v2  }
0x139: {  	v2 =	vld [tilespmem:s1+$0xB0];
	[tilespmem:v4+s22+$0x0] =	vst.idx.msk $0xffff, v6  }
0x13a: {  	v4 =	vadd.f32 v5, v33;
	v5 =	vld [tilespmem:$0x1FE30];
	[tilespmem:v7+s22+$0x0] =	vst.idx.msk $0xffff, v0  }
0x13b: {  	v0 =	vld [tilespmem:$0x1FE90]  }
0x13c: {  	v3 =	vld [tilespmem:s1+$0xF0];
	v10 =	vadd.s32 v10, v40  }
0x13d: {  	v13 =	vadd.s32 v32, v41;
	v11 =	vld [tilespmem:s1+$0xFFFFFFF0]  }
0x13e: {  	v6 =	vld [tilespmem:s1+$0x70];
	v9 =	vadd.s32 v9, v45  }
0x13f: {  	v12 =	vld [tilespmem:s1+$0xFFFFFFB0];
	v8 =	vadd.f32 v8, v33;
	v5 =	vadd.s32 v5, v43  }
0x140: {  	[tilespmem:v38+s22+$0x0] =	vst.idx.msk $0xffff, v4;
	v4 =	vld [tilespmem:s1+$0xFFFFFF30];
	v2 =	vadd.f32 v2, v33;
	v0 =	vadd.s32 v0, v42  }
0x141: {  	v3 =	vadd.f32 v3, v33;
	[tilespmem:v10+s22+$0x0] =	vst.idx.msk $0xffff, v8;
	v8 =	vadd.s32 v21, v39  }
0x142: {  	v7 =	vadd.f32 v11, v33;
	[tilespmem:v13+s22+$0x0] =	vst.idx.msk $0xffff, v2;
	v10 =	vadd.s32 v18, v44  }
0x143: {  	[tilespmem:v9+s22+$0x0] =	vst.idx.msk $0xffff, v3;
	v3 =	vadd.f32 v6, v33  }
0x144: {  	s15 =	sshll.u32 s31, $0x13;
	[tilespmem:v5+s22+$0x0] =	vst.idx.msk $0xffff, v7;
	v5 =	vadd.f32 v12, v33  }
0x145: {  	s1 =	sor.u32 s7, s15;
	v2 =	vadd.f32 v4, v33;
	[tilespmem:v0+s22+$0x0] =	vst.idx.msk $0xffff, v3  }
0x146: {  	s1 =	sshrl.u32 s1, $0x3;
	[tilespmem:v8+s22+$0x0] =	vst.idx.msk $0xffff, v5  }
0x147: {  	s6 =	sadd.s32 s2, s1;
	[tilespmem:v10+s22+$0x0] =	vst.idx.msk $0xffff, v2  }
0x148: {  	[hbm4b:s6+s3] =	stream.linear.scatter [tilespmem:s22], [sflag:$0x3], $0x80, $0x38;
	[tilespmem:$0x12680] =	vst v63  }
0x149: {  	s16 =	simm.s32 $0xE308;
	s15 =	sadd.s32 $0x10, s6  }
0x14a: {  	[hbm4b:s15+s3] =	stream.linear.scatter [tilespmem:s16], [sflag:$0x3], $0x80, $0x38;
	[tilespmem:$0x12680] =	vst v63  }
0x14b: {  	s17 =	simm.s32 $0xE390;
	s16 =	sadd.s32 $0x20, s6  }
0x14c: {  	[hbm4b:s16+s3] =	stream.linear.scatter [tilespmem:s17], [sflag:$0x3], $0x80, $0x38;
	[tilespmem:$0x12680] =	vst v63  }
0x14d: {  	s19 =	simm.s32 $0xE418;
	s18 =	sadd.s32 $0x30, s6  }
0x14e: {  	[hbm4b:s18+s3] =	stream.linear.scatter [tilespmem:s19], [sflag:$0x3], $0x80, $0x38;
	[tilespmem:$0x12680] =	vst v63  }
0x14f: {  	s25 =	simm.s32 $0xE4A0;
	s24 =	sadd.s32 $0x40, s6  }
0x150: {  	[hbm4b:s24+s3] =	stream.linear.scatter [tilespmem:s25], [sflag:$0x3], $0x80, $0x38;
	[tilespmem:$0x12680] =	vst v63  }
0x151: {  	s16 =	sadd.s32 $0x50, s6;
	s17 =	simm.s32 $0xE528  }
0x152: {  	[hbm4b:s16+s3] =	stream.linear.scatter [tilespmem:s17], [sflag:$0x3], $0x80, $0x38;
	[tilespmem:$0x12680] =	vst v63  }
0x153: {  	s18 =	sadd.s32 $0x60, s6;
	s19 =	simm.s32 $0xE5B0  }
0x154: {  	[hbm4b:s18+s3] =	stream.linear.scatter [tilespmem:s19], [sflag:$0x3], $0x80, $0x38;
	[tilespmem:$0x12680] =	vst v63  }
0x155: {  	s6 =	sadd.s32 $0x70, s6;
	s24 =	simm.s32 $0xE638  }
0x156: {  	[hbm4b:s6+s3] =	stream.linear.scatter [tilespmem:s24], [sflag:$0x3], $0x80, $0x38;
	[tilespmem:$0x12680] =	vst v63  }
0x157: {  	s25 =	simm.s32 $0xE6C0;
	s6 =	sadd.s32 s1, s8  }
0x158: {  	[hbm4b:s6+s3] =	stream.linear.scatter [tilespmem:s25], [sflag:$0x3], $0x80, $0x38;
	[tilespmem:$0x12680] =	vst v63  }
0x159: {  	s17 =	simm.s32 $0xE748;
	s16 =	sadd.s32 $0x10, s6  }
0x15a: {  	[hbm4b:s16+s3] =	stream.linear.scatter [tilespmem:s17], [sflag:$0x3], $0x80, $0x38;
	[tilespmem:$0x12680] =	vst v63  }
0x15b: {  	s19 =	simm.s32 $0xE7D0;
	s18 =	sadd.s32 $0x20, s6  }
0x15c: {  	[hbm4b:s18+s3] =	stream.linear.scatter [tilespmem:s19], [sflag:$0x3], $0x80, $0x38;
	[tilespmem:$0x12680] =	vst v63  }
0x15d: {  	s24 =	sadd.s32 $0x30, s6;
	s25 =	simm.s32 $0xE858  }
0x15e: {  	[hbm4b:s24+s3] =	stream.linear.scatter [tilespmem:s25], [sflag:$0x3], $0x80, $0x38;
	[tilespmem:$0x12680] =	vst v63  }
0x15f: {  	s16 =	sadd.s32 $0x40, s6;
	s17 =	simm.s32 $0xE8E0  }
0x160: {  	[hbm4b:s16+s3] =	stream.linear.scatter [tilespmem:s17], [sflag:$0x3], $0x80, $0x38;
	[tilespmem:$0x12680] =	vst v63  }
0x161: {  	s18 =	sadd.s32 $0x50, s6;
	s19 =	simm.s32 $0xE968  }
0x162: {  	[hbm4b:s18+s3] =	stream.linear.scatter [tilespmem:s19], [sflag:$0x3], $0x80, $0x38;
	[tilespmem:$0x12680] =	vst v63  }
0x163: {  	s24 =	sadd.s32 $0x60, s6;
	s25 =	simm.s32 $0xE9F0  }
0x164: {  	[hbm4b:s24+s3] =	stream.linear.scatter [tilespmem:s25], [sflag:$0x3], $0x80, $0x38;
	[tilespmem:$0x12680] =	vst v63  }
0x165: {  	s6 =	sadd.s32 $0x70, s6;
	s16 =	simm.s32 $0xEA78  }
0x166: {  	[hbm4b:s6+s3] =	stream.linear.scatter [tilespmem:s16], [sflag:$0x3], $0x80, $0x38;
	[tilespmem:$0x12680] =	vst v63  }
0x167: {  	s17 =	simm.s32 $0xEB00;
	s6 =	sadd.s32 s1, s9  }
0x168: {  	[hbm4b:s6+s3] =	stream.linear.scatter [tilespmem:s17], [sflag:$0x3], $0x80, $0x38;
	[tilespmem:$0x12680] =	vst v63  }
0x169: {  	s19 =	simm.s32 $0xEB88;
	s18 =	sadd.s32 $0x10, s6  }
0x16a: {  	[hbm4b:s18+s3] =	stream.linear.scatter [tilespmem:s19], [sflag:$0x3], $0x80, $0x38;
	[tilespmem:$0x12680] =	vst v63  }
0x16b: {  	s25 =	simm.s32 $0xEC10;
	s24 =	sadd.s32 $0x20, s6  }
0x16c: {  	[hbm4b:s24+s3] =	stream.linear.scatter [tilespmem:s25], [sflag:$0x3], $0x80, $0x38;
	[tilespmem:$0x12680] =	vst v63  }
0x16d: {  	s16 =	sadd.s32 $0x30, s6;
	s17 =	simm.s32 $0xEC98  }
0x16e: {  	[hbm4b:s16+s3] =	stream.linear.scatter [tilespmem:s17], [sflag:$0x3], $0x80, $0x38;
	[tilespmem:$0x12680] =	vst v63  }
0x16f: {  	s18 =	sadd.s32 $0x40, s6;
	s19 =	simm.s32 $0xED20  }
0x170: {  	[hbm4b:s18+s3] =	stream.linear.scatter [tilespmem:s19], [sflag:$0x3], $0x80, $0x38;
	[tilespmem:$0x12680] =	vst v63  }
0x171: {  	s24 =	sadd.s32 $0x50, s6;
	s25 =	simm.s32 $0xEDA8  }
0x172: {  	[hbm4b:s24+s3] =	stream.linear.scatter [tilespmem:s25], [sflag:$0x3], $0x80, $0x38;
	[tilespmem:$0x12680] =	vst v63  }
0x173: {  	s16 =	sadd.s32 $0x60, s6;
	s17 =	simm.s32 $0xEE30  }
0x174: {  	[hbm4b:s16+s3] =	stream.linear.scatter [tilespmem:s17], [sflag:$0x3], $0x80, $0x38;
	[tilespmem:$0x12680] =	vst v63  }
0x175: {  	s6 =	sadd.s32 $0x70, s6;
	s18 =	simm.s32 $0xEEB8  }
0x176: {  	[hbm4b:s6+s3] =	stream.linear.scatter [tilespmem:s18], [sflag:$0x3], $0x80, $0x38;
	[tilespmem:$0x12680] =	vst v63  }
0x177: {  	s19 =	simm.s32 $0xEF40;
	s6 =	sadd.s32 s1, s10  }
0x178: {  	[hbm4b:s6+s3] =	stream.linear.scatter [tilespmem:s19], [sflag:$0x3], $0x80, $0x38;
	[tilespmem:$0x12680] =	vst v63  }
0x179: {  	s25 =	simm.s32 $0xEFC8;
	s24 =	sadd.s32 $0x10, s6  }
0x17a: {  	[hbm4b:s24+s3] =	stream.linear.scatter [tilespmem:s25], [sflag:$0x3], $0x80, $0x38;
	[tilespmem:$0x12680] =	vst v63  }
0x17b: {  	s17 =	simm.s32 $0xF050;
	s16 =	sadd.s32 $0x20, s6  }
0x17c: {  	[hbm4b:s16+s3] =	stream.linear.scatter [tilespmem:s17], [sflag:$0x3], $0x80, $0x38;
	[tilespmem:$0x12680] =	vst v63  }
0x17d: {  	s18 =	sadd.s32 $0x30, s6;
	s19 =	simm.s32 $0xF0D8  }
0x17e: {  	[hbm4b:s18+s3] =	stream.linear.scatter [tilespmem:s19], [sflag:$0x3], $0x80, $0x38;
	[tilespmem:$0x12680] =	vst v63  }
0x17f: {  	s24 =	sadd.s32 $0x40, s6;
	s25 =	simm.s32 $0xF160  }
0x180: {  	[hbm4b:s24+s3] =	stream.linear.scatter [tilespmem:s25], [sflag:$0x3], $0x80, $0x38;
	[tilespmem:$0x12680] =	vst v63  }
0x181: {  	s16 =	sadd.s32 $0x50, s6;
	s17 =	simm.s32 $0xF1E8  }
0x182: {  	[hbm4b:s16+s3] =	stream.linear.scatter [tilespmem:s17], [sflag:$0x3], $0x80, $0x38;
	[tilespmem:$0x12680] =	vst v63  }
0x183: {  	s18 =	sadd.s32 $0x60, s6;
	s19 =	simm.s32 $0xF270  }
0x184: {  	[hbm4b:s18+s3] =	stream.linear.scatter [tilespmem:s19], [sflag:$0x3], $0x80, $0x38;
	[tilespmem:$0x12680] =	vst v63  }
0x185: {  	s6 =	sadd.s32 $0x70, s6;
	s24 =	simm.s32 $0xF2F8  }
0x186: {  	[hbm4b:s6+s3] =	stream.linear.scatter [tilespmem:s24], [sflag:$0x3], $0x80, $0x38;
	[tilespmem:$0x12680] =	vst v63  }
0x187: {  	s25 =	simm.s32 $0xF380;
	s6 =	sadd.s32 s1, s11  }
0x188: {  	[hbm4b:s6+s3] =	stream.linear.scatter [tilespmem:s25], [sflag:$0x3], $0x80, $0x38;
	[tilespmem:$0x12680] =	vst v63  }
0x189: {  	s17 =	simm.s32 $0xF408;
	s16 =	sadd.s32 $0x10, s6  }
0x18a: {  	[hbm4b:s16+s3] =	stream.linear.scatter [tilespmem:s17], [sflag:$0x3], $0x80, $0x38;
	[tilespmem:$0x12680] =	vst v63  }
0x18b: {  	s19 =	simm.s32 $0xF490;
	s18 =	sadd.s32 $0x20, s6  }
0x18c: {  	[hbm4b:s18+s3] =	stream.linear.scatter [tilespmem:s19], [sflag:$0x3], $0x80, $0x38;
	[tilespmem:$0x12680] =	vst v63  }
0x18d: {  	s24 =	sadd.s32 $0x30, s6;
	s25 =	simm.s32 $0xF518  }
0x18e: {  	[hbm4b:s24+s3] =	stream.linear.scatter [tilespmem:s25], [sflag:$0x3], $0x80, $0x38;
	[tilespmem:$0x12680] =	vst v63  }
0x18f: {  	s16 =	sadd.s32 $0x40, s6;
	s17 =	simm.s32 $0xF5A0  }
0x190: {  	[hbm4b:s16+s3] =	stream.linear.scatter [tilespmem:s17], [sflag:$0x3], $0x80, $0x38;
	[tilespmem:$0x12680] =	vst v63  }
0x191: {  	s18 =	sadd.s32 $0x50, s6;
	s19 =	simm.s32 $0xF628  }
0x192: {  	[hbm4b:s18+s3] =	stream.linear.scatter [tilespmem:s19], [sflag:$0x3], $0x80, $0x38;
	[tilespmem:$0x12680] =	vst v63  }
0x193: {  	s24 =	sadd.s32 $0x60, s6;
	s25 =	simm.s32 $0xF6B0  }
0x194: {  	[hbm4b:s24+s3] =	stream.linear.scatter [tilespmem:s25], [sflag:$0x3], $0x80, $0x38;
	[tilespmem:$0x12680] =	vst v63  }
0x195: {  	s6 =	sadd.s32 $0x70, s6;
	s16 =	simm.s32 $0xF738  }
0x196: {  	[hbm4b:s6+s3] =	stream.linear.scatter [tilespmem:s16], [sflag:$0x3], $0x80, $0x38;
	[tilespmem:$0x12680] =	vst v63  }
0x197: {  	s17 =	simm.s32 $0xF7C0;
	s6 =	sadd.s32 s1, s12  }
0x198: {  	[hbm4b:s6+s3] =	stream.linear.scatter [tilespmem:s17], [sflag:$0x3], $0x80, $0x38;
	[tilespmem:$0x12680] =	vst v63  }
0x199: {  	s19 =	simm.s32 $0xF848;
	s18 =	sadd.s32 $0x10, s6  }
0x19a: {  	[hbm4b:s18+s3] =	stream.linear.scatter [tilespmem:s19], [sflag:$0x3], $0x80, $0x38;
	[tilespmem:$0x12680] =	vst v63  }
0x19b: {  	s25 =	simm.s32 $0xF8D0;
	s24 =	sadd.s32 $0x20, s6  }
0x19c: {  	[hbm4b:s24+s3] =	stream.linear.scatter [tilespmem:s25], [sflag:$0x3], $0x80, $0x38;
	[tilespmem:$0x12680] =	vst v63  }
0x19d: {  	s16 =	sadd.s32 $0x30, s6;
	s17 =	simm.s32 $0xF958  }
0x19e: {  	[hbm4b:s16+s3] =	stream.linear.scatter [tilespmem:s17], [sflag:$0x3], $0x80, $0x38;
	[tilespmem:$0x12680] =	vst v63  }
0x19f: {  	s18 =	sadd.s32 $0x40, s6;
	s19 =	simm.s32 $0xF9E0  }
0x1a0: {  	[hbm4b:s18+s3] =	stream.linear.scatter [tilespmem:s19], [sflag:$0x3], $0x80, $0x38;
	[tilespmem:$0x12680] =	vst v63  }
0x1a1: {  	s24 =	sadd.s32 $0x50, s6;
	s25 =	simm.s32 $0xFA68  }
0x1a2: {  	[hbm4b:s24+s3] =	stream.linear.scatter [tilespmem:s25], [sflag:$0x3], $0x80, $0x38;
	[tilespmem:$0x12680] =	vst v63  }
0x1a3: {  	s16 =	sadd.s32 $0x60, s6;
	s17 =	simm.s32 $0xFAF0  }
0x1a4: {  	[hbm4b:s16+s3] =	stream.linear.scatter [tilespmem:s17], [sflag:$0x3], $0x80, $0x38;
	[tilespmem:$0x12680] =	vst v63  }
0x1a5: {  	s6 =	sadd.s32 $0x70, s6;
	s18 =	simm.s32 $0xFB78  }
0x1a6: {  	[hbm4b:s6+s3] =	stream.linear.scatter [tilespmem:s18], [sflag:$0x3], $0x80, $0x38;
	[tilespmem:$0x12680] =	vst v63  }
0x1a7: {  	s19 =	simm.s32 $0xFC00;
	s6 =	sadd.s32 s1, s13  }
0x1a8: {  	[hbm4b:s6+s3] =	stream.linear.scatter [tilespmem:s19], [sflag:$0x3], $0x80, $0x38;
	[tilespmem:$0x12680] =	vst v63  }
0x1a9: {  	s25 =	simm.s32 $0xFC88;
	s24 =	sadd.s32 $0x10, s6  }
0x1aa: {  	[hbm4b:s24+s3] =	stream.linear.scatter [tilespmem:s25], [sflag:$0x3], $0x80, $0x38;
	[tilespmem:$0x12680] =	vst v63  }
0x1ab: {  	s17 =	simm.s32 $0xFD10;
	s16 =	sadd.s32 $0x20, s6  }
0x1ac: {  	[hbm4b:s16+s3] =	stream.linear.scatter [tilespmem:s17], [sflag:$0x3], $0x80, $0x38;
	[tilespmem:$0x12680] =	vst v63  }
0x1ad: {  	s18 =	sadd.s32 $0x30, s6;
	s19 =	simm.s32 $0xFD98  }
0x1ae: {  	[hbm4b:s18+s3] =	stream.linear.scatter [tilespmem:s19], [sflag:$0x3], $0x80, $0x38;
	[tilespmem:$0x12680] =	vst v63  }
0x1af: {  	s24 =	sadd.s32 $0x40, s6;
	s25 =	simm.s32 $0xFE20  }
0x1b0: {  	[hbm4b:s24+s3] =	stream.linear.scatter [tilespmem:s25], [sflag:$0x3], $0x80, $0x38;
	[tilespmem:$0x12680] =	vst v63  }
0x1b1: {  	s17 =	sadd.s32 $0x50, s6;
	s18 =	simm.s32 $0xFEA8  }
0x1b2: {  	[hbm4b:s17+s3] =	stream.linear.scatter [tilespmem:s18], [sflag:$0x3], $0x80, $0x38;
	[tilespmem:$0x12680] =	vst v63  }
0x1b3: {  	s19 =	sadd.s32 $0x60, s6;
	s24 =	simm.s32 $0xFF30  }
0x1b4: {  	[hbm4b:s19+s3] =	stream.linear.scatter [tilespmem:s24], [sflag:$0x3], $0x80, $0x38;
	[tilespmem:$0x12680] =	vst v63  }
0x1b5: {  	s6 =	sadd.s32 $0x70, s6;
	s25 =	simm.s32 $0xFFB8  }
0x1b6: {  	[hbm4b:s6+s3] =	stream.linear.scatter [tilespmem:s25], [sflag:$0x3], $0x80, $0x38;
	[tilespmem:$0x12680] =	vst v63  }
0x1b7: {  	s15 =	simm.s32 $0x10040;
	s1 =	sadd.s32 s1, s14  }
0x1b8: {  	[hbm4b:s1+s3] =	stream.linear.scatter [tilespmem:s15], [sflag:$0x3], $0x80, $0x38;
	[tilespmem:$0x12680] =	vst v63  }
0x1b9: {  	s16 =	sadd.s32 $0x10, s1;
	s17 =	simm.s32 $0x100C8  }
0x1ba: {  	[hbm4b:s16+s3] =	stream.linear.scatter [tilespmem:s17], [sflag:$0x3], $0x80, $0x38;
	[tilespmem:$0x12680] =	vst v63  }
0x1bb: {  	s18 =	sadd.s32 $0x20, s1;
	s19 =	simm.s32 $0x10150  }
0x1bc: {  	[hbm4b:s18+s3] =	stream.linear.scatter [tilespmem:s19], [sflag:$0x3], $0x80, $0x38;
	[tilespmem:$0x12680] =	vst v63  }
0x1bd: {  	s24 =	sadd.s32 $0x30, s1;
	s25 =	simm.s32 $0x101D8  }
0x1be: {  	[hbm4b:s24+s3] =	stream.linear.scatter [tilespmem:s25], [sflag:$0x3], $0x80, $0x38;
	[tilespmem:$0x12680] =	vst v63  }
0x1bf: {  	s16 =	sadd.s32 $0x40, s1;
	s17 =	simm.s32 $0x10260  }
0x1c0: {  	[hbm4b:s16+s3] =	stream.linear.scatter [tilespmem:s17], [sflag:$0x3], $0x80, $0x38;
	[tilespmem:$0x12680] =	vst v63  }
0x1c1: {  	s18 =	sadd.s32 $0x50, s1;
	s19 =	simm.s32 $0x102E8  }
0x1c2: {  	[hbm4b:s18+s3] =	stream.linear.scatter [tilespmem:s19], [sflag:$0x3], $0x80, $0x38;
	[tilespmem:$0x12680] =	vst v63  }
0x1c3: {  	s24 =	sadd.s32 $0x60, s1;
	s25 =	simm.s32 $0x10370  }
0x1c4: {  	[hbm4b:s24+s3] =	stream.linear.scatter [tilespmem:s25], [sflag:$0x3], $0x80, $0x38;
	[tilespmem:$0x12680] =	vst v63  }
0x1c5: {  	p1 =	seq.s32 s31, $0x63;
	s15 =	simm.s32 $0x103F8;
	s1 =	sadd.s32 $0x70, s1  }
0x1c6: {  	[hbm4b:s1+s3] =	stream.linear.scatter [tilespmem:s15], [sflag:$0x3], $0x80, $0x38;
	[tilespmem:$0x12680] =	vst v63  }
0x1c7: {  	s1 =	sshll.u32 @!p1 s31, $0x8  }
0x1c8: {  	s1 =	sand.u32 @!p1 $0x3FFFFF00, s1  }
0x1c9: {  	s6 =	simm.s32 @!p1 $0x80;
	s15 =	simm.s32 @!p1 $0xA280;
	s1 =	sadd.s32 @!p1 $0x100, s1  }
0x1ca: {  	[tilespmem:s15], [sflag:$0x1] =	stream.indirect.gather @!p1 [hbm4b:s5+s6], $0x40, s1, s6, $0xb8;
	[tilespmem:$0x12680] =	vst v63  }
0x1cb: {  	_ =	swait.ge [sflag:s20], $0x2000  }
0x1cc: {  	[sflag:s20] =	ssyncset.done $0x0  }
0x1cd: {  	s1 =	simm.s32 @!p0 $0x4;
	[sflag:s20] =	ssyncadd.s32 $0xFFFFE000  }
0x1ce: {  	_ =	swait.ge @!p0 [sflag:s1], $0x400  }
0x1cf: {  	[sflag:s1] =	ssyncset.done @!p0 $0x0  }
0x1d0: {  	[sflag:s1] =	ssyncadd.s32 @!p0 $0xFFFFFC00  }
0x1d1: {  	_ =	swait.ge @!p0 [sflag:s1], $0x400  }
0x1d2: {  	[sflag:s1] =	ssyncset.done @!p0 $0x0  }
0x1d3: {  	[sflag:s1] =	ssyncadd.s32 @!p0 $0xFFFFFC00  }
0x1d4: {  	_ =	swait.ge @!p0 [sflag:s1], $0x400  }
0x1d5: {  	[sflag:s1] =	ssyncset.done @!p0 $0x0  }
0x1d6: {  	[sflag:s1] =	ssyncadd.s32 @!p0 $0xFFFFFC00  }
0x1d7: {  	_ =	swait.ge @!p0 [sflag:s1], $0x400  }
0x1d8: {  	[sflag:s1] =	ssyncset.done @!p0 $0x0  }
0x1d9: {  	[sflag:s1] =	ssyncadd.s32 @!p0 $0xFFFFFC00  }
0x1da: {  	_ =	swait.ge @!p0 [sflag:s1], $0x400  }
0x1db: {  	[sflag:s1] =	ssyncset.done @!p0 $0x0  }
0x1dc: {  	[sflag:s1] =	ssyncadd.s32 @!p0 $0xFFFFFC00  }
0x1dd: {  	_ =	swait.ge @!p0 [sflag:s1], $0x400  }
0x1de: {  	[sflag:s1] =	ssyncset.done @!p0 $0x0  }
0x1df: {  	[sflag:s1] =	ssyncadd.s32 @!p0 $0xFFFFFC00  }
0x1e0: {  	_ =	swait.ge @!p0 [sflag:s1], $0x400  }
0x1e1: {  	[sflag:s1] =	ssyncset.done @!p0 $0x0  }
0x1e2: {  	[sflag:s1] =	ssyncadd.s32 @!p0 $0xFFFFFC00  }
0x1e3: {  	s0 =	sor.u32 $0x1, s0;
	_ =	swait.ge @!p0 [sflag:s1], $0x400  }
0x1e4: {  	s16 =	smul.u32 $0x140, s0;
	v49 =	vld [tilespmem:$0x1FF20]  }
0x1e5: {  	s19 =	simm.s32 $0x4;
	[sflag:s1] =	ssyncset.done @!p0 $0x0;
	v43 =	vld [tilespmem:$0x1FFA0]  }
0x1e6: {  	s17 =	simm.s32 $0x0;
	v3 =	vmov s19;
	v22 =	vld [tilespmem:$0x1FF40];
	[sflag:s1] =	ssyncadd.s32 @!p0 $0xFFFFFC00;
	s1 =	sshra.s32 s16, $0x2  }
0x1e7: {  	v0 =	vmov s17;
	s24 =	simm.s32 $0x1;
	s25 =	simm.s32 $0x2;
	v3 =	vshrl.u32 v3, $0x3;
	v36 =	vld [tilespmem:s1+$0x6400]  }
0x1e8: {  	v4 =	vmov s24;
	v5 =	vmov s25;
	v3 =	vshll.u32 v3, v1;
	v35 =	vld [tilespmem:s1+$0x6410]  }
0x1e9: {  	v4 =	vshrl.u32 v4, $0x3;
	v5 =	vshrl.u32 v5, $0x3;
	v44 =	vbroadcast v3, $0x0;
	s16 =	simm.s32 $0x3;
	v34 =	vld [tilespmem:s1+$0x6420]  }
0x1ea: {  	s17 =	simm.s32 $0xC380;
	v4 =	vshll.u32 v4, v1;
	v5 =	vshll.u32 v5, v1;
	v33 =	vld [tilespmem:s1+$0x6430];
	v3 =	vmov s16  }
0x1eb: {  	v4 =	vbroadcast v4, $0x0;
	v37 =	vbroadcast v5, $0x0;
	v8 =	vld [tilespmem:s17+$0xFFFFFF80];
	v3 =	vshrl.u32 v3, $0x3  }
0x1ec: {  	v6 =	vld [tilespmem:s17+$0x0];
	v3 =	vshll.u32 v3, v1  }
0x1ed: {  	v12 =	vadd.s32 v24, v37;
	v7 =	vld [tilespmem:s17+$0xFFFFFF40];
	v50 =	vbroadcast v3, $0x0;
	v3 =	vadd.s32 v23, v4  }
0x1ee: {  	v11 =	vld [tilespmem:s17+$0xFFFFFFC0];
	v5 =	vadd.s32 v49, v44;
	[tilespmem:$0x1FD40] =	vst v3  }
0x1ef: {  	s18 =	simm.s32 $0x7;
	v10 =	vadd.s32 v43, v4;
	v3 =	vld [tilespmem:s17+$0xFFFFFF00]  }
0x1f0: {  	v2 =	vmov s18;
	s18 =	simm.s32 $0x5;
	v13 =	vld [tilespmem:s17+$0xC0];
	v14 =	vadd.s32 v22, v50;
	v8 =	vadd.f32 v8, v36  }
0x1f1: {  	s19 =	simm.s32 $0x6;
	v9 =	vmov s18;
	v2 =	vshrl.u32 v2, $0x3;
	v6 =	vadd.f32 v6, v36;
	v15 =	vld [tilespmem:s17+$0x80]  }
0x1f2: {  	v16 =	vshll.u32 v2, v1;
	v2 =	vadd.f32 v7, v36;
	v7 =	vmov s19;
	v17 =	vld [tilespmem:s17+$0x40];
	[tilespmem:v12+s23+$0x0] =	vst.idx.msk $0xffff, v8  }
0x1f3: {  	v7 =	vshrl.u32 v7, $0x3;
	[tilespmem:v5+s23+$0x0] =	vst.idx.msk $0xffff, v6;
	v5 =	vshrl.u32 v9, $0x3;
	v9 =	vadd.f32 v11, v36;
	v8 =	vld [tilespmem:s17+$0xFFFFFF90]  }
0x1f4: {  	v6 =	vshll.u32 v7, v1;
	[tilespmem:v10+s23+$0x0] =	vst.idx.msk $0xffff, v2;
	v7 =	vld [tilespmem:s17+$0x10]  }
0x1f5: {  	v2 =	vshll.u32 v5, v1;
	v5 =	vld [tilespmem:s17+$0xFFFFFF50];
	[tilespmem:v14+s23+$0x0] =	vst.idx.msk $0xffff, v9  }
0x1f6: {  	v46 =	vld [tilespmem:$0x1FF90]  }
0x1f7: {  	v53 =	vmov v23;
	v23 =	vld [tilespmem:$0x1FF80]  }
0x1f8: {  	v59 =	vld [tilespmem:$0x1FEA0]  }
0x1f9: {  	v0 =	vshrl.u32 v0, $0x3;
	v51 =	vld [tilespmem:$0x1FF30]  }
0x1fa: {  	v0 =	vshll.u32 v0, v1;
	v28 =	vld [tilespmem:$0x1FE70]  }
0x1fb: {  	v57 =	vbroadcast v0, $0x0;
	v0 =	vld [tilespmem:$0x1FF60]  }
0x1fc: {  	v9 =	vadd.s32 v46, v4;
	v41 =	vadd.s32 v23, v4;
	v4 =	vld [tilespmem:$0x1FE80]  }
0x1fd: {  	v52 =	vbroadcast v6, $0x0;
	v2 =	vbroadcast v2, $0x0;
	v6 =	vadd.f32 v13, v36;
	v13 =	vld [tilespmem:$0x1FE40]  }
0x1fe: {  	v54 =	vbroadcast v16, $0x0;
	v19 =	vadd.f32 v5, v35;
	v5 =	vld [tilespmem:$0x1FEE0];
	v16 =	vadd.s32 v51, v37  }
0x1ff: {  	v60 =	vadd.f32 v3, v36;
	v12 =	vld [tilespmem:s17+$0xFFFFFFD0];
	v3 =	vadd.s32 v28, v2  }
0x200: {  	v62 =	vld [tilespmem:$0x1FED0];
	[tilespmem:$0x1FD30] =	vst v3;
	v3 =	vadd.s32 v0, v50  }
0x201: {  	v56 =	vld [tilespmem:$0x1FEB0];
	v8 =	vadd.f32 v8, v35;
	[tilespmem:$0x1FD60] =	vst v3;
	v4 =	vadd.s32 v4, v2  }
0x202: {  	v63 =	vld [tilespmem:$0x1FF50];
	[tilespmem:$0x1FD80] =	vst v4  }
0x203: {  	v55 =	vadd.s32 v5, v54;
	v5 =	vld [tilespmem:$0x1FE60];
	[tilespmem:v16+s23+$0x0] =	vst.idx.msk $0xffff, v8  }
0x204: {  	v4 =	vld [tilespmem:$0x1FEF0]  }
0x205: {  	v16 =	vld [tilespmem:$0x1FEC0];
	_ =	sdelay $0x2  }
0x206: {  	v10 =	vadd.s32 v59, v52  }
0x207: {  	s1 =	simm.s32 $0xC580;
	v8 =	vadd.s32 v4, v54  }
0x208: {  	v42 =	vld [tilespmem:s1+$0xFFFFFF40];
	v16 =	vadd.s32 v16, v52;
	[tilespmem:$0x1FD50] =	vst v8  }
0x209: {  	v32 =	vmov v18;
	s16 =	simm.s32 $0x9;
	v15 =	vadd.f32 v15, v36;
	v45 =	vld [tilespmem:s17+$0xFFFFFFA0];
	[tilespmem:$0x1FD70] =	vst v16;
	v16 =	vadd.s32 v30, v57  }
0x20a: {  	v58 =	vmovc v24;
	v61 =	vadd.s32 v31, v57;
	v47 =	vmov s16;
	v31 =	vmovc v43;
	v24 =	vadd.s32 v5, v2;
	v18 =	vld [tilespmem:$0x1FF70];
	[tilespmem:$0x1FD90] =	vst v16  }
0x20b: {  	s15 =	simm.s32 $0xC;
	v43 =	vshrl.u32 v47, $0x3;
	v17 =	vadd.f32 v17, v36;
	v11 =	vadd.s32 v13, v44;
	[tilespmem:v10+s23+$0x0] =	vst.idx.msk $0xffff, v15  }
0x20c: {  	v39 =	vmov s15;
	v14 =	vadd.s32 v62, v54;
	[tilespmem:v9+s23+$0x0] =	vst.idx.msk $0xffff, v19;
	v19 =	vshll.u32 v43, v1;
	v43 =	vld [tilespmem:s17+$0x90]  }
0x20d: {  	s18 =	simm.s32 $0xA;
	v7 =	vadd.f32 v7, v35;
	v20 =	vadd.s32 v56, v52;
	v21 =	vadd.s32 v63, v50  }
0x20e: {  	v12 =	vadd.f32 v12, v35;
	v3 =	vadd.s32 v25, v57;
	v10 =	vmov s18  }
0x20f: {  	v8 =	vadd.s32 v18, v37;
	v30 =	vadd.s32 v48, v44;
	[tilespmem:v24+s23+$0x0] =	vst.idx.msk $0xffff, v17;
	v10 =	vshrl.u32 v10, $0x3;
	v24 =	vld [tilespmem:s17+$0xFFFFFF60]  }
0x210: {  	[tilespmem:v11+s23+$0x0] =	vst.idx.msk $0xffff, v7;
	v17 =	vbroadcast v19, $0x0;
	v19 =	vshrl.u32 v39, $0x3;
	v10 =	vshll.u32 v10, v1  }
0x211: {  	v15 =	vld [tilespmem:s1+$0xFFFFFF80];
	[tilespmem:v14+s23+$0x0] =	vst.idx.msk $0xffff, v6;
	v39 =	vbroadcast v10, $0x0;
	v10 =	vshll.u32 v19, v1;
	v14 =	vadd.f32 v43, v35  }
0x212: {  	v48 =	vld [tilespmem:s1+$0x0];
	[tilespmem:v21+s23+$0x0] =	vst.idx.msk $0xffff, v12;
	v11 =	vadd.f32 v45, v34;
	v45 =	vadd.s32 v31, v17;
	v40 =	vbroadcast v10, $0x0  }
0x213: {  	s25 =	simm.s32 $0xF;
	v21 =	vadd.s32 v58, v39;
	[tilespmem:v20+s23+$0x0] =	vst.idx.msk $0xffff, v14;
	v20 =	vld [tilespmem:s17+$0xD0]  }
0x214: {  	v38 =	vmov s25;
	[tilespmem:v3+s23+$0x0] =	vst.idx.msk $0xffff, v60;
	v6 =	vadd.s32 v49, v40;
	v24 =	vadd.f32 v24, v34  }
0x215: {  	v19 =	vshrl.u32 v38, $0x3;
	v38 =	vadd.s32 v53, v17;
	v53 =	vadd.f32 v42, v36;
	[tilespmem:v8+s23+$0x0] =	vst.idx.msk $0xffff, v11  }
0x216: {  	v3 =	vadd.f32 v15, v36;
	[tilespmem:v41+s23+$0x0] =	vst.idx.msk $0xffff, v24  }
0x217: {  	v47 =	vadd.f32 v48, v36;
	[tilespmem:v45+s23+$0x0] =	vst.idx.msk $0xffff, v53  }
0x218: {  	[tilespmem:v21+s23+$0x0] =	vst.idx.msk $0xffff, v3;
	v3 =	vadd.f32 v20, v35  }
0x219: {  	v10 =	vld [tilespmem:s1+$0xFFFFFF00];
	[tilespmem:v6+s23+$0x0] =	vst.idx.msk $0xffff, v47  }
0x21a: {  	s24 =	simm.s32 $0x8;
	[tilespmem:v55+s23+$0x0] =	vst.idx.msk $0xffff, v3  }
0x21b: {  	s25 =	simm.s32 $0xE;
	v5 =	vmov v25;
	v25 =	vmov s24;
	s24 =	simm.s32 $0xB;
	v20 =	vadd.s32 v13, v40;
	v13 =	vld [tilespmem:$0x1FD30]  }
0x21c: {  	v7 =	vld [tilespmem:s17+$0x50];
	v11 =	vmov s24;
	v14 =	vmov s25  }
0x21d: {  	v11 =	vshrl.u32 v11, $0x3;
	v24 =	vld [tilespmem:s17+$0x20];
	v14 =	vshrl.u32 v14, $0x3  }
0x21e: {  	v11 =	vshll.u32 v11, v1;
	v48 =	vadd.f32 v10, v36;
	v10 =	vshll.u32 v14, v1;
	v14 =	vld [tilespmem:s17+$0xFFFFFF10]  }
0x21f: {  	v58 =	vld [tilespmem:s1+$0xFFFFFFC0];
	v43 =	vbroadcast v11, $0x0;
	_ =	sdelay $0x1  }
0x220: {  	v7 =	vadd.f32 v7, v35;
	v41 =	vbroadcast v10, $0x0;
	v10 =	vadd.s32 v22, v43  }
0x221: {  	v12 =	vshrl.u32 v25, $0x3;
	v25 =	vld [tilespmem:s1+$0xC0];
	v3 =	vadd.f32 v24, v34  }
0x222: {  	[tilespmem:v13+s23+$0x0] =	vst.idx.msk $0xffff, v7;
	v13 =	vadd.f32 v14, v35  }
0x223: {  	v14 =	vadd.f32 v58, v36;
	v21 =	vld [tilespmem:$0x1FE50];
	[tilespmem:v30+s23+$0x0] =	vst.idx.msk $0xffff, v3  }
0x224: {  	[tilespmem:v61+s23+$0x0] =	vst.idx.msk $0xffff, v13  }
0x225: {  	[tilespmem:v10+s23+$0x0] =	vst.idx.msk $0xffff, v14  }
0x226: {  	v49 =	vadd.f32 v25, v36;
	v25 =	vadd.s32 v46, v17;
	v46 =	vadd.s32 v0, v43;
	v0 =	vld [tilespmem:$0x1FE90];
	_ =	sdelay $0x4  }
0x227: {  	v60 =	vadd.s32 v0, v2;
	v0 =	vld [tilespmem:$0x1FD40]  }
0x228: {  	v6 =	vld [tilespmem:s17+$0xFFFFFF70];
	_ =	sdelay $0x4  }
0x229: {  	v6 =	vadd.f32 v6, v33;
	_ =	sdelay $0x1  }
0x22a: {  	[tilespmem:v0+s23+$0x0] =	vst.idx.msk $0xffff, v6  }
0x22b: {  	v0 =	vld [tilespmem:$0x1FD50]  }
0x22c: {  	v7 =	vld [tilespmem:s17+$0xE0];
	_ =	sdelay $0x4  }
0x22d: {  	v7 =	vadd.f32 v7, v34  }
0x22e: {  	v19 =	vshll.u32 v19, v1  }
0x22f: {  	v45 =	vbroadcast v19, $0x0;
	v19 =	vld [tilespmem:s17+$0xFFFFFFE0];
	[tilespmem:v0+s23+$0x0] =	vst.idx.msk $0xffff, v7  }
0x230: {  	v0 =	vld [tilespmem:$0x1FD60]  }
0x231: {  	v11 =	vld [tilespmem:s1+$0x10];
	_ =	sdelay $0x4  }
0x232: {  	s19 =	simm.s32 $0xD;
	v12 =	vshll.u32 v12, v1;
	v2 =	vadd.f32 v11, v35;
	v11 =	vadd.f32 v19, v34  }
0x233: {  	v9 =	vmov s19;
	v21 =	vadd.s32 v21, v44;
	v44 =	vbroadcast v12, $0x0  }
0x234: {  	v9 =	vshrl.u32 v9, $0x3;
	[tilespmem:v0+s23+$0x0] =	vst.idx.msk $0xffff, v11  }
0x235: {  	v9 =	vshll.u32 v9, v1;
	v31 =	vmov v5;
	v55 =	vadd.s32 v5, v44;
	v5 =	vld [tilespmem:$0x1FD70]  }
0x236: {  	v42 =	vbroadcast v9, $0x0;
	v9 =	vld [tilespmem:s17+$0xA0];
	_ =	sdelay $0x4  }
0x237: {  	v13 =	vadd.f32 v9, v34;
	_ =	sdelay $0x1  }
0x238: {  	v0 =	vld [tilespmem:$0x1FE30];
	[tilespmem:v5+s23+$0x0] =	vst.idx.msk $0xffff, v13  }
0x239: {  	v5 =	vld [tilespmem:$0x1FF00];
	_ =	sdelay $0x3  }
0x23a: {  	v58 =	vld [tilespmem:s1+$0xFFFFFF50]  }
0x23b: {  	v11 =	vadd.s32 v5, v54;
	v5 =	vld [tilespmem:$0x1FEE0];
	_ =	sdelay $0x4  }
0x23c: {  	v19 =	vadd.f32 v58, v35;
	v58 =	vadd.s32 v56, v41;
	v56 =	vadd.s32 v5, v45;
	v5 =	vld [tilespmem:$0x1FD80]  }
0x23d: {  	v10 =	vld [tilespmem:s17+$0x60]  }
0x23e: {  	v12 =	vld [tilespmem:s17+$0x30];
	_ =	sdelay $0x1  }
0x23f: {  	v6 =	vld [tilespmem:s1+$0xFFFFFF90]  }
0x240: {  	v7 =	vld [tilespmem:s1+$0xFFFFFFD0]  }
0x241: {  	v10 =	vadd.f32 v10, v34  }
0x242: {  	v12 =	vadd.f32 v12, v33  }
0x243: {  	[tilespmem:v5+s23+$0x0] =	vst.idx.msk $0xffff, v10  }
0x244: {  	v5 =	vld [tilespmem:$0x1FE20];
	[tilespmem:v21+s23+$0x0] =	vst.idx.msk $0xffff, v12  }
0x245: {  	v14 =	vadd.f32 v6, v35;
	v6 =	vadd.f32 v7, v35;
	v7 =	vld [tilespmem:$0x1FFF0];
	_ =	sdelay $0x4  }
0x246: {  	v30 =	vmov v7;
	v54 =	vadd.s32 v7, v44;
	v7 =	vld [tilespmem:$0x1FE60];
	[tilespmem:v20+s23+$0x0] =	vst.idx.msk $0xffff, v2  }
0x247: {  	v2 =	vld [tilespmem:$0x1FE80];
	_ =	sdelay $0x2  }
0x248: {  	v16 =	vld [tilespmem:s1+$0x80]  }
0x249: {  	v8 =	vld [tilespmem:s1+$0x40]  }
0x24a: {  	v9 =	vadd.s32 v0, v50;
	v50 =	vadd.s32 v2, v42;
	v2 =	vld [tilespmem:$0x1FD90]  }
0x24b: {  	v3 =	vadd.s32 v51, v39;
	v51 =	vld [tilespmem:s17+$0xFFFFFF20];
	_ =	sdelay $0x3  }
0x24c: {  	v53 =	vadd.s32 v62, v45;
	v62 =	vadd.f32 v8, v36  }
0x24d: {  	v15 =	vld [tilespmem:s17+$0xFFFFFFB0];
	v8 =	vadd.f32 v16, v36;
	v16 =	vadd.s32 v7, v42;
	v7 =	vadd.f32 v51, v34  }
0x24e: {  	[tilespmem:v25+s23+$0x0] =	vst.idx.msk $0xffff, v19  }
0x24f: {  	v13 =	vld [tilespmem:s17+$0xF0];
	[tilespmem:v2+s23+$0x0] =	vst.idx.msk $0xffff, v7  }
0x250: {  	v7 =	vld [tilespmem:$0x1FEC0];
	_ =	sdelay $0x1  }
0x251: {  	v47 =	vadd.s32 v28, v42;
	v61 =	vadd.f32 v15, v33;
	v15 =	vld [tilespmem:s17+$0xFFFFFFF0]  }
0x252: {  	v59 =	vadd.s32 v59, v41;
	v0 =	vadd.s32 v63, v43;
	v63 =	vadd.s32 v23, v17;
	v12 =	vld [tilespmem:s17+$0xB0]  }
0x253: {  	v17 =	vadd.f32 v13, v33;
	v10 =	vadd.s32 v5, v52;
	v5 =	vadd.s32 v32, v57;
	v32 =	vmovc v23;
	v2 =	vld [tilespmem:s17+$0x70]  }
0x254: {  	s6 =	simm.s32 $0xC780;
	s19 =	simm.s32 $0x10;
	v52 =	vadd.s32 v4, v45;
	v4 =	vadd.s32 v18, v39;
	v19 =	vmovc v18;
	v13 =	vld [tilespmem:s17+$0xFFFFFF30];
	v51 =	vadd.s32 v7, v41  }
.LBB2_7:
0x255: {  	v18 =	vld [tilespmem:s6+$0xFFFFFF40]  }
0x256: {  	v7 =	vld [tilespmem:$0x1FFC0]  }
0x257: {  	[tilespmem:v3+s23+$0x0] =	vst.idx.msk $0xffff, v14;
	v22 =	vld [tilespmem:$0x1FFB0]  }
0x258: {  	[tilespmem:v16+s23+$0x0] =	vst.idx.msk $0xffff, v62;
	v62 =	vld [tilespmem:s6+$0x0]  }
0x259: {  	v21 =	vld [tilespmem:s1+$0xFFFFFFA0]  }
0x25a: {  	s16 =	smov.u32 s19;
	[tilespmem:v59+s23+$0x0] =	vst.idx.msk $0xffff, v8;
	v23 =	vld [tilespmem:s6+$0xFFFFFF80]  }
0x25b: {  	s25 =	sadd.s32 $0x2, s16;
	[tilespmem:v11+s23+$0x0] =	vst.idx.msk $0xffff, v17;
	v8 =	vld [tilespmem:s6+$0x80]  }
0x25c: {  	v17 =	vmov s25;
	v24 =	vld [tilespmem:s6+$0xC0]  }
0x25d: {  	v16 =	vshrl.u32 v17, $0x3;
	v17 =	vld [tilespmem:s1+$0x50];
	v3 =	vadd.f32 v15, v33  }
0x25e: {  	s15 =	sadd.s32 $0x7, s19;
	v12 =	vadd.f32 v12, v33;
	v57 =	vadd.s32 v7, v44;
	v7 =	vld [tilespmem:$0x1FF10]  }
0x25f: {  	s18 =	sadd.s32 $0x4, s16;
	v20 =	vmov s15;
	s15 =	sadd.s32 $0x1, s16;
	[tilespmem:v9+s23+$0x0] =	vst.idx.msk $0xffff, v3;
	v9 =	vshll.u32 v16, v1;
	v16 =	vld [tilespmem:s1+$0x90]  }
0x260: {  	v14 =	vmov s18;
	v11 =	vmov s15;
	[tilespmem:v10+s23+$0x0] =	vst.idx.msk $0xffff, v12;
	v12 =	vld [tilespmem:s1+$0xFFFFFF60]  }
0x261: {  	v11 =	vshrl.u32 v11, $0x3;
	v13 =	vadd.f32 v13, v33;
	v10 =	vshrl.u32 v14, $0x3;
	v14 =	vld [tilespmem:$0x1FFA0]  }
0x262: {  	v3 =	vadd.f32 v2, v33;
	v2 =	vshll.u32 v11, v1;
	v11 =	vshrl.u32 v20, $0x3;
	v20 =	vld [tilespmem:$0x1FFD0]  }
0x263: {  	v28 =	vmov v19;
	v19 =	vmov s16;
	[tilespmem:v0+s23+$0x0] =	vst.idx.msk $0xffff, v6;
	v0 =	vld [tilespmem:$0x1FF20]  }
0x264: {  	[tilespmem:v5+s23+$0x0] =	vst.idx.msk $0xffff, v13;
	v13 =	vshrl.u32 v19, $0x3;
	v19 =	vld [tilespmem:$0x1FFE0]  }
0x265: {  	v22 =	vadd.s32 v22, v37;
	v5 =	vld [tilespmem:s6+$0xFFFFFF00];
	[tilespmem:v60+s23+$0x0] =	vst.idx.msk $0xffff, v3;
	v3 =	vshll.u32 v10, v1  }
0x266: {  	v6 =	vshll.u32 v11, v1;
	v11 =	vld [tilespmem:s1+$0x20];
	v3 =	vbroadcast v3, $0x0  }
0x267: {  	[tilespmem:v53+s23+$0x0] =	vst.idx.msk $0xffff, v49;
	v49 =	vadd.f32 v24, v36;
	v24 =	vld [tilespmem:$0x1FE70]  }
0x268: {  	v2 =	vbroadcast v2, $0x0;
	v60 =	vld [tilespmem:$0x1FF90];
	v0 =	vadd.s32 v0, v3  }
0x269: {  	s24 =	sadd.s32 $0x5, s16;
	[tilespmem:v55+s23+$0x0] =	vst.idx.msk $0xffff, v48;
	v10 =	vadd.f32 v21, v34;
	v21 =	vadd.f32 v62, v36;
	v62 =	vld [tilespmem:$0x1FE40]  }
0x26a: {  	v15 =	vmov s24;
	v55 =	vld [tilespmem:s1+$0xFFFFFF10];
	[tilespmem:v22+s23+$0x0] =	vst.idx.msk $0xffff, v61;
	v14 =	vadd.s32 v14, v2;
	v12 =	vadd.f32 v12, v34  }
0x26b: {  	v37 =	vmov v39;
	v15 =	vshrl.u32 v15, $0x3;
	v39 =	vbroadcast v9, $0x0;
	v9 =	vld [tilespmem:s6+$0x40];
	[tilespmem:v4+s23+$0x0] =	vst.idx.msk $0xffff, v10  }
0x26c: {  	v15 =	vshll.u32 v15, v1;
	v61 =	vld [tilespmem:$0x1FEA0];
	[tilespmem:v63+s23+$0x0] =	vst.idx.msk $0xffff, v12  }
0x26d: {  	v4 =	vadd.f32 v18, v36;
	v10 =	vld [tilespmem:s6+$0xFFFFFFC0];
	[tilespmem:v0+s23+$0x0] =	vst.idx.msk $0xffff, v21;
	v0 =	vbroadcast v15, $0x0  }
0x26e: {  	v17 =	vadd.f32 v17, v35;
	v25 =	vld [tilespmem:s1+$0xFFFFFF70]  }
0x26f: {  	v16 =	vadd.f32 v16, v35;
	[tilespmem:v14+s23+$0x0] =	vst.idx.msk $0xffff, v4;
	v14 =	vld [tilespmem:$0x1FE50];
	v24 =	vadd.s32 v24, v0  }
0x270: {  	s17 =	sadd.s32 $0x6, s16;
	s16 =	sadd.s32 $0x3, s16;
	[tilespmem:v47+s23+$0x0] =	vst.idx.msk $0xffff, v17;
	v47 =	vmov v24;
	v24 =	vld [tilespmem:$0x1FE90]  }
0x271: {  	v59 =	vmov s16;
	v19 =	vadd.s32 v19, v39;
	[tilespmem:v58+s23+$0x0] =	vst.idx.msk $0xffff, v16;
	v16 =	vld [tilespmem:s1+$0xD0]  }
0x272: {  	v22 =	vshrl.u32 v59, $0x3;
	v5 =	vadd.f32 v5, v36;
	v12 =	vld [tilespmem:s1+$0xFFFFFFB0]  }
0x273: {  	v7 =	vadd.s32 v7, v40;
	v22 =	vshll.u32 v22, v1;
	v63 =	vld [tilespmem:$0x1FED0]  }
0x274: {  	v23 =	vadd.f32 v23, v36;
	v48 =	vmovc v5;
	v5 =	vbroadcast v22, $0x0;
	v15 =	vld [tilespmem:s1+$0xA0];
	v21 =	vadd.s32 v60, v2  }
0x275: {  	v22 =	vadd.s32 v14, v40;
	v14 =	vld [tilespmem:s6+$0xFFFFFF50];
	v60 =	vadd.s32 v24, v42;
	v42 =	vmovc v0;
	v0 =	vadd.f32 v25, v33  }
0x276: {  	v11 =	vadd.f32 v11, v34;
	[tilespmem:v19+s23+$0x0] =	vst.idx.msk $0xffff, v23;
	v23 =	vadd.s32 v62, v3;
	v40 =	vmov v3;
	v3 =	vld [tilespmem:$0x1FF40]  }
0x277: {  	v18 =	vmov s17;
	v16 =	vadd.f32 v16, v35;
	[tilespmem:v38+s23+$0x0] =	vst.idx.msk $0xffff, v0;
	v0 =	vld [tilespmem:$0x1FEB0]  }
0x278: {  	v18 =	vshrl.u32 v18, $0x3;
	v19 =	vld [tilespmem:s6+$0x10];
	[tilespmem:v7+s23+$0x0] =	vst.idx.msk $0xffff, v11  }
0x279: {  	v18 =	vshll.u32 v18, v1;
	v7 =	vld [tilespmem:s1+$0x60];
	[tilespmem:v56+s23+$0x0] =	vst.idx.msk $0xffff, v16  }
0x27a: {  	v18 =	vbroadcast v18, $0x0;
	v17 =	vld [tilespmem:s1+$0xE0]  }
0x27b: {  	v16 =	vadd.s32 v3, v5;
	v3 =	vld [tilespmem:$0x1FF60]  }
0x27c: {  	v6 =	vbroadcast v6, $0x0;
	v58 =	vadd.s32 v0, v18;
	v0 =	vld [tilespmem:$0x1FE30]  }
0x27d: {  	v20 =	vadd.s32 v20, v2;
	v4 =	vadd.f32 v10, v36;
	v10 =	vld [tilespmem:s1+$0xFFFFFFE0];
	v62 =	vadd.f32 v9, v36  }
0x27e: {  	v9 =	vadd.f32 v55, v35;
	v53 =	vadd.s32 v63, v6;
	v63 =	vadd.s32 v32, v2;
	v2 =	vld [tilespmem:$0x1FE80]  }
0x27f: {  	v59 =	vadd.s32 v61, v18;
	v61 =	vadd.f32 v12, v33;
	v11 =	vld [tilespmem:s1+$0x30]  }
0x280: {  	[tilespmem:v54+s23+$0x0] =	vst.idx.msk $0xffff, v9;
	v12 =	vadd.f32 v15, v34;
	v7 =	vadd.f32 v7, v34;
	v24 =	vld [tilespmem:s6+$0xFFFFFF90]  }
0x281: {  	v15 =	vadd.f32 v17, v34;
	v56 =	vadd.s32 v3, v5;
	v9 =	vadd.s32 v0, v43;
	v43 =	vmovc v5;
	v5 =	vld [tilespmem:$0x1FF00]  }
0x282: {  	[tilespmem:v50+s23+$0x0] =	vst.idx.msk $0xffff, v7;
	v7 =	vld [tilespmem:$0x1FE60]  }
0x283: {  	v50 =	vadd.s32 v2, v42;
	v2 =	vld [tilespmem:$0x1FEF0];
	[tilespmem:v52+s23+$0x0] =	vst.idx.msk $0xffff, v15  }
0x284: {  	v38 =	vmov v20;
	v20 =	vld [tilespmem:s1+$0xF0]  }
0x285: {  	v25 =	vadd.f32 v14, v35;
	v14 =	vadd.f32 v24, v35;
	v24 =	vld [tilespmem:$0x1FE20]  }
0x286: {  	v17 =	vadd.f32 v11, v33;
	[tilespmem:v16+s23+$0x0] =	vst.idx.msk $0xffff, v4;
	v11 =	vadd.s32 v5, v45;
	v5 =	vld [tilespmem:$0x1FEE0]  }
0x287: {  	v16 =	vld [tilespmem:s6+$0xFFFFFFD0]  }
0x288: {  	v4 =	vld [tilespmem:s1+$0xFFFFFF20]  }
0x289: {  	v10 =	vadd.f32 v10, v34;
	v3 =	vld [tilespmem:$0x1FF30]  }
0x28a: {  	v13 =	vshll.u32 v13, v1;
	[tilespmem:v51+s23+$0x0] =	vst.idx.msk $0xffff, v12;
	v0 =	vld [tilespmem:$0x1FF50];
	v45 =	vmov v6  }
0x28b: {  	v19 =	vadd.f32 v19, v35;
	[tilespmem:v46+s23+$0x0] =	vst.idx.msk $0xffff, v10;
	v46 =	vmov v56;
	v56 =	vadd.s32 v5, v45;
	v5 =	vld [tilespmem:$0x1FE10]  }
0x28c: {  	p0 =	slt.u32 s19, $0x78;
	v13 =	vbroadcast v13, $0x0;
	[tilespmem:v22+s23+$0x0] =	vst.idx.msk $0xffff, v17;
	v6 =	vadd.f32 v16, v35;
	v16 =	vadd.s32 v7, v42;
	v7 =	vld [tilespmem:$0x1FEC0]  }
.Ltmp4:
0x28d: {  	v8 =	vadd.f32 v8, v36;
	[tilespmem:v21+s23+$0x0] =	vst.idx.msk $0xffff, v25;
	v4 =	vadd.f32 v4, v34;
	(pc) =	sbr.rel @p0 .LBB2_7-.Ltmp4, $4  }
0x28e: {  	v55 =	vadd.s32 v31, v13;
	v12 =	vld [tilespmem:s1+$0xB0];
	[tilespmem:v23+s23+$0x0] =	vst.idx.msk $0xffff, v19;
	v17 =	vadd.f32 v20, v33  }
0x28f: {  	v15 =	vld [tilespmem:s1+$0xFFFFFFF0];
	v10 =	vadd.s32 v24, v41;
	v41 =	vmov v18;
	v3 =	vadd.s32 v3, v39;
	[tilespmem:v57+s23+$0x0] =	vst.idx.msk $0xffff, v4  }
0x290: {  	v4 =	vadd.s32 v28, v39;
	v52 =	vadd.s32 v2, v45;
	v2 =	vld [tilespmem:s1+$0x70];
	v5 =	vadd.s32 v5, v44;
	v44 =	vmovc v13  }
0x291: {  	s19 =	sadd.s32 $0x8, s19;
	v19 =	vmovc v28;
	v0 =	vadd.s32 v0, v43;
	v51 =	vadd.s32 v7, v41;
	v13 =	vld [tilespmem:s1+$0xFFFFFF30];
	s1 =	smov.u32 s6;
	s6 =	sadd.s32 $0x200, s6;
	v54 =	vadd.s32 v30, v44  }
0x292: {  	v36 =	vld [tilespmem:$0x1FF60]  }
0x293: {  	v22 =	vld [tilespmem:$0x1FF50]  }
0x294: {  	v20 =	vld [tilespmem:$0x1FF40]  }
0x295: {  	v18 =	vld [tilespmem:$0x1FF30]  }
0x296: {  	v31 =	vld [tilespmem:$0x1FF90]  }
0x297: {  	v57 =	vld [tilespmem:$0x1FFA0];
	[tilespmem:v59+s23+$0x0] =	vst.idx.msk $0xffff, v8  }
0x298: {  	[tilespmem:v3+s23+$0x0] =	vst.idx.msk $0xffff, v14  }
0x299: {  	[tilespmem:v53+s23+$0x0] =	vst.idx.msk $0xffff, v49  }
0x29a: {  	[tilespmem:v11+s23+$0x0] =	vst.idx.msk $0xffff, v17  }
0x29b: {  	v21 =	vld [tilespmem:$0x1FFB0];
	_ =	sdelay $0x1  }
0x29c: {  	v7 =	vld [tilespmem:s1+$0xD0]  }
0x29d: {  	[tilespmem:v16+s23+$0x0] =	vst.idx.msk $0xffff, v62  }
0x29e: {  	[tilespmem:v55+s23+$0x0] =	vst.idx.msk $0xffff, v48;
	v3 =	vadd.f32 v15, v33  }
0x29f: {  	[tilespmem:v0+s23+$0x0] =	vst.idx.msk $0xffff, v6;
	v2 =	vadd.f32 v2, v33;
	v59 =	vadd.s32 v21, v37  }
0x2a0: {  	v49 =	vld [tilespmem:s1+$0x50];
	[tilespmem:v9+s23+$0x0] =	vst.idx.msk $0xffff, v3;
	v37 =	vadd.f32 v12, v33  }
0x2a1: {  	[tilespmem:v60+s23+$0x0] =	vst.idx.msk $0xffff, v2;
	v7 =	vadd.f32 v7, v35  }
0x2a2: {  	[tilespmem:v10+s23+$0x0] =	vst.idx.msk $0xffff, v37  }
0x2a3: {  	v3 =	vld [tilespmem:s1+$0x90];
	[tilespmem:v56+s23+$0x0] =	vst.idx.msk $0xffff, v7  }
0x2a4: {  	[tilespmem:v59+s23+$0x0] =	vst.idx.msk $0xffff, v61  }
0x2a5: {  	v0 =	vadd.f32 v49, v35;
	v49 =	vld [tilespmem:$0x1FF10]  }
0x2a6: {  	v2 =	vld [tilespmem:s1+$0xFFFFFF10]  }
0x2a7: {  	v53 =	vld [tilespmem:s1+$0xFFFFFF60]  }
0x2a8: {  	v55 =	vld [tilespmem:s1+$0x20];
	v3 =	vadd.f32 v3, v35  }
0x2a9: {  	v56 =	vld [tilespmem:s1+$0xE0]  }
0x2aa: {  	v60 =	vadd.f32 v13, v33;
	[tilespmem:v58+s23+$0x0] =	vst.idx.msk $0xffff, v3;
	v3 =	vld [tilespmem:s1+$0xFFFFFFE0];
	v59 =	vadd.s32 v49, v40  }
0x2ab: {  	[tilespmem:v47+s23+$0x0] =	vst.idx.msk $0xffff, v0;
	v0 =	vadd.f32 v2, v35  }
0x2ac: {  	[tilespmem:v5+s23+$0x0] =	vst.idx.msk $0xffff, v60;
	v2 =	vadd.f32 v53, v34  }
0x2ad: {  	v8 =	vadd.f32 v55, v34;
	[tilespmem:v54+s23+$0x0] =	vst.idx.msk $0xffff, v0  }
0x2ae: {  	v35 =	vld [tilespmem:s1+$0xFFFFFFA0];
	[tilespmem:v63+s23+$0x0] =	vst.idx.msk $0xffff, v2;
	v2 =	vadd.f32 v56, v34  }
0x2af: {  	v61 =	vld [tilespmem:s1+$0xA0];
	v3 =	vadd.f32 v3, v34;
	[tilespmem:v59+s23+$0x0] =	vst.idx.msk $0xffff, v8  }
0x2b0: {  	v7 =	vld [tilespmem:$0x1FFC0];
	[tilespmem:v52+s23+$0x0] =	vst.idx.msk $0xffff, v2  }
0x2b1: {  	v62 =	vld [tilespmem:s1+$0x60];
	[tilespmem:v46+s23+$0x0] =	vst.idx.msk $0xffff, v3  }
0x2b2: {  	v16 =	vld [tilespmem:$0x1FE50]  }
0x2b3: {  	v0 =	vld [tilespmem:s1+$0xFFFFFF20]  }
0x2b4: {  	v37 =	vld [tilespmem:s1+$0xFFFFFF70]  }
0x2b5: {  	v47 =	vadd.f32 v61, v34;
	v8 =	vld [tilespmem:s1+$0x30];
	v14 =	vmov v7;
	v7 =	vadd.s32 v7, v44  }
0x2b6: {  	v2 =	vadd.f32 v62, v34  }
0x2b7: {  	v48 =	vadd.f32 v35, v34;
	v3 =	vld [tilespmem:s1+$0xF0];
	[tilespmem:v51+s23+$0x0] =	vst.idx.msk $0xffff, v47;
	v52 =	vadd.s32 v16, v40  }
0x2b8: {  	v0 =	vadd.f32 v0, v34;
	v25 =	vld [tilespmem:$0x1FF00];
	[tilespmem:v50+s23+$0x0] =	vst.idx.msk $0xffff, v2  }
0x2b9: {  	v55 =	vadd.f32 v37, v33;
	v2 =	vld [tilespmem:s1+$0xB0];
	[tilespmem:v4+s23+$0x0] =	vst.idx.msk $0xffff, v48  }
0x2ba: {  	v23 =	vld [tilespmem:$0x1FE30];
	v8 =	vadd.f32 v8, v33;
	[tilespmem:v7+s23+$0x0] =	vst.idx.msk $0xffff, v0  }
0x2bb: {  	v17 =	vld [tilespmem:$0x1FE90];
	[tilespmem:v38+s23+$0x0] =	vst.idx.msk $0xffff, v55  }
0x2bc: {  	v12 =	vld [tilespmem:s1+$0xFFFFFFB0];
	[tilespmem:v52+s23+$0x0] =	vst.idx.msk $0xffff, v8  }
0x2bd: {  	v28 =	vmov v30;
	v54 =	vadd.s32 v25, v45;
	v30 =	vld [tilespmem:$0x1FE10]  }
0x2be: {  	v13 =	vadd.s32 v24, v41;
	v53 =	vld [tilespmem:s1+$0xFFFFFFF0]  }
0x2bf: {  	v61 =	vadd.s32 v21, v39;
	v58 =	vld [tilespmem:s1+$0x70]  }
0x2c0: {  	v3 =	vadd.f32 v3, v33;
	v56 =	vadd.s32 v23, v43;
	v59 =	vld [tilespmem:s1+$0xFFFFFF30]  }
0x2c1: {  	v2 =	vadd.f32 v2, v33;
	v0 =	vadd.s32 v17, v42  }
0x2c2: {  	v63 =	vadd.f32 v12, v33;
	[tilespmem:v54+s23+$0x0] =	vst.idx.msk $0xffff, v3;
	v62 =	vadd.s32 v30, v44  }
0x2c3: {  	v60 =	vadd.f32 v53, v33;
	[tilespmem:v13+s23+$0x0] =	vst.idx.msk $0xffff, v2  }
0x2c4: {  	s0 =	sshll.u32 s0, $0x12;
	v3 =	vadd.f32 v58, v33;
	[tilespmem:v61+s23+$0x0] =	vst.idx.msk $0xffff, v63  }
0x2c5: {  	s0 =	sor.u32 s7, s0;
	[tilespmem:v56+s23+$0x0] =	vst.idx.msk $0xffff, v60;
	v2 =	vadd.f32 v59, v33  }
0x2c6: {  	s0 =	sshrl.u32 s0, $0x3;
	[tilespmem:v0+s23+$0x0] =	vst.idx.msk $0xffff, v3  }
0x2c7: {  	s1 =	sadd.s32 s2, s0;
	[tilespmem:v62+s23+$0x0] =	vst.idx.msk $0xffff, v2  }
0x2c8: {  	[hbm4b:s1+s3] =	stream.linear.scatter [tilespmem:s23], [sflag:$0x4], $0x80, $0x38;
	[tilespmem:$0x12680] =	vst v63  }
0x2c9: {  	s15 =	simm.s32 $0x10508;
	s6 =	sadd.s32 $0x10, s1  }
0x2ca: {  	[hbm4b:s6+s3] =	stream.linear.scatter [tilespmem:s15], [sflag:$0x4], $0x80, $0x38;
	[tilespmem:$0x12680] =	vst v63  }
0x2cb: {  	s19 =	simm.s32 $0x10590;
	s18 =	sadd.s32 $0x20, s1  }
0x2cc: {  	[hbm4b:s18+s3] =	stream.linear.scatter [tilespmem:s19], [sflag:$0x4], $0x80, $0x38;
	[tilespmem:$0x12680] =	vst v63  }
0x2cd: {  	s25 =	simm.s32 $0x10618;
	s24 =	sadd.s32 $0x30, s1  }
0x2ce: {  	[hbm4b:s24+s3] =	stream.linear.scatter [tilespmem:s25], [sflag:$0x4], $0x80, $0x38;
	[tilespmem:$0x12680] =	vst v63  }
0x2cf: {  	s16 =	simm.s32 $0x106A0;
	s15 =	sadd.s32 $0x40, s1  }
0x2d0: {  	[hbm4b:s15+s3] =	stream.linear.scatter [tilespmem:s16], [sflag:$0x4], $0x80, $0x38;
	[tilespmem:$0x12680] =	vst v63  }
0x2d1: {  	s17 =	sadd.s32 $0x50, s1;
	s18 =	simm.s32 $0x10728  }
0x2d2: {  	[hbm4b:s17+s3] =	stream.linear.scatter [tilespmem:s18], [sflag:$0x4], $0x80, $0x38;
	[tilespmem:$0x12680] =	vst v63  }
0x2d3: {  	s19 =	sadd.s32 $0x60, s1;
	s24 =	simm.s32 $0x107B0  }
0x2d4: {  	[hbm4b:s19+s3] =	stream.linear.scatter [tilespmem:s24], [sflag:$0x4], $0x80, $0x38;
	[tilespmem:$0x12680] =	vst v63  }
0x2d5: {  	s1 =	sadd.s32 $0x70, s1;
	s25 =	simm.s32 $0x10838  }
0x2d6: {  	[hbm4b:s1+s3] =	stream.linear.scatter [tilespmem:s25], [sflag:$0x4], $0x80, $0x38;
	[tilespmem:$0x12680] =	vst v63  }
0x2d7: {  	s15 =	simm.s32 $0x108C0;
	s1 =	sadd.s32 s0, s8  }
0x2d8: {  	[hbm4b:s1+s3] =	stream.linear.scatter [tilespmem:s15], [sflag:$0x4], $0x80, $0x38;
	[tilespmem:$0x12680] =	vst v63  }
0x2d9: {  	s17 =	simm.s32 $0x10948;
	s16 =	sadd.s32 $0x10, s1  }
0x2da: {  	[hbm4b:s16+s3] =	stream.linear.scatter [tilespmem:s17], [sflag:$0x4], $0x80, $0x38;
	[tilespmem:$0x12680] =	vst v63  }
0x2db: {  	s19 =	simm.s32 $0x109D0;
	s18 =	sadd.s32 $0x20, s1  }
0x2dc: {  	[hbm4b:s18+s3] =	stream.linear.scatter [tilespmem:s19], [sflag:$0x4], $0x80, $0x38;
	[tilespmem:$0x12680] =	vst v63  }
0x2dd: {  	s25 =	simm.s32 $0x10A58;
	s24 =	sadd.s32 $0x30, s1  }
0x2de: {  	[hbm4b:s24+s3] =	stream.linear.scatter [tilespmem:s25], [sflag:$0x4], $0x80, $0x38;
	[tilespmem:$0x12680] =	vst v63  }
0x2df: {  	s15 =	sadd.s32 $0x40, s1;
	s16 =	simm.s32 $0x10AE0  }
0x2e0: {  	[hbm4b:s15+s3] =	stream.linear.scatter [tilespmem:s16], [sflag:$0x4], $0x80, $0x38;
	[tilespmem:$0x12680] =	vst v63  }
0x2e1: {  	s17 =	sadd.s32 $0x50, s1;
	s18 =	simm.s32 $0x10B68  }
0x2e2: {  	[hbm4b:s17+s3] =	stream.linear.scatter [tilespmem:s18], [sflag:$0x4], $0x80, $0x38;
	[tilespmem:$0x12680] =	vst v63  }
0x2e3: {  	s19 =	sadd.s32 $0x60, s1;
	s24 =	simm.s32 $0x10BF0  }
0x2e4: {  	[hbm4b:s19+s3] =	stream.linear.scatter [tilespmem:s24], [sflag:$0x4], $0x80, $0x38;
	[tilespmem:$0x12680] =	vst v63  }
0x2e5: {  	s1 =	sadd.s32 $0x70, s1;
	s25 =	simm.s32 $0x10C78  }
0x2e6: {  	[hbm4b:s1+s3] =	stream.linear.scatter [tilespmem:s25], [sflag:$0x4], $0x80, $0x38;
	[tilespmem:$0x12680] =	vst v63  }
0x2e7: {  	s15 =	simm.s32 $0x10D00;
	s1 =	sadd.s32 s0, s9  }
0x2e8: {  	[hbm4b:s1+s3] =	stream.linear.scatter [tilespmem:s15], [sflag:$0x4], $0x80, $0x38;
	[tilespmem:$0x12680] =	vst v63  }
0x2e9: {  	s17 =	simm.s32 $0x10D88;
	s16 =	sadd.s32 $0x10, s1  }
0x2ea: {  	[hbm4b:s16+s3] =	stream.linear.scatter [tilespmem:s17], [sflag:$0x4], $0x80, $0x38;
	[tilespmem:$0x12680] =	vst v63  }
0x2eb: {  	s19 =	simm.s32 $0x10E10;
	s18 =	sadd.s32 $0x20, s1  }
0x2ec: {  	[hbm4b:s18+s3] =	stream.linear.scatter [tilespmem:s19], [sflag:$0x4], $0x80, $0x38;
	[tilespmem:$0x12680] =	vst v63  }
0x2ed: {  	s25 =	simm.s32 $0x10E98;
	s24 =	sadd.s32 $0x30, s1  }
0x2ee: {  	[hbm4b:s24+s3] =	stream.linear.scatter [tilespmem:s25], [sflag:$0x4], $0x80, $0x38;
	[tilespmem:$0x12680] =	vst v63  }
0x2ef: {  	s15 =	sadd.s32 $0x40, s1;
	s16 =	simm.s32 $0x10F20  }
0x2f0: {  	[hbm4b:s15+s3] =	stream.linear.scatter [tilespmem:s16], [sflag:$0x4], $0x80, $0x38;
	[tilespmem:$0x12680] =	vst v63  }
0x2f1: {  	s17 =	sadd.s32 $0x50, s1;
	s18 =	simm.s32 $0x10FA8  }
0x2f2: {  	[hbm4b:s17+s3] =	stream.linear.scatter [tilespmem:s18], [sflag:$0x4], $0x80, $0x38;
	[tilespmem:$0x12680] =	vst v63  }
0x2f3: {  	s19 =	sadd.s32 $0x60, s1;
	s24 =	simm.s32 $0x11030  }
0x2f4: {  	[hbm4b:s19+s3] =	stream.linear.scatter [tilespmem:s24], [sflag:$0x4], $0x80, $0x38;
	[tilespmem:$0x12680] =	vst v63  }
0x2f5: {  	s1 =	sadd.s32 $0x70, s1;
	s25 =	simm.s32 $0x110B8  }
0x2f6: {  	[hbm4b:s1+s3] =	stream.linear.scatter [tilespmem:s25], [sflag:$0x4], $0x80, $0x38;
	[tilespmem:$0x12680] =	vst v63  }
0x2f7: {  	s15 =	simm.s32 $0x11140;
	s1 =	sadd.s32 s0, s10  }
0x2f8: {  	[hbm4b:s1+s3] =	stream.linear.scatter [tilespmem:s15], [sflag:$0x4], $0x80, $0x38;
	[tilespmem:$0x12680] =	vst v63  }
0x2f9: {  	s17 =	simm.s32 $0x111C8;
	s16 =	sadd.s32 $0x10, s1  }
0x2fa: {  	[hbm4b:s16+s3] =	stream.linear.scatter [tilespmem:s17], [sflag:$0x4], $0x80, $0x38;
	[tilespmem:$0x12680] =	vst v63  }
0x2fb: {  	s19 =	simm.s32 $0x11250;
	s18 =	sadd.s32 $0x20, s1  }
0x2fc: {  	[hbm4b:s18+s3] =	stream.linear.scatter [tilespmem:s19], [sflag:$0x4], $0x80, $0x38;
	[tilespmem:$0x12680] =	vst v63  }
0x2fd: {  	s25 =	simm.s32 $0x112D8;
	s24 =	sadd.s32 $0x30, s1  }
0x2fe: {  	[hbm4b:s24+s3] =	stream.linear.scatter [tilespmem:s25], [sflag:$0x4], $0x80, $0x38;
	[tilespmem:$0x12680] =	vst v63  }
0x2ff: {  	s15 =	sadd.s32 $0x40, s1;
	s16 =	simm.s32 $0x11360  }
0x300: {  	[hbm4b:s15+s3] =	stream.linear.scatter [tilespmem:s16], [sflag:$0x4], $0x80, $0x38;
	[tilespmem:$0x12680] =	vst v63  }
0x301: {  	s17 =	sadd.s32 $0x50, s1;
	s18 =	simm.s32 $0x113E8  }
0x302: {  	[hbm4b:s17+s3] =	stream.linear.scatter [tilespmem:s18], [sflag:$0x4], $0x80, $0x38;
	[tilespmem:$0x12680] =	vst v63  }
0x303: {  	s19 =	sadd.s32 $0x60, s1;
	s24 =	simm.s32 $0x11470  }
0x304: {  	[hbm4b:s19+s3] =	stream.linear.scatter [tilespmem:s24], [sflag:$0x4], $0x80, $0x38;
	[tilespmem:$0x12680] =	vst v63  }
0x305: {  	s1 =	sadd.s32 $0x70, s1;
	s25 =	simm.s32 $0x114F8  }
0x306: {  	[hbm4b:s1+s3] =	stream.linear.scatter [tilespmem:s25], [sflag:$0x4], $0x80, $0x38;
	[tilespmem:$0x12680] =	vst v63  }
0x307: {  	s15 =	simm.s32 $0x11580;
	s1 =	sadd.s32 s0, s11  }
0x308: {  	[hbm4b:s1+s3] =	stream.linear.scatter [tilespmem:s15], [sflag:$0x4], $0x80, $0x38;
	[tilespmem:$0x12680] =	vst v63  }
0x309: {  	s17 =	simm.s32 $0x11608;
	s16 =	sadd.s32 $0x10, s1  }
0x30a: {  	[hbm4b:s16+s3] =	stream.linear.scatter [tilespmem:s17], [sflag:$0x4], $0x80, $0x38;
	[tilespmem:$0x12680] =	vst v63  }
0x30b: {  	s19 =	simm.s32 $0x11690;
	s18 =	sadd.s32 $0x20, s1  }
0x30c: {  	[hbm4b:s18+s3] =	stream.linear.scatter [tilespmem:s19], [sflag:$0x4], $0x80, $0x38;
	[tilespmem:$0x12680] =	vst v63  }
0x30d: {  	s25 =	simm.s32 $0x11718;
	s24 =	sadd.s32 $0x30, s1  }
0x30e: {  	[hbm4b:s24+s3] =	stream.linear.scatter [tilespmem:s25], [sflag:$0x4], $0x80, $0x38;
	[tilespmem:$0x12680] =	vst v63  }
0x30f: {  	s15 =	sadd.s32 $0x40, s1;
	s16 =	simm.s32 $0x117A0  }
0x310: {  	[hbm4b:s15+s3] =	stream.linear.scatter [tilespmem:s16], [sflag:$0x4], $0x80, $0x38;
	[tilespmem:$0x12680] =	vst v63  }
0x311: {  	s17 =	sadd.s32 $0x50, s1;
	s18 =	simm.s32 $0x11828  }
0x312: {  	[hbm4b:s17+s3] =	stream.linear.scatter [tilespmem:s18], [sflag:$0x4], $0x80, $0x38;
	[tilespmem:$0x12680] =	vst v63  }
0x313: {  	s19 =	sadd.s32 $0x60, s1;
	s24 =	simm.s32 $0x118B0  }
0x314: {  	[hbm4b:s19+s3] =	stream.linear.scatter [tilespmem:s24], [sflag:$0x4], $0x80, $0x38;
	[tilespmem:$0x12680] =	vst v63  }
0x315: {  	s1 =	sadd.s32 $0x70, s1;
	s25 =	simm.s32 $0x11938  }
0x316: {  	[hbm4b:s1+s3] =	stream.linear.scatter [tilespmem:s25], [sflag:$0x4], $0x80, $0x38;
	[tilespmem:$0x12680] =	vst v63  }
0x317: {  	s15 =	simm.s32 $0x119C0;
	s1 =	sadd.s32 s0, s12  }
0x318: {  	[hbm4b:s1+s3] =	stream.linear.scatter [tilespmem:s15], [sflag:$0x4], $0x80, $0x38;
	[tilespmem:$0x12680] =	vst v63  }
0x319: {  	s17 =	simm.s32 $0x11A48;
	s16 =	sadd.s32 $0x10, s1  }
0x31a: {  	[hbm4b:s16+s3] =	stream.linear.scatter [tilespmem:s17], [sflag:$0x4], $0x80, $0x38;
	[tilespmem:$0x12680] =	vst v63  }
0x31b: {  	s19 =	simm.s32 $0x11AD0;
	s18 =	sadd.s32 $0x20, s1  }
0x31c: {  	[hbm4b:s18+s3] =	stream.linear.scatter [tilespmem:s19], [sflag:$0x4], $0x80, $0x38;
	[tilespmem:$0x12680] =	vst v63  }
0x31d: {  	s25 =	simm.s32 $0x11B58;
	s24 =	sadd.s32 $0x30, s1  }
0x31e: {  	[hbm4b:s24+s3] =	stream.linear.scatter [tilespmem:s25], [sflag:$0x4], $0x80, $0x38;
	[tilespmem:$0x12680] =	vst v63  }
0x31f: {  	s15 =	sadd.s32 $0x40, s1;
	s16 =	simm.s32 $0x11BE0  }
0x320: {  	[hbm4b:s15+s3] =	stream.linear.scatter [tilespmem:s16], [sflag:$0x4], $0x80, $0x38;
	[tilespmem:$0x12680] =	vst v63  }
0x321: {  	s17 =	sadd.s32 $0x50, s1;
	s18 =	simm.s32 $0x11C68  }
0x322: {  	[hbm4b:s17+s3] =	stream.linear.scatter [tilespmem:s18], [sflag:$0x4], $0x80, $0x38;
	[tilespmem:$0x12680] =	vst v63  }
0x323: {  	s19 =	sadd.s32 $0x60, s1;
	s24 =	simm.s32 $0x11CF0  }
0x324: {  	[hbm4b:s19+s3] =	stream.linear.scatter [tilespmem:s24], [sflag:$0x4], $0x80, $0x38;
	[tilespmem:$0x12680] =	vst v63  }
0x325: {  	s1 =	sadd.s32 $0x70, s1;
	s25 =	simm.s32 $0x11D78  }
0x326: {  	[hbm4b:s1+s3] =	stream.linear.scatter [tilespmem:s25], [sflag:$0x4], $0x80, $0x38;
	[tilespmem:$0x12680] =	vst v63  }
0x327: {  	s15 =	simm.s32 $0x11E00;
	s1 =	sadd.s32 s0, s13  }
0x328: {  	[hbm4b:s1+s3] =	stream.linear.scatter [tilespmem:s15], [sflag:$0x4], $0x80, $0x38;
	[tilespmem:$0x12680] =	vst v63  }
0x329: {  	s17 =	simm.s32 $0x11E88;
	s16 =	sadd.s32 $0x10, s1  }
0x32a: {  	[hbm4b:s16+s3] =	stream.linear.scatter [tilespmem:s17], [sflag:$0x4], $0x80, $0x38;
	[tilespmem:$0x12680] =	vst v63  }
0x32b: {  	s19 =	simm.s32 $0x11F10;
	s18 =	sadd.s32 $0x20, s1  }
0x32c: {  	[hbm4b:s18+s3] =	stream.linear.scatter [tilespmem:s19], [sflag:$0x4], $0x80, $0x38;
	[tilespmem:$0x12680] =	vst v63  }
0x32d: {  	s25 =	simm.s32 $0x11F98;
	s24 =	sadd.s32 $0x30, s1  }
0x32e: {  	[hbm4b:s24+s3] =	stream.linear.scatter [tilespmem:s25], [sflag:$0x4], $0x80, $0x38;
	[tilespmem:$0x12680] =	vst v63  }
0x32f: {  	s16 =	sadd.s32 $0x40, s1;
	s17 =	simm.s32 $0x12020  }
0x330: {  	[hbm4b:s16+s3] =	stream.linear.scatter [tilespmem:s17], [sflag:$0x4], $0x80, $0x38;
	[tilespmem:$0x12680] =	vst v63  }
0x331: {  	s18 =	sadd.s32 $0x50, s1;
	s19 =	simm.s32 $0x120A8  }
0x332: {  	[hbm4b:s18+s3] =	stream.linear.scatter [tilespmem:s19], [sflag:$0x4], $0x80, $0x38;
	[tilespmem:$0x12680] =	vst v63  }
0x333: {  	s24 =	sadd.s32 $0x60, s1;
	s25 =	simm.s32 $0x12130  }
0x334: {  	[hbm4b:s24+s3] =	stream.linear.scatter [tilespmem:s25], [sflag:$0x4], $0x80, $0x38;
	[tilespmem:$0x12680] =	vst v63  }
0x335: {  	s1 =	sadd.s32 $0x70, s1;
	s16 =	simm.s32 $0x121B8  }
0x336: {  	[hbm4b:s1+s3] =	stream.linear.scatter [tilespmem:s16], [sflag:$0x4], $0x80, $0x38;
	[tilespmem:$0x12680] =	vst v63  }
0x337: {  	s0 =	sadd.s32 s0, s14;
	s17 =	simm.s32 $0x12240  }
0x338: {  	[hbm4b:s0+s3] =	stream.linear.scatter [tilespmem:s17], [sflag:$0x4], $0x80, $0x38;
	[tilespmem:$0x12680] =	vst v63  }
0x339: {  	s18 =	sadd.s32 $0x10, s0;
	s19 =	simm.s32 $0x122C8  }
0x33a: {  	[hbm4b:s18+s3] =	stream.linear.scatter [tilespmem:s19], [sflag:$0x4], $0x80, $0x38;
	[tilespmem:$0x12680] =	vst v63  }
0x33b: {  	s24 =	sadd.s32 $0x20, s0;
	s25 =	simm.s32 $0x12350  }
0x33c: {  	[hbm4b:s24+s3] =	stream.linear.scatter [tilespmem:s25], [sflag:$0x4], $0x80, $0x38;
	[tilespmem:$0x12680] =	vst v63  }
0x33d: {  	s15 =	sadd.s32 $0x30, s0;
	s16 =	simm.s32 $0x123D8  }
0x33e: {  	[hbm4b:s15+s3] =	stream.linear.scatter [tilespmem:s16], [sflag:$0x4], $0x80, $0x38;
	[tilespmem:$0x12680] =	vst v63  }
0x33f: {  	s17 =	sadd.s32 $0x40, s0;
	s18 =	simm.s32 $0x12460  }
0x340: {  	[hbm4b:s17+s3] =	stream.linear.scatter [tilespmem:s18], [sflag:$0x4], $0x80, $0x38;
	[tilespmem:$0x12680] =	vst v63  }
0x341: {  	s19 =	sadd.s32 $0x50, s0;
	s24 =	simm.s32 $0x124E8  }
0x342: {  	[hbm4b:s19+s3] =	stream.linear.scatter [tilespmem:s24], [sflag:$0x4], $0x80, $0x38;
	[tilespmem:$0x12680] =	vst v63  }
.Ltmp5:
0x343: {  	_ = 	snop;
	(pc) =	sbr.rel @p1 .LBB2_10-.Ltmp5, $4  }
0x344: {  	s25 =	sadd.s32 $0x60, s0  }
0x345: {  	[hbm4b:s25+s3] =	stream.linear.scatter [tilespmem:s28], [sflag:$0x4], $0x80, $0x38;
	[tilespmem:$0x12680] =	vst v63  }
0x346: {  	s0 =	sadd.s32 $0x70, s0  }
0x347: {  	[hbm4b:s0+s3] =	stream.linear.scatter [tilespmem:s29], [sflag:$0x4], $0x80, $0x38;
	[tilespmem:$0x12680] =	vst v63  }
0x348: {  	v63 =	vld [tilespmem:$0x1FF20]  }
0x349: {  	v30 =	vmov v32;
	v32 =	vld [tilespmem:$0x1FE40]  }
0x34a: {  	v5 =	vld [tilespmem:$0x1FE60]  }
0x34b: {  	v38 =	vld [tilespmem:$0x1FE70]  }
0x34c: {  	v23 =	vmov v29;
	v29 =	vld [tilespmem:$0x1FE80]  }
0x34d: {  	v39 =	vld [tilespmem:$0x1FEA0]  }
.Ltmp6:
0x34e: {  	v40 =	vld [tilespmem:$0x1FEB0];
	(pc) =	sbr.rel .LBB2_4-.Ltmp6, $4  }
0x34f: {  	s0 =	sshll.u32 s31, $0x8;
	v51 =	vld [tilespmem:$0x1FEC0]  }
0x350: {  	v25 =	vmov v26;
	v26 =	vld [tilespmem:$0x1FED0];
	s0 =	sand.u32 $0x3FFFFF00, s0  }
0x351: {  	s1 =	simm.s32 $0xC280;
	s31 =	sadd.s32 $0x1, s31;
	v45 =	vld [tilespmem:$0x1FEE0];
	s0 =	sadd.s32 $0x180, s0  }
0x352: {  	v53 =	vmovc v14;
	v62 =	vmov v57;
	v24 =	vmov v27;
	v61 =	vmov v36;
	v48 =	vld [tilespmem:$0x1FEF0];
	[tilespmem:s1], [sflag:$0x2] =	stream.indirect.gather [hbm4b:s5+s26], $0x40, s0, s26, $0xb8  }
.LBB2_11:
0x353: {  	_ =	sfence.sel $0x180000  }
0x354: {  	[bflag:$0x0] =	sbarrier.arrive $0xFFFF  }
0x355: {  	_ =	strace $0x90000047  }
0x356: {  	s0 =	stileid.u32;
	[bflag:$0x2] =	sbarrier.arrive $0xFFFF  }
0x357: {  	p0 =	sne.s32 s0, $0x0;
	s0 =	rddreg [dreg:$0x2]  }
0x358: {  	s0 =	sadd.s32 @!p0 $0x100000, s0  }
0x359: {  	[sflag:s0] =	ssyncadd.tile.s32 @!p0 $0x1;
	_ =	shalt  }
.Lfunc_end2:
_tile_overlayer_lowered:
.L_overlay_start_2:
0x35a: {  	(tag) =	ssettag $0x2  }
0x35b: {  	s0 =	rddreg [dreg:$0x0];
	s2 =	stileid.u32  }
0x35c: {  	s1 =	rddreg [dreg:$0x1];
	p0 =	sne.s32 s2, $0x0  }
0x35d: {  	s3 =	rddreg [dreg:$0x2];
	[bflag:$0x3] =	sbarrier.arrive $0xFFFF;
	s2 =	simm.s32 @!p0 $0x1C05  }
0x35e: {  	[timem:s3], [sflag:s2] =	dma.local @!p0 [hbm:s0], s1  }
0x35f: {  	s0 =	simm.s32 @!p0 $0x5  }
0x360: {  	_ =	swait.ge @!p0 [sflag:s0], s1  }
0x361: {  	s1 =	ssub.s32 @!p0 $0x0, s1;
	[sflag:s0] =	ssyncset.done @!p0 $0x0  }
0x362: {  	[sflag:s0] =	ssyncadd.s32 @!p0 s1  }
0x363: {  	[bflag:$0x3] =	sbarrier.arrive $0xFFFF  }
0x364: {  	_ =	shalt  }

</sc_bundles>
